<compile_context>
chip_gen: v7x
topology: tpu7x:2x2x1
jax: 0.10.2.dev20260603
libtpu: 0.0.44.dev20260713+nightly
codegen_flags: <defaults>
</compile_context>

<pallas_src>
import numpy as np
import jax
import jax.numpy as jnp
from jax import lax
from jax.experimental import pallas as pl
from jax.experimental.pallas import tpu as pltpu
from jax.experimental.pallas import tpu_sc as plsc

B = 4
NPTS = 70000
H = 28
W = 50
NVIEW = 24
SX = 1.0 / 16
SY = 1.0 / 16
WIN = 2800
WPV = NPTS // WIN
GRID = 1408
EPS = 1e-6
SENT_I = 0x7FC00001

_GDN = lax.GatherDimensionNumbers(
    offset_dims=(), collapsed_slice_dims=(0,), start_index_map=(0,))


def _gather16(vec, idx):
    return lax.gather(vec, idx[:, None], _GDN, (1,),
                      mode=lax.GatherScatterMode.PROMISE_IN_BOUNDS)


def _bf16_round(x):
    i = plsc.bitcast(x, jnp.int32)
    r = (i + 0x7FFF + ((i >> 16) & 1)) & jnp.int32(-65536)
    return plsc.bitcast(r, jnp.float32)


def _schedule():
    merge = [[] for _ in range(NVIEW)]
    for s in range(32):
        w0 = 19 * s - max(s - 24, 0)
        cnt = 19 if s < 24 else 18
        views = []
        for wi in range(w0, w0 + cnt):
            v = wi // WPV
            if v not in views:
                views.append(v)
        for part, v in enumerate(views):
            merge[v].append((max(w0, WPV * v), s, part))
    for v in range(NVIEW):
        merge[v].sort()
    return [[(s, p) for (_, s, p) in merge[v]] for v in range(NVIEW)]


_MERGE = _schedule()


def _sc_body(pts_hbm, mats_hbm, out_hbm, pbuf0, pbuf1, mrow, dgrid, igrid,
             dsem0, dsem1):
    nc = 2
    wid = lax.axis_index("s") * nc + lax.axis_index("c")
    w0 = 19 * wid - jnp.maximum(wid - 24, 0)
    cnt = jnp.where(wid < 24, 19, 18)
    sent = plsc.bitcast(jnp.full((16,), SENT_I, jnp.int32), jnp.float32)
    bufs = (pbuf0, pbuf1)
    sems = (dsem0, dsem1)

    def issue(slot, b, base):
        for f in range(4):
            pltpu.async_copy(pts_hbm.at[b * 4 + f, pl.ds(base, WIN)],
                             bufs[slot].at[f], sems[slot])

    def drain(slot, b, base):
        for f in range(4):
            pltpu.make_async_copy(pts_hbm.at[b * 4 + f, pl.ds(base, WIN)],
                                  bufs[slot].at[f], sems[slot]).wait()

    def init_grids():
        def zi(i, carry):
            dgrid[pl.ds(i * 16, 16)] = sent
            igrid[pl.ds(i * 16, 16)] = sent
            return carry
        lax.fori_loop(0, GRID // 16, zi, 0)

    def flush(part):
        pltpu.sync_copy(dgrid, out_hbm.at[wid, part, 0])
        pltpu.sync_copy(igrid, out_hbm.at[wid, part, 1])

    def win_body(idx, carry):
        prev_v, part = carry
        wi = w0 + idx
        v = wi // WPV
        b = v // 6
        base = (wi % WPV) * WIN
        switch = v != prev_v
        flush_now = switch & (prev_v >= 0)

        @pl.when(flush_now)
        def _():
            flush(part)

        part = jnp.where(flush_now, part + 1, part)

        nidx = idx + 1
        has_next = nidx < cnt
        nwi = w0 + nidx
        nv2 = nwi // WPV
        nb = jnp.where(has_next, nv2 // 6, 0)
        nbase = jnp.where(has_next, (nwi % WPV) * WIN, 0)

        @pl.when(switch)
        def _():
            init_grids()
            pltpu.sync_copy(mats_hbm.at[v], mrow)

        mv0 = mrow[pl.ds(0, 16)]
        mv1 = mrow[pl.ds(16, 16)]

        def bc(vec, j):
            return _gather16(vec, jnp.full((16,), j, jnp.int32))

        a = [bc(mv0, j) for j in range(16)]
        g = [bc(mv1, j) for j in range(13)]
        va = a[0:12]
        pr = a[12:16] + g[0:8]
        cr = g[8:12]
        cmax = g[12]

        def point_iter_for(slot):
          buf = bufs[slot]

          def point_iter(i, carry2):
            o = i * 16
            px = buf[0, pl.ds(o, 16)]
            py = buf[1, pl.ds(o, 16)]
            pz = buf[2, pl.ds(o, 16)]
            il = buf[3, pl.ds(o, 16)]
            q0 = _bf16_round((va[0] * px + va[1] * py) + (va[2] * pz + va[3]))
            q1 = _bf16_round((va[4] * px + va[5] * py) + (va[6] * pz + va[7]))
            q2 = _bf16_round((va[8] * px + va[9] * py) + (va[10] * pz + va[11]))
            u = (pr[0] * q0 + pr[1] * q1) + (pr[2] * q2 + pr[3])
            vv = (pr[4] * q0 + pr[5] * q1) + (pr[6] * q2 + pr[7])
            w = (pr[8] * q0 + pr[9] * q1) + (pr[10] * q2 + pr[11])
            z = (cr[0] * q0 + cr[1] * q1) + (cr[2] * q2 + cr[3])
            wn = jnp.maximum(w, EPS)
            x = u / wn
            y = vv / wn
            valid = ((x > -0.5) & (x < W - 0.5)
                     & (y > -0.5) & (y < H - 0.5) & (z > 0.0))
            wc = jnp.minimum(jnp.maximum(w, 0.0), cmax)
            depth = jnp.where(valid, wc, 0.0)
            ilv = jnp.where(valid,
                            jnp.minimum(jnp.maximum(il, 0.0), 255.0), 0.0)
            ym = jnp.minimum(jnp.maximum(y, 0.0), H - 1.0).astype(jnp.int32)
            xm = jnp.minimum(jnp.maximum(x, 0.0), W - 1.0).astype(jnp.int32)
            c = ym * W + xm
            plsc.store_scatter(dgrid, [c], depth)
            plsc.store_scatter(igrid, [c], ilv)
            return carry2

          return point_iter

        def run_slot(slot):
            drain(slot, b, base)

            @pl.when(has_next)
            def _():
                issue(1 - slot, nb, nbase)

            lax.fori_loop(0, WIN // 16, point_iter_for(slot), 0)

        parity = lax.rem(idx, 2)

        @pl.when(parity == 0)
        def _():
            run_slot(0)

        @pl.when(parity == 1)
        def _():
            run_slot(1)

        return (v, part)

    v0 = w0 // WPV
    issue(0, v0 // 6, (w0 % WPV) * WIN)
    prev_v, part = lax.fori_loop(0, cnt, win_body,
                                 (jnp.int32(-1), jnp.int32(0)))
    flush(part)


@jax.jit
def _sc_call(pts_t, mats):
    mesh = plsc.VectorSubcoreMesh(core_axis_name="c", subcore_axis_name="s")
    return pl.kernel(
        _sc_body,
        mesh=mesh,
        compiler_params=pltpu.CompilerParams(use_tc_tiling_on_sc=False,
                                             needs_layout_passes=False),
        out_type=jax.ShapeDtypeStruct((32, 2, 2, GRID), jnp.float32),
        scratch_types=[
            pltpu.VMEM((4, WIN), jnp.float32),
            pltpu.VMEM((4, WIN), jnp.float32),
            pltpu.VMEM((32,), jnp.float32),
            pltpu.VMEM((GRID,), jnp.float32),
            pltpu.VMEM((GRID,), jnp.float32),
            pltpu.SemaphoreType.DMA,
            pltpu.SemaphoreType.DMA,
        ],
    )(pts_t, mats)


def _epi_body(raw_ref, hb_ref, out_ref):
    hb = hb_ref[0, 0]
    for v in range(NVIEW):
        accd = acci = None
        for (s, p) in _MERGE[v]:
            rd = (s * 2 + p) * 2
            d = raw_ref[pl.ds(rd, 1), :]
            i_ = raw_ref[pl.ds(rd + 1, 1), :]
            wr = lax.bitcast_convert_type(d, jnp.int32) != SENT_I
            if accd is None:
                accd = jnp.where(wr, d, 0.0)
                acci = jnp.where(wr, i_, 0.0)
            else:
                accd = jnp.where(wr, d, accd)
                acci = jnp.where(wr, i_, acci)
        out_ref[pl.ds(2 * v, 1), :] = accd[:, :H * W] / hb
        out_ref[pl.ds(2 * v + 1, 1), :] = (
            jnp.log(acci[:, :H * W] + 1.0) / np.log(256.0))


@jax.jit
def _epi_call(raw, hb):
    return pl.pallas_call(
        _epi_body,
        out_shape=jax.ShapeDtypeStruct((2 * NVIEW, H * W), jnp.float32),
        in_specs=[
            pl.BlockSpec(memory_space=pltpu.VMEM),
            pl.BlockSpec(memory_space=pltpu.SMEM),
        ],
        out_specs=pl.BlockSpec(memory_space=pltpu.VMEM),
    )(raw, hb)


def kernel(pcloud_list, extrinsics, intrinsics, view, bev_size):
    f32 = jnp.float32
    pts = pcloud_list[1][:, 0, 0]
    pts_t = jnp.transpose(pts, (0, 2, 1)).reshape(4 * B, NPTS).astype(f32)
    rowf = jnp.arange(4 * B, dtype=jnp.int32) % 4
    ib = pts_t.view(jnp.int32)
    ib = (ib + 0x7FFF + ((ib >> 16) & 1)) & jnp.int32(-65536)
    pts_t = jnp.where((rowf == 3)[:, None], pts_t, ib.view(f32))

    view2 = view[:, 0, 0, :, :]
    vinv = jnp.linalg.inv(view2)
    intr = intrinsics.reshape(NVIEW, 3, 3)
    extrinsics_packed = extrinsics.reshape(NVIEW, 4, 4)
    K4 = jnp.tile(jnp.eye(4, dtype=intr.dtype)[None], (NVIEW, 1, 1))
    Ksc = intr.at[:, 0, :].multiply(SX).at[:, 1, :].multiply(SY)
    intr_scaled = K4.at[:, :3, :3].set(Ksc)
    r_transpose = jnp.swapaxes(extrinsics_packed[:, :3, :3], 1, 2)
    t_inv = -jnp.matmul(r_transpose, extrinsics_packed[:, :3, 3:4])
    extrinsic_inv = (extrinsics_packed.at[:, :3, :3].set(r_transpose)
                     .at[:, :3, 3:4].set(t_inv))
    pixel_from_car = jnp.matmul(intr_scaled, extrinsic_inv)

    bfr = lambda x: x.astype(jnp.bfloat16).astype(f32)
    vinv_b = bfr(jnp.repeat(vinv, 6, axis=0)[:, :3, :])
    pix_b = bfr(pixel_from_car[:, :3, :])
    cam_b = bfr(extrinsic_inv[:, 2, :])

    bev_side = bev_size[0].astype(f32)
    cmax = bev_side / 2 - 1
    tail = jnp.zeros((NVIEW, 4), f32).at[:, 0].set(cmax)
    mats = jnp.concatenate([vinv_b.reshape(NVIEW, 12),
                            pix_b.reshape(NVIEW, 12),
                            cam_b, tail], axis=1)

    raw = _sc_call(pts_t, mats)
    hb = (bev_side / 2).reshape(1, 1)
    out = _epi_call(raw.reshape(4 * 32, GRID), hb)
    return out.reshape(NVIEW, 2, H, W)

# --- scband reference (transcript-rebuilt; emitter-appended) ---
"""Pipeline reference for scband-lidar-targets-41850161332646 (READ-ONLY COPY).

The authoritative reference and input builder live on the scoring server;
editing this copy changes nothing except your own understanding.
"""

import jax, jax.numpy as jnp
import numpy as np

B = 4
S = 1
N = 6
NPTS = 70000
H = 28
W = 50
SX = 1.0 / 16
SY = 1.0 / 16


def apply_4x4(RT, xyz):
    ones = jnp.ones_like(xyz[..., :1])
    xyz1 = jnp.concatenate([xyz, ones], axis=-1)
    out = jnp.einsum('bij,bpj->bpi', RT, xyz1)
    return out[..., :3]


def scale_intrinsics(K, sx, sy):
    K = K.at[:, 0, :].multiply(sx)
    K = K.at[:, 1, :].multiply(sy)
    bsn = K.shape[0]
    K4 = jnp.tile(jnp.eye(4, dtype=K.dtype)[None], (bsn, 1, 1))
    K4 = K4.at[:, :3, :3].set(K)
    return K4


def setup_inputs(seed: int = 0):
    key = jax.random.key(seed)
    k1, k2, k3, k4, k5 = jax.random.split(key, 5)
    pcloud_list = jax.random.normal(k1, (2, B, 1, 1, NPTS, 4), dtype=jnp.float32)
    extrinsics = jax.random.normal(k2, (B, S, N, 4, 4), dtype=jnp.float32)
    intrinsics = jax.random.normal(k3, (B, S, N, 3, 3), dtype=jnp.float32)
    view = jax.random.normal(k4, (B, 1, 1, 4, 4), dtype=jnp.float32)
    bev_size = jax.random.randint(k5, (2,), 0, 200)
    return {"pcloud_list": pcloud_list, "extrinsics": extrinsics, "intrinsics": intrinsics, "view": view, "bev_size": bev_size}


def reference(pcloud_list, extrinsics, intrinsics, view, bev_size):
    bev_side = bev_size[0].astype(jnp.float32)
    lidar_coords = pcloud_list[1][:, 0, 0, :, :3]
    illuminance_image = pcloud_list[1][:, 0, 0, :, 3]
    illuminance_image = jnp.repeat(illuminance_image, 6, axis=0)
    view2 = view[:, 0, 0, :, :]
    lidar_coords_view = apply_4x4(jnp.linalg.inv(view2), lidar_coords)
    BSN = B * S * N
    intr = intrinsics.reshape(BSN, 3, 3)
    extrinsics_packed = extrinsics.reshape(BSN, 4, 4)
    xyz_car = jnp.repeat(lidar_coords_view, 6, axis=0)
    intr_scaled = scale_intrinsics(intr, SX, SY)
    r_transpose = jnp.swapaxes(extrinsics_packed[:, :3, :3], 1, 2)
    t_inv = -jnp.matmul(r_transpose, extrinsics_packed[:, :3, 3:4])
    extrinsic_inv = extrinsics_packed.at[:, :3, :3].set(r_transpose).at[:, :3, 3:4].set(t_inv)
    pixel_from_car = jnp.matmul(intr_scaled, extrinsic_inv)
    cam_from_car = extrinsic_inv
    xyz_cam = apply_4x4(cam_from_car, xyz_car)
    z = xyz_cam[:, :, 2]
    xyz_pixel = apply_4x4(pixel_from_car, xyz_car)
    normalizer = xyz_pixel[:, :, 2:3]
    EPS = 1e-06
    xy_pixel = xyz_pixel[:, :, :2] / jnp.maximum(normalizer, EPS)
    x = xy_pixel[:, :, 0]
    y = xy_pixel[:, :, 1]
    x_valid = (x > -0.5) & (x < W - 0.5)
    y_valid = (y > -0.5) & (y < H - 0.5)
    z_valid = z > 0.0
    valid_mem = (x_valid & y_valid & z_valid).reshape(BSN, NPTS)[:, :, None]
    normalizer = jnp.clip(normalizer, 0.0, bev_side / 2 - 1)
    depth_lid = (normalizer * valid_mem.astype(normalizer.dtype))[:, :, 0]
    valid_ilu = (illuminance_image[:, :, None] * valid_mem.astype(illuminance_image.dtype))[:, :, 0]
    valid_ilu = jnp.clip(valid_ilu, 0.0, 255.0)
    y_map = jnp.clip(y, 0.0, H - 1).astype(jnp.int32)
    x_map = jnp.clip(x, 0.0, W - 1).astype(jnp.int32)
    btch = jnp.arange(BSN)[:, None]
    lidar_gt_depth = jnp.zeros((BSN, H, W), dtype=extrinsics.dtype).at[btch, y_map, x_map].set(depth_lid)
    lidar_gt_ilu = jnp.zeros((BSN, H, W), dtype=extrinsics.dtype).at[btch, y_map, x_map].set(valid_ilu)
    lidar_gt_ilu = jnp.log(lidar_gt_ilu + 1) / np.log(256)
    lidar_gt_depth = lidar_gt_depth / (bev_side / 2)
    lidar_gt = jnp.concatenate([lidar_gt_depth[:, None], lidar_gt_ilu[:, None]], axis=1)
    return lidar_gt

if __name__ == "__main__":
    import jax
    _d = setup_inputs()
    print(jax.jit(kernel)(*tuple(_d.values())))

</pallas_src>

<mosaic_0001>
#map = affine_map<(d0, d1) -> (0, 0)>
#map1 = affine_map<(d0, d1) -> (0, 0, 0, 0)>
module attributes {stable_mosaic.version = 14 : i64} {
  func.func @_sc_body(%arg0: i32, %arg1: i32, %arg2: memref<16x70000xf32, #tpu.memory_space<hbm>>, %arg3: memref<24x32xf32, #tpu.memory_space<hbm>>, %arg4: memref<32x2x2x1408xf32, #tpu.memory_space<hbm>>, %arg5: memref<4x2800xf32, #tpu.memory_space<vmem>>, %arg6: memref<4x2800xf32, #tpu.memory_space<vmem>>, %arg7: memref<32xf32, #tpu.memory_space<vmem>>, %arg8: memref<1408xf32, #tpu.memory_space<vmem>>, %arg9: memref<1408xf32, #tpu.memory_space<vmem>>, %arg10: memref<!tpu.dma_semaphore, #tpu.memory_space<semaphore_mem>>, %arg11: memref<!tpu.dma_semaphore, #tpu.memory_space<semaphore_mem>>) attributes {dimension_semantics = [#tpu.dimension_semantics<core_parallel>, #tpu.dimension_semantics<subcore_parallel>], iteration_bounds = array<i64: 2, 16>, scalar_prefetch = 0 : i64, scratch_operands = 7 : i64, tpu.core_type = #tpu.core_type<sc_vector_subcore>, window_params = [{transform_indices = #map}, {transform_indices = #map}, {transform_indices = #map1}]} {
    %mul3A = arith.constant 2 : i32
    %mul3A_0 = arith.muli %arg1, %mul3A : i32
    %add3A = arith.addi %mul3A_0, %arg0 : i32
    %mul3A_1 = arith.constant 19 : i32
    %mul3A_2 = arith.muli %mul3A_1, %add3A : i32
    %sub3A = arith.constant 24 : i32
    %sub3A_3 = arith.subi %add3A, %sub3A : i32
    %max3A = arith.constant 0 : i32
    %max3A_4 = arith.maxsi %sub3A_3, %max3A : i32
    %sub3A_5 = arith.subi %mul3A_2, %max3A_4 : i32
    %lt3A = arith.constant 24 : i32
    %lt3A_6 = arith.cmpi slt, %add3A, %lt3A : i32
    %jit3A = arith.constant 19 : i32
    %jit3A_7 = arith.constant 18 : i32
    %select_n3A = arith.select %lt3A_6, %jit3A, %jit3A_7 : i32
    %broadcast_in_dim3A = arith.constant 2143289345 : i32
    %broadcast_in_dim3A_8 = vector.broadcast %broadcast_in_dim3A : i32 to vector<16xi32>
    %bitcast3A = vector.bitcast %broadcast_in_dim3A_8 : vector<16xi32> to vector<16xf32>
    %jit3A_9 = arith.constant 25 : i32
    %div3A = arith.divsi %sub3A_5, %jit3A_9 : i32
    %sign3A = arith.constant 0 : i32
    %sign3A_10 = arith.cmpi sgt, %sub3A_5, %sign3A : i32
    %sign3A_11 = arith.extui %sign3A_10 : i1 to i32
    %sign3A_12 = arith.constant 0 : i32
    %sign3A_13 = arith.cmpi slt, %sub3A_5, %sign3A_12 : i32
    %sign3A_14 = arith.extui %sign3A_13 : i1 to i32
    %sign3A_15 = arith.subi %sign3A_11, %sign3A_14 : i32
    %sign3A_16 = arith.constant 0 : i32
    %sign3A_17 = arith.cmpi sgt, %jit3A_9, %sign3A_16 : i32
    %sign3A_18 = arith.extui %sign3A_17 : i1 to i32
    %sign3A_19 = arith.constant 0 : i32
    %sign3A_20 = arith.cmpi slt, %jit3A_9, %sign3A_19 : i32
    %sign3A_21 = arith.extui %sign3A_20 : i1 to i32
    %sign3A_22 = arith.subi %sign3A_18, %sign3A_21 : i32
    %ne3A = arith.cmpi ne, %sign3A_15, %sign3A_22 : i32
    %rem3A = arith.remsi %sub3A_5, %jit3A_9 : i32
    %ne3A_23 = arith.constant 0 : i32
    %ne3A_24 = arith.cmpi ne, %rem3A, %ne3A_23 : i32
    %and3A = arith.andi %ne3A, %ne3A_24 : i1
    %sub3A_25 = arith.constant 1 : i32
    %sub3A_26 = arith.subi %div3A, %sub3A_25 : i32
    %select_n3A_27 = arith.select %and3A, %sub3A_26, %div3A : i32
    %jit3A_28 = arith.constant 6 : i32
    %div3A_29 = arith.divsi %select_n3A_27, %jit3A_28 : i32
    %sign3A_30 = arith.constant 0 : i32
    %sign3A_31 = arith.cmpi sgt, %select_n3A_27, %sign3A_30 : i32
    %sign3A_32 = arith.extui %sign3A_31 : i1 to i32
    %sign3A_33 = arith.constant 0 : i32
    %sign3A_34 = arith.cmpi slt, %select_n3A_27, %sign3A_33 : i32
    %sign3A_35 = arith.extui %sign3A_34 : i1 to i32
    %sign3A_36 = arith.subi %sign3A_32, %sign3A_35 : i32
    %sign3A_37 = arith.constant 0 : i32
    %sign3A_38 = arith.cmpi sgt, %jit3A_28, %sign3A_37 : i32
    %sign3A_39 = arith.extui %sign3A_38 : i1 to i32
    %sign3A_40 = arith.constant 0 : i32
    %sign3A_41 = arith.cmpi slt, %jit3A_28, %sign3A_40 : i32
    %sign3A_42 = arith.extui %sign3A_41 : i1 to i32
    %sign3A_43 = arith.subi %sign3A_39, %sign3A_42 : i32
    %ne3A_44 = arith.cmpi ne, %sign3A_36, %sign3A_43 : i32
    %rem3A_45 = arith.remsi %select_n3A_27, %jit3A_28 : i32
    %ne3A_46 = arith.constant 0 : i32
    %ne3A_47 = arith.cmpi ne, %rem3A_45, %ne3A_46 : i32
    %and3A_48 = arith.andi %ne3A_44, %ne3A_47 : i1
    %sub3A_49 = arith.constant 1 : i32
    %sub3A_50 = arith.subi %div3A_29, %sub3A_49 : i32
    %select_n3A_51 = arith.select %and3A_48, %sub3A_50, %div3A_29 : i32
    %jit3A_52 = arith.constant 25 : i32
    %eq3A = arith.constant 0 : i32
    %eq3A_53 = arith.cmpi eq, %jit3A_52, %eq3A : i32
    %jit3A_54 = arith.constant 1 : i32
    %select_n3A_55 = arith.select %eq3A_53, %jit3A_54, %jit3A_52 : i32
    %rem3A_56 = arith.remsi %sub3A_5, %select_n3A_55 : i32
    %ne3A_57 = arith.constant 0 : i32
    %ne3A_58 = arith.cmpi ne, %rem3A_56, %ne3A_57 : i32
    %lt3A_59 = arith.constant 0 : i32
    %lt3A_60 = arith.cmpi slt, %rem3A_56, %lt3A_59 : i32
    %lt3A_61 = arith.constant 0 : i32
    %lt3A_62 = arith.cmpi slt, %select_n3A_55, %lt3A_61 : i32
    %ne3A_63 = arith.xori %lt3A_60, %lt3A_62 : i1
    %and3A_64 = arith.andi %ne3A_63, %ne3A_58 : i1
    %add3A_65 = arith.addi %rem3A_56, %select_n3A_55 : i32
    %select_n3A_66 = arith.select %and3A_64, %add3A_65, %rem3A_56 : i32
    %mul3A_67 = arith.constant 2800 : i32
    %mul3A_68 = arith.muli %select_n3A_66, %mul3A_67 : i32
    %mul3A_69 = arith.constant 4 : i32
    %mul3A_70 = arith.muli %select_n3A_51, %mul3A_69 : i32
    %add3A_71 = arith.constant 0 : i32
    %add3A_72 = arith.addi %mul3A_70, %add3A_71 : i32
    %dma_start3A = arith.constant 0 : i32
    %dma_start3A_73 = arith.constant 0 : i32
    %dma_start3A_74 = tpu.memref_slice %arg5[%dma_start3A, %dma_start3A_73] : memref<4x2800xf32, #tpu.memory_space<vmem>> -> memref<1x2800xf32, #tpu.memory_space<vmem>>
    %dma_start3A_75 = tpu.memref_squeeze %dma_start3A_74 : memref<1x2800xf32, #tpu.memory_space<vmem>> -> memref<2800xf32, #tpu.memory_space<vmem>>
    %dma_start3A_76 = tpu.memref_slice %arg2[%add3A_72, %mul3A_68] : memref<16x70000xf32, #tpu.memory_space<hbm>> -> memref<1x2800xf32, #tpu.memory_space<hbm>>
    %dma_start3A_77 = tpu.memref_squeeze %dma_start3A_76 : memref<1x2800xf32, #tpu.memory_space<hbm>> -> memref<2800xf32, #tpu.memory_space<hbm>>
    %dma_start3A_78 = arith.constant 0 : i32
    %dma_start3A_79 = tpu.memref_slice %arg5[%dma_start3A, %dma_start3A_78] : memref<4x2800xf32, #tpu.memory_space<vmem>> -> memref<1x2800xf32, #tpu.memory_space<vmem>>
    %dma_start3A_80 = tpu.memref_squeeze %dma_start3A_79 : memref<1x2800xf32, #tpu.memory_space<vmem>> -> memref<2800xf32, #tpu.memory_space<vmem>>
    %dma_start3A_81 = tpu.memref_slice %arg2[%add3A_72, %mul3A_68] : memref<16x70000xf32, #tpu.memory_space<hbm>> -> memref<1x2800xf32, #tpu.memory_space<hbm>>
    %dma_start3A_82 = tpu.memref_squeeze %dma_start3A_81 : memref<1x2800xf32, #tpu.memory_space<hbm>> -> memref<2800xf32, #tpu.memory_space<hbm>>
    tpu.enqueue_dma source(%dma_start3A_82 : memref<2800xf32, #tpu.memory_space<hbm>>) target(%dma_start3A_80 : memref<2800xf32, #tpu.memory_space<vmem>>) target_semaphore(%arg10 : memref<!tpu.dma_semaphore, #tpu.memory_space<semaphore_mem>>)
    %mul3A_83 = arith.constant 4 : i32
    %mul3A_84 = arith.muli %select_n3A_51, %mul3A_83 : i32
    %add3A_85 = arith.constant 1 : i32
    %add3A_86 = arith.addi %mul3A_84, %add3A_85 : i32
    %dma_start3A_87 = arith.constant 1 : i32
    %dma_start3A_88 = arith.constant 0 : i32
    %dma_start3A_89 = tpu.memref_slice %arg5[%dma_start3A_87, %dma_start3A_88] : memref<4x2800xf32, #tpu.memory_space<vmem>> -> memref<1x2800xf32, #tpu.memory_space<vmem>>
    %dma_start3A_90 = tpu.memref_squeeze %dma_start3A_89 : memref<1x2800xf32, #tpu.memory_space<vmem>> -> memref<2800xf32, #tpu.memory_space<vmem>>
    %dma_start3A_91 = tpu.memref_slice %arg2[%add3A_86, %mul3A_68] : memref<16x70000xf32, #tpu.memory_space<hbm>> -> memref<1x2800xf32, #tpu.memory_space<hbm>>
    %dma_start3A_92 = tpu.memref_squeeze %dma_start3A_91 : memref<1x2800xf32, #tpu.memory_space<hbm>> -> memref<2800xf32, #tpu.memory_space<hbm>>
    %dma_start3A_93 = arith.constant 0 : i32
    %dma_start3A_94 = tpu.memref_slice %arg5[%dma_start3A_87, %dma_start3A_93] : memref<4x2800xf32, #tpu.memory_space<vmem>> -> memref<1x2800xf32, #tpu.memory_space<vmem>>
    %dma_start3A_95 = tpu.memref_squeeze %dma_start3A_94 : memref<1x2800xf32, #tpu.memory_space<vmem>> -> memref<2800xf32, #tpu.memory_space<vmem>>
    %dma_start3A_96 = tpu.memref_slice %arg2[%add3A_86, %mul3A_68] : memref<16x70000xf32, #tpu.memory_space<hbm>> -> memref<1x2800xf32, #tpu.memory_space<hbm>>
    %dma_start3A_97 = tpu.memref_squeeze %dma_start3A_96 : memref<1x2800xf32, #tpu.memory_space<hbm>> -> memref<2800xf32, #tpu.memory_space<hbm>>
    tpu.enqueue_dma source(%dma_start3A_97 : memref<2800xf32, #tpu.memory_space<hbm>>) target(%dma_start3A_95 : memref<2800xf32, #tpu.memory_space<vmem>>) target_semaphore(%arg10 : memref<!tpu.dma_semaphore, #tpu.memory_space<semaphore_mem>>)
    %mul3A_98 = arith.constant 4 : i32
    %mul3A_99 = arith.muli %select_n3A_51, %mul3A_98 : i32
    %add3A_100 = arith.constant 2 : i32
    %add3A_101 = arith.addi %mul3A_99, %add3A_100 : i32
    %dma_start3A_102 = arith.constant 2 : i32
    %dma_start3A_103 = arith.constant 0 : i32
    %dma_start3A_104 = tpu.memref_slice %arg5[%dma_start3A_102, %dma_start3A_103] : memref<4x2800xf32, #tpu.memory_space<vmem>> -> memref<1x2800xf32, #tpu.memory_space<vmem>>
    %dma_start3A_105 = tpu.memref_squeeze %dma_start3A_104 : memref<1x2800xf32, #tpu.memory_space<vmem>> -> memref<2800xf32, #tpu.memory_space<vmem>>
    %dma_start3A_106 = tpu.memref_slice %arg2[%add3A_101, %mul3A_68] : memref<16x70000xf32, #tpu.memory_space<hbm>> -> memref<1x2800xf32, #tpu.memory_space<hbm>>
    %dma_start3A_107 = tpu.memref_squeeze %dma_start3A_106 : memref<1x2800xf32, #tpu.memory_space<hbm>> -> memref<2800xf32, #tpu.memory_space<hbm>>
    %dma_start3A_108 = arith.constant 0 : i32
    %dma_start3A_109 = tpu.memref_slice %arg5[%dma_start3A_102, %dma_start3A_108] : memref<4x2800xf32, #tpu.memory_space<vmem>> -> memref<1x2800xf32, #tpu.memory_space<vmem>>
    %dma_start3A_110 = tpu.memref_squeeze %dma_start3A_109 : memref<1x2800xf32, #tpu.memory_space<vmem>> -> memref<2800xf32, #tpu.memory_space<vmem>>
    %dma_start3A_111 = tpu.memref_slice %arg2[%add3A_101, %mul3A_68] : memref<16x70000xf32, #tpu.memory_space<hbm>> -> memref<1x2800xf32, #tpu.memory_space<hbm>>
    %dma_start3A_112 = tpu.memref_squeeze %dma_start3A_111 : memref<1x2800xf32, #tpu.memory_space<hbm>> -> memref<2800xf32, #tpu.memory_space<hbm>>
    tpu.enqueue_dma source(%dma_start3A_112 : memref<2800xf32, #tpu.memory_space<hbm>>) target(%dma_start3A_110 : memref<2800xf32, #tpu.memory_space<vmem>>) target_semaphore(%arg10 : memref<!tpu.dma_semaphore, #tpu.memory_space<semaphore_mem>>)
    %mul3A_113 = arith.constant 4 : i32
    %mul3A_114 = arith.muli %select_n3A_51, %mul3A_113 : i32
    %add3A_115 = arith.constant 3 : i32
    %add3A_116 = arith.addi %mul3A_114, %add3A_115 : i32
    %dma_start3A_117 = arith.constant 3 : i32
    %dma_start3A_118 = arith.constant 0 : i32
    %dma_start3A_119 = tpu.memref_slice %arg5[%dma_start3A_117, %dma_start3A_118] : memref<4x2800xf32, #tpu.memory_space<vmem>> -> memref<1x2800xf32, #tpu.memory_space<vmem>>
    %dma_start3A_120 = tpu.memref_squeeze %dma_start3A_119 : memref<1x2800xf32, #tpu.memory_space<vmem>> -> memref<2800xf32, #tpu.memory_space<vmem>>
    %dma_start3A_121 = tpu.memref_slice %arg2[%add3A_116, %mul3A_68] : memref<16x70000xf32, #tpu.memory_space<hbm>> -> memref<1x2800xf32, #tpu.memory_space<hbm>>
    %dma_start3A_122 = tpu.memref_squeeze %dma_start3A_121 : memref<1x2800xf32, #tpu.memory_space<hbm>> -> memref<2800xf32, #tpu.memory_space<hbm>>
    %dma_start3A_123 = arith.constant 0 : i32
    %dma_start3A_124 = tpu.memref_slice %arg5[%dma_start3A_117, %dma_start3A_123] : memref<4x2800xf32, #tpu.memory_space<vmem>> -> memref<1x2800xf32, #tpu.memory_space<vmem>>
    %dma_start3A_125 = tpu.memref_squeeze %dma_start3A_124 : memref<1x2800xf32, #tpu.memory_space<vmem>> -> memref<2800xf32, #tpu.memory_space<vmem>>
    %dma_start3A_126 = tpu.memref_slice %arg2[%add3A_116, %mul3A_68] : memref<16x70000xf32, #tpu.memory_space<hbm>> -> memref<1x2800xf32, #tpu.memory_space<hbm>>
    %dma_start3A_127 = tpu.memref_squeeze %dma_start3A_126 : memref<1x2800xf32, #tpu.memory_space<hbm>> -> memref<2800xf32, #tpu.memory_space<hbm>>
    tpu.enqueue_dma source(%dma_start3A_127 : memref<2800xf32, #tpu.memory_space<hbm>>) target(%dma_start3A_125 : memref<2800xf32, #tpu.memory_space<vmem>>) target_semaphore(%arg10 : memref<!tpu.dma_semaphore, #tpu.memory_space<semaphore_mem>>)
    %while3A = arith.constant 0 : i32
    %while3A_128 = arith.constant -1 : i32
    %while3A_129 = arith.constant 0 : i32
    %while3A_130 = arith.subi %select_n3A, %while3A : i32
    %while3A_131 = arith.addi %while3A, %while3A_130 : i32
    %while3A_132 = arith.constant 1 : i32
    %while3A_133 = arith.divsi %while3A_130, %while3A_132 : i32
    %while3A_134 = arith.muli %while3A_133, %while3A_132 : i32
    %while3A_135 = arith.addi %while3A, %while3A_134 : i32
    %while3A_136 = arith.constant 1 : i32
    %while3A_137:2 = scf.for %while3A_141 = %while3A to %while3A_135 step %while3A_136 iter_args(%while3A_142 = %while3A_128, %while3A_143 = %while3A_129) -> (i32, i32)  : i32 {
      %add3A_144 = arith.addi %sub3A_5, %while3A_141 : i32
      %jit3A_145 = arith.constant 25 : i32
      %div3A_146 = arith.divsi %add3A_144, %jit3A_145 : i32
      %sign3A_147 = arith.constant 0 : i32
      %sign3A_148 = arith.cmpi sgt, %add3A_144, %sign3A_147 : i32
      %sign3A_149 = arith.extui %sign3A_148 : i1 to i32
      %sign3A_150 = arith.constant 0 : i32
      %sign3A_151 = arith.cmpi slt, %add3A_144, %sign3A_150 : i32
      %sign3A_152 = arith.extui %sign3A_151 : i1 to i32
      %sign3A_153 = arith.subi %sign3A_149, %sign3A_152 : i32
      %sign3A_154 = arith.constant 0 : i32
      %sign3A_155 = arith.cmpi sgt, %jit3A_145, %sign3A_154 : i32
      %sign3A_156 = arith.extui %sign3A_155 : i1 to i32
      %sign3A_157 = arith.constant 0 : i32
      %sign3A_158 = arith.cmpi slt, %jit3A_145, %sign3A_157 : i32
      %sign3A_159 = arith.extui %sign3A_158 : i1 to i32
      %sign3A_160 = arith.subi %sign3A_156, %sign3A_159 : i32
      %ne3A_161 = arith.cmpi ne, %sign3A_153, %sign3A_160 : i32
      %rem3A_162 = arith.remsi %add3A_144, %jit3A_145 : i32
      %ne3A_163 = arith.constant 0 : i32
      %ne3A_164 = arith.cmpi ne, %rem3A_162, %ne3A_163 : i32
      %and3A_165 = arith.andi %ne3A_161, %ne3A_164 : i1
      %sub3A_166 = arith.constant 1 : i32
      %sub3A_167 = arith.subi %div3A_146, %sub3A_166 : i32
      %select_n3A_168 = arith.select %and3A_165, %sub3A_167, %div3A_146 : i32
      %jit3A_169 = arith.constant 6 : i32
      %div3A_170 = arith.divsi %select_n3A_168, %jit3A_169 : i32
      %sign3A_171 = arith.constant 0 : i32
      %sign3A_172 = arith.cmpi sgt, %select_n3A_168, %sign3A_171 : i32
      %sign3A_173 = arith.extui %sign3A_172 : i1 to i32
      %sign3A_174 = arith.constant 0 : i32
      %sign3A_175 = arith.cmpi slt, %select_n3A_168, %sign3A_174 : i32
      %sign3A_176 = arith.extui %sign3A_175 : i1 to i32
      %sign3A_177 = arith.subi %sign3A_173, %sign3A_176 : i32
      %sign3A_178 = arith.constant 0 : i32
      %sign3A_179 = arith.cmpi sgt, %jit3A_169, %sign3A_178 : i32
      %sign3A_180 = arith.extui %sign3A_179 : i1 to i32
      %sign3A_181 = arith.constant 0 : i32
      %sign3A_182 = arith.cmpi slt, %jit3A_169, %sign3A_181 : i32
      %sign3A_183 = arith.extui %sign3A_182 : i1 to i32
      %sign3A_184 = arith.subi %sign3A_180, %sign3A_183 : i32
      %ne3A_185 = arith.cmpi ne, %sign3A_177, %sign3A_184 : i32
      %rem3A_186 = arith.remsi %select_n3A_168, %jit3A_169 : i32
      %ne3A_187 = arith.constant 0 : i32
      %ne3A_188 = arith.cmpi ne, %rem3A_186, %ne3A_187 : i32
      %and3A_189 = arith.andi %ne3A_185, %ne3A_188 : i1
      %sub3A_190 = arith.constant 1 : i32
      %sub3A_191 = arith.subi %div3A_170, %sub3A_190 : i32
      %select_n3A_192 = arith.select %and3A_189, %sub3A_191, %div3A_170 : i32
      %jit3A_193 = arith.constant 25 : i32
      %eq3A_194 = arith.constant 0 : i32
      %eq3A_195 = arith.cmpi eq, %jit3A_193, %eq3A_194 : i32
      %jit3A_196 = arith.constant 1 : i32
      %select_n3A_197 = arith.select %eq3A_195, %jit3A_196, %jit3A_193 : i32
      %rem3A_198 = arith.remsi %add3A_144, %select_n3A_197 : i32
      %ne3A_199 = arith.constant 0 : i32
      %ne3A_200 = arith.cmpi ne, %rem3A_198, %ne3A_199 : i32
      %lt3A_201 = arith.constant 0 : i32
      %lt3A_202 = arith.cmpi slt, %rem3A_198, %lt3A_201 : i32
      %lt3A_203 = arith.constant 0 : i32
      %lt3A_204 = arith.cmpi slt, %select_n3A_197, %lt3A_203 : i32
      %ne3A_205 = arith.xori %lt3A_202, %lt3A_204 : i1
      %and3A_206 = arith.andi %ne3A_205, %ne3A_200 : i1
      %add3A_207 = arith.addi %rem3A_198, %select_n3A_197 : i32
      %select_n3A_208 = arith.select %and3A_206, %add3A_207, %rem3A_198 : i32
      %mul3A_209 = arith.constant 2800 : i32
      %mul3A_210 = arith.muli %select_n3A_208, %mul3A_209 : i32
      %ne3A_211 = arith.cmpi ne, %select_n3A_168, %while3A_142 : i32
      %ge3A = arith.constant 0 : i32
      %ge3A_212 = arith.cmpi sge, %while3A_142, %ge3A : i32
      %and3A_213 = arith.andi %ne3A_211, %ge3A_212 : i1
      %convert_element_type3A = arith.extui %and3A_213 : i1 to i32
      %cond3A = arith.constant 0 : i32
      %cond3A_214 = arith.cmpi ne, %convert_element_type3A, %cond3A : i32
      scf.if %cond3A_214 {
        %run_scoped3A_454 = arith.constant 0 : i32
        "tpu.region"() ({
          %run_scoped3A_456 = tpu.sem_alloc : memref<!tpu.dma_semaphore, #tpu.memory_space<semaphore_mem>>
          %dma_start3A_457 = arith.constant 0 : i32
          %dma_start3A_458 = tpu.memref_slice %arg4[%add3A, %while3A_143, %run_scoped3A_454, %dma_start3A_457] : memref<32x2x2x1408xf32, #tpu.memory_space<hbm>> -> memref<1x1x1x1408xf32, #tpu.memory_space<hbm>>
          %dma_start3A_459 = tpu.memref_squeeze %dma_start3A_458 : memref<1x1x1x1408xf32, #tpu.memory_space<hbm>> -> memref<1408xf32, #tpu.memory_space<hbm>>
          %dma_start3A_460 = arith.constant 0 : i32
          %dma_start3A_461 = tpu.memref_slice %arg4[%add3A, %while3A_143, %run_scoped3A_454, %dma_start3A_460] : memref<32x2x2x1408xf32, #tpu.memory_space<hbm>> -> memref<1x1x1x1408xf32, #tpu.memory_space<hbm>>
          %dma_start3A_462 = tpu.memref_squeeze %dma_start3A_461 : memref<1x1x1x1408xf32, #tpu.memory_space<hbm>> -> memref<1408xf32, #tpu.memory_space<hbm>>
          tpu.enqueue_dma source(%arg8 : memref<1408xf32, #tpu.memory_space<vmem>>) target(%dma_start3A_462 : memref<1408xf32, #tpu.memory_space<hbm>>) target_semaphore(%run_scoped3A_456 : memref<!tpu.dma_semaphore, #tpu.memory_space<semaphore_mem>>)
          %dma_wait3A = arith.constant 0 : i32
          %dma_wait3A_463 = tpu.memref_slice %arg4[%add3A, %while3A_143, %run_scoped3A_454, %dma_wait3A] : memref<32x2x2x1408xf32, #tpu.memory_space<hbm>> -> memref<1x1x1x1408xf32, #tpu.memory_space<hbm>>
          %dma_wait3A_464 = tpu.memref_squeeze %dma_wait3A_463 : memref<1x1x1x1408xf32, #tpu.memory_space<hbm>> -> memref<1408xf32, #tpu.memory_space<hbm>>
          %dma_wait3A_465 = arith.constant 0 : i32
          %dma_wait3A_466 = tpu.memref_slice %arg4[%add3A, %while3A_143, %run_scoped3A_454, %dma_wait3A_465] : memref<32x2x2x1408xf32, #tpu.memory_space<hbm>> -> memref<1x1x1x1408xf32, #tpu.memory_space<hbm>>
          %dma_wait3A_467 = tpu.memref_squeeze %dma_wait3A_466 : memref<1x1x1x1408xf32, #tpu.memory_space<hbm>> -> memref<1408xf32, #tpu.memory_space<hbm>>
          tpu.wait_dma2 semaphore(%run_scoped3A_456 : memref<!tpu.dma_semaphore, #tpu.memory_space<semaphore_mem>>) src(%arg8 : memref<1408xf32, #tpu.memory_space<vmem>>) dst(%dma_wait3A_467 : memref<1408xf32, #tpu.memory_space<hbm>>)
          tpu.yield
        }) : () -> ()
        %run_scoped3A_455 = arith.constant 1 : i32
        "tpu.region"() ({
          %run_scoped3A_456 = tpu.sem_alloc : memref<!tpu.dma_semaphore, #tpu.memory_space<semaphore_mem>>
          %dma_start3A_457 = arith.constant 0 : i32
          %dma_start3A_458 = tpu.memref_slice %arg4[%add3A, %while3A_143, %run_scoped3A_455, %dma_start3A_457] : memref<32x2x2x1408xf32, #tpu.memory_space<hbm>> -> memref<1x1x1x1408xf32, #tpu.memory_space<hbm>>
          %dma_start3A_459 = tpu.memref_squeeze %dma_start3A_458 : memref<1x1x1x1408xf32, #tpu.memory_space<hbm>> -> memref<1408xf32, #tpu.memory_space<hbm>>
          %dma_start3A_460 = arith.constant 0 : i32
          %dma_start3A_461 = tpu.memref_slice %arg4[%add3A, %while3A_143, %run_scoped3A_455, %dma_start3A_460] : memref<32x2x2x1408xf32, #tpu.memory_space<hbm>> -> memref<1x1x1x1408xf32, #tpu.memory_space<hbm>>
          %dma_start3A_462 = tpu.memref_squeeze %dma_start3A_461 : memref<1x1x1x1408xf32, #tpu.memory_space<hbm>> -> memref<1408xf32, #tpu.memory_space<hbm>>
          tpu.enqueue_dma source(%arg9 : memref<1408xf32, #tpu.memory_space<vmem>>) target(%dma_start3A_462 : memref<1408xf32, #tpu.memory_space<hbm>>) target_semaphore(%run_scoped3A_456 : memref<!tpu.dma_semaphore, #tpu.memory_space<semaphore_mem>>)
          %dma_wait3A = arith.constant 0 : i32
          %dma_wait3A_463 = tpu.memref_slice %arg4[%add3A, %while3A_143, %run_scoped3A_455, %dma_wait3A] : memref<32x2x2x1408xf32, #tpu.memory_space<hbm>> -> memref<1x1x1x1408xf32, #tpu.memory_space<hbm>>
          %dma_wait3A_464 = tpu.memref_squeeze %dma_wait3A_463 : memref<1x1x1x1408xf32, #tpu.memory_space<hbm>> -> memref<1408xf32, #tpu.memory_space<hbm>>
          %dma_wait3A_465 = arith.constant 0 : i32
          %dma_wait3A_466 = tpu.memref_slice %arg4[%add3A, %while3A_143, %run_scoped3A_455, %dma_wait3A_465] : memref<32x2x2x1408xf32, #tpu.memory_space<hbm>> -> memref<1x1x1x1408xf32, #tpu.memory_space<hbm>>
          %dma_wait3A_467 = tpu.memref_squeeze %dma_wait3A_466 : memref<1x1x1x1408xf32, #tpu.memory_space<hbm>> -> memref<1408xf32, #tpu.memory_space<hbm>>
          tpu.wait_dma2 semaphore(%run_scoped3A_456 : memref<!tpu.dma_semaphore, #tpu.memory_space<semaphore_mem>>) src(%arg9 : memref<1408xf32, #tpu.memory_space<vmem>>) dst(%dma_wait3A_467 : memref<1408xf32, #tpu.memory_space<hbm>>)
          tpu.yield
        }) : () -> ()
      } else {
      }
      %add3A_215 = arith.constant 1 : i32
      %add3A_216 = arith.addi %while3A_143, %add3A_215 : i32
      %select_n3A_217 = arith.select %and3A_213, %add3A_216, %while3A_143 : i32
      %add3A_218 = arith.constant 1 : i32
      %add3A_219 = arith.addi %while3A_141, %add3A_218 : i32
      %lt3A_220 = arith.cmpi slt, %add3A_219, %select_n3A : i32
      %add3A_221 = arith.addi %sub3A_5, %add3A_219 : i32
      %jit3A_222 = arith.constant 25 : i32
      %div3A_223 = arith.divsi %add3A_221, %jit3A_222 : i32
      %sign3A_224 = arith.constant 0 : i32
      %sign3A_225 = arith.cmpi sgt, %add3A_221, %sign3A_224 : i32
      %sign3A_226 = arith.extui %sign3A_225 : i1 to i32
      %sign3A_227 = arith.constant 0 : i32
      %sign3A_228 = arith.cmpi slt, %add3A_221, %sign3A_227 : i32
      %sign3A_229 = arith.extui %sign3A_228 : i1 to i32
      %sign3A_230 = arith.subi %sign3A_226, %sign3A_229 : i32
      %sign3A_231 = arith.constant 0 : i32
      %sign3A_232 = arith.cmpi sgt, %jit3A_222, %sign3A_231 : i32
      %sign3A_233 = arith.extui %sign3A_232 : i1 to i32
      %sign3A_234 = arith.constant 0 : i32
      %sign3A_235 = arith.cmpi slt, %jit3A_222, %sign3A_234 : i32
      %sign3A_236 = arith.extui %sign3A_235 : i1 to i32
      %sign3A_237 = arith.subi %sign3A_233, %sign3A_236 : i32
      %ne3A_238 = arith.cmpi ne, %sign3A_230, %sign3A_237 : i32
      %rem3A_239 = arith.remsi %add3A_221, %jit3A_222 : i32
      %ne3A_240 = arith.constant 0 : i32
      %ne3A_241 = arith.cmpi ne, %rem3A_239, %ne3A_240 : i32
      %and3A_242 = arith.andi %ne3A_238, %ne3A_241 : i1
      %sub3A_243 = arith.constant 1 : i32
      %sub3A_244 = arith.subi %div3A_223, %sub3A_243 : i32
      %select_n3A_245 = arith.select %and3A_242, %sub3A_244, %div3A_223 : i32
      %jit3A_246 = arith.constant 6 : i32
      %div3A_247 = arith.divsi %select_n3A_245, %jit3A_246 : i32
      %sign3A_248 = arith.constant 0 : i32
      %sign3A_249 = arith.cmpi sgt, %select_n3A_245, %sign3A_248 : i32
      %sign3A_250 = arith.extui %sign3A_249 : i1 to i32
      %sign3A_251 = arith.constant 0 : i32
      %sign3A_252 = arith.cmpi slt, %select_n3A_245, %sign3A_251 : i32
      %sign3A_253 = arith.extui %sign3A_252 : i1 to i32
      %sign3A_254 = arith.subi %sign3A_250, %sign3A_253 : i32
      %sign3A_255 = arith.constant 0 : i32
      %sign3A_256 = arith.cmpi sgt, %jit3A_246, %sign3A_255 : i32
      %sign3A_257 = arith.extui %sign3A_256 : i1 to i32
      %sign3A_258 = arith.constant 0 : i32
      %sign3A_259 = arith.cmpi slt, %jit3A_246, %sign3A_258 : i32
      %sign3A_260 = arith.extui %sign3A_259 : i1 to i32
      %sign3A_261 = arith.subi %sign3A_257, %sign3A_260 : i32
      %ne3A_262 = arith.cmpi ne, %sign3A_254, %sign3A_261 : i32
      %rem3A_263 = arith.remsi %select_n3A_245, %jit3A_246 : i32
      %ne3A_264 = arith.constant 0 : i32
      %ne3A_265 = arith.cmpi ne, %rem3A_263, %ne3A_264 : i32
      %and3A_266 = arith.andi %ne3A_262, %ne3A_265 : i1
      %sub3A_267 = arith.constant 1 : i32
      %sub3A_268 = arith.subi %div3A_247, %sub3A_267 : i32
      %select_n3A_269 = arith.select %and3A_266, %sub3A_268, %div3A_247 : i32
      %jit3A_270 = arith.constant 0 : i32
      %select_n3A_271 = arith.select %lt3A_220, %select_n3A_269, %jit3A_270 : i32
      %jit3A_272 = arith.constant 25 : i32
      %eq3A_273 = arith.constant 0 : i32
      %eq3A_274 = arith.cmpi eq, %jit3A_272, %eq3A_273 : i32
      %jit3A_275 = arith.constant 1 : i32
      %select_n3A_276 = arith.select %eq3A_274, %jit3A_275, %jit3A_272 : i32
      %rem3A_277 = arith.remsi %add3A_221, %select_n3A_276 : i32
      %ne3A_278 = arith.constant 0 : i32
      %ne3A_279 = arith.cmpi ne, %rem3A_277, %ne3A_278 : i32
      %lt3A_280 = arith.constant 0 : i32
      %lt3A_281 = arith.cmpi slt, %rem3A_277, %lt3A_280 : i32
      %lt3A_282 = arith.constant 0 : i32
      %lt3A_283 = arith.cmpi slt, %select_n3A_276, %lt3A_282 : i32
      %ne3A_284 = arith.xori %lt3A_281, %lt3A_283 : i1
      %and3A_285 = arith.andi %ne3A_284, %ne3A_279 : i1
      %add3A_286 = arith.addi %rem3A_277, %select_n3A_276 : i32
      %select_n3A_287 = arith.select %and3A_285, %add3A_286, %rem3A_277 : i32
      %mul3A_288 = arith.constant 2800 : i32
      %mul3A_289 = arith.muli %select_n3A_287, %mul3A_288 : i32
      %jit3A_290 = arith.constant 0 : i32
      %select_n3A_291 = arith.select %lt3A_220, %mul3A_289, %jit3A_290 : i32
      %convert_element_type3A_292 = arith.extui %ne3A_211 : i1 to i32
      %cond3A_293 = arith.constant 0 : i32
      %cond3A_294 = arith.cmpi ne, %convert_element_type3A_292, %cond3A_293 : i32
      scf.if %cond3A_294 {
        %scan3A = arith.constant 0 : i32
        %scan3A_454 = arith.constant 0 : i32
        %scan3A_455 = arith.constant 88 : i32
        %scan3A_456 = arith.addi %scan3A_454, %scan3A_455 : i32
        %scan3A_457 = arith.constant 1 : i32
        scf.for %scan3A_459 = %scan3A_454 to %scan3A_456 step %scan3A_457  : i32 {
          %mul3A_460 = arith.constant 16 : i32
          %mul3A_461 = arith.muli %scan3A_459, %mul3A_460 : i32
          %swap3A = arith.index_cast %mul3A_461 : i32 to index
          %swap3A_462 = tpu.vector_load %arg8[%swap3A] {strides = array<i32>} : memref<1408xf32, #tpu.memory_space<vmem>>, vector<16xf32>,
          tpu.vector_store %arg8[%swap3A], %bitcast3A {strides = array<i32>} : memref<1408xf32, #tpu.memory_space<vmem>>, vector<16xf32>,
          %mul3A_463 = arith.constant 16 : i32
          %mul3A_464 = arith.muli %scan3A_459, %mul3A_463 : i32
          %swap3A_465 = arith.index_cast %mul3A_464 : i32 to index
          %swap3A_466 = tpu.vector_load %arg9[%swap3A_465] {strides = array<i32>} : memref<1408xf32, #tpu.memory_space<vmem>>, vector<16xf32>,
          tpu.vector_store %arg9[%swap3A_465], %bitcast3A {strides = array<i32>} : memref<1408xf32, #tpu.memory_space<vmem>>, vector<16xf32>,
        }
        %scan3A_458 = arith.constant 88 : i32
        "tpu.region"() ({
          %run_scoped3A_459 = tpu.sem_alloc : memref<!tpu.dma_semaphore, #tpu.memory_space<semaphore_mem>>
          %dma_start3A_460 = arith.constant 0 : i32
          %dma_start3A_461 = tpu.memref_slice %arg3[%select_n3A_168, %dma_start3A_460] : memref<24x32xf32, #tpu.memory_space<hbm>> -> memref<1x32xf32, #tpu.memory_space<hbm>>
          %dma_start3A_462 = tpu.memref_squeeze %dma_start3A_461 : memref<1x32xf32, #tpu.memory_space<hbm>> -> memref<32xf32, #tpu.memory_space<hbm>>
          %dma_start3A_463 = arith.constant 0 : i32
          %dma_start3A_464 = tpu.memref_slice %arg3[%select_n3A_168, %dma_start3A_463] : memref<24x32xf32, #tpu.memory_space<hbm>> -> memref<1x32xf32, #tpu.memory_space<hbm>>
          %dma_start3A_465 = tpu.memref_squeeze %dma_start3A_464 : memref<1x32xf32, #tpu.memory_space<hbm>> -> memref<32xf32, #tpu.memory_space<hbm>>
          tpu.enqueue_dma source(%dma_start3A_465 : memref<32xf32, #tpu.memory_space<hbm>>) target(%arg7 : memref<32xf32, #tpu.memory_space<vmem>>) target_semaphore(%run_scoped3A_459 : memref<!tpu.dma_semaphore, #tpu.memory_space<semaphore_mem>>)
          %dma_wait3A = arith.constant 0 : i32
          %dma_wait3A_466 = tpu.memref_slice %arg3[%select_n3A_168, %dma_wait3A] : memref<24x32xf32, #tpu.memory_space<hbm>> -> memref<1x32xf32, #tpu.memory_space<hbm>>
          %dma_wait3A_467 = tpu.memref_squeeze %dma_wait3A_466 : memref<1x32xf32, #tpu.memory_space<hbm>> -> memref<32xf32, #tpu.memory_space<hbm>>
          %dma_wait3A_468 = arith.constant 0 : i32
          %dma_wait3A_469 = tpu.memref_slice %arg3[%select_n3A_168, %dma_wait3A_468] : memref<24x32xf32, #tpu.memory_space<hbm>> -> memref<1x32xf32, #tpu.memory_space<hbm>>
          %dma_wait3A_470 = tpu.memref_squeeze %dma_wait3A_469 : memref<1x32xf32, #tpu.memory_space<hbm>> -> memref<32xf32, #tpu.memory_space<hbm>>
          tpu.wait_dma2 semaphore(%run_scoped3A_459 : memref<!tpu.dma_semaphore, #tpu.memory_space<semaphore_mem>>) src(%dma_wait3A_470 : memref<32xf32, #tpu.memory_space<hbm>>) dst(%arg7 : memref<32xf32, #tpu.memory_space<vmem>>)
          tpu.yield
        }) : () -> ()
      } else {
      }
      %get3A = arith.constant 0 : index
      %get3A_295 = tpu.vector_load %arg7[%get3A] {strides = array<i32>} : memref<32xf32, #tpu.memory_space<vmem>>, vector<16xf32>,
      %get3A_296 = arith.constant 16 : index
      %get3A_297 = tpu.vector_load %arg7[%get3A_296] {strides = array<i32>} : memref<32xf32, #tpu.memory_space<vmem>>, vector<16xf32>,
      %broadcast_in_dim3A_298 = arith.constant 0 : i32
      %broadcast_in_dim3A_299 = vector.broadcast %broadcast_in_dim3A_298 : i32 to vector<16xi32>
      %broadcast_in_dim3A_300 = vector.shape_cast %broadcast_in_dim3A_299 : vector<16xi32> to vector<16x1xi32>
      %gather3A = vector.shape_cast %broadcast_in_dim3A_300 : vector<16x1xi32> to vector<16xi32>
      %gather3A_301 = tpu.dynamic_gather %get3A_295[%gather3A] in [0] : vector<16xf32>, vector<16xi32> -> vector<16xf32>
      %broadcast_in_dim3A_302 = arith.constant 1 : i32
      %broadcast_in_dim3A_303 = vector.broadcast %broadcast_in_dim3A_302 : i32 to vector<16xi32>
      %broadcast_in_dim3A_304 = vector.shape_cast %broadcast_in_dim3A_303 : vector<16xi32> to vector<16x1xi32>
      %gather3A_305 = vector.shape_cast %broadcast_in_dim3A_304 : vector<16x1xi32> to vector<16xi32>
      %gather3A_306 = tpu.dynamic_gather %get3A_295[%gather3A_305] in [0] : vector<16xf32>, vector<16xi32> -> vector<16xf32>
      %broadcast_in_dim3A_307 = arith.constant 2 : i32
      %broadcast_in_dim3A_308 = vector.broadcast %broadcast_in_dim3A_307 : i32 to vector<16xi32>
      %broadcast_in_dim3A_309 = vector.shape_cast %broadcast_in_dim3A_308 : vector<16xi32> to vector<16x1xi32>
      %gather3A_310 = vector.shape_cast %broadcast_in_dim3A_309 : vector<16x1xi32> to vector<16xi32>
      %gather3A_311 = tpu.dynamic_gather %get3A_295[%gather3A_310] in [0] : vector<16xf32>, vector<16xi32> -> vector<16xf32>
      %broadcast_in_dim3A_312 = arith.constant 3 : i32
      %broadcast_in_dim3A_313 = vector.broadcast %broadcast_in_dim3A_312 : i32 to vector<16xi32>
      %broadcast_in_dim3A_314 = vector.shape_cast %broadcast_in_dim3A_313 : vector<16xi32> to vector<16x1xi32>
      %gather3A_315 = vector.shape_cast %broadcast_in_dim3A_314 : vector<16x1xi32> to vector<16xi32>
      %gather3A_316 = tpu.dynamic_gather %get3A_295[%gather3A_315] in [0] : vector<16xf32>, vector<16xi32> -> vector<16xf32>
      %broadcast_in_dim3A_317 = arith.constant 4 : i32
      %broadcast_in_dim3A_318 = vector.broadcast %broadcast_in_dim3A_317 : i32 to vector<16xi32>
      %broadcast_in_dim3A_319 = vector.shape_cast %broadcast_in_dim3A_318 : vector<16xi32> to vector<16x1xi32>
      %gather3A_320 = vector.shape_cast %broadcast_in_dim3A_319 : vector<16x1xi32> to vector<16xi32>
      %gather3A_321 = tpu.dynamic_gather %get3A_295[%gather3A_320] in [0] : vector<16xf32>, vector<16xi32> -> vector<16xf32>
      %broadcast_in_dim3A_322 = arith.constant 5 : i32
      %broadcast_in_dim3A_323 = vector.broadcast %broadcast_in_dim3A_322 : i32 to vector<16xi32>
      %broadcast_in_dim3A_324 = vector.shape_cast %broadcast_in_dim3A_323 : vector<16xi32> to vector<16x1xi32>
      %gather3A_325 = vector.shape_cast %broadcast_in_dim3A_324 : vector<16x1xi32> to vector<16xi32>
      %gather3A_326 = tpu.dynamic_gather %get3A_295[%gather3A_325] in [0] : vector<16xf32>, vector<16xi32> -> vector<16xf32>
      %broadcast_in_dim3A_327 = arith.constant 6 : i32
      %broadcast_in_dim3A_328 = vector.broadcast %broadcast_in_dim3A_327 : i32 to vector<16xi32>
      %broadcast_in_dim3A_329 = vector.shape_cast %broadcast_in_dim3A_328 : vector<16xi32> to vector<16x1xi32>
      %gather3A_330 = vector.shape_cast %broadcast_in_dim3A_329 : vector<16x1xi32> to vector<16xi32>
      %gather3A_331 = tpu.dynamic_gather %get3A_295[%gather3A_330] in [0] : vector<16xf32>, vector<16xi32> -> vector<16xf32>
      %broadcast_in_dim3A_332 = arith.constant 7 : i32
      %broadcast_in_dim3A_333 = vector.broadcast %broadcast_in_dim3A_332 : i32 to vector<16xi32>
      %broadcast_in_dim3A_334 = vector.shape_cast %broadcast_in_dim3A_333 : vector<16xi32> to vector<16x1xi32>
      %gather3A_335 = vector.shape_cast %broadcast_in_dim3A_334 : vector<16x1xi32> to vector<16xi32>
      %gather3A_336 = tpu.dynamic_gather %get3A_295[%gather3A_335] in [0] : vector<16xf32>, vector<16xi32> -> vector<16xf32>
      %broadcast_in_dim3A_337 = arith.constant 8 : i32
      %broadcast_in_dim3A_338 = vector.broadcast %broadcast_in_dim3A_337 : i32 to vector<16xi32>
      %broadcast_in_dim3A_339 = vector.shape_cast %broadcast_in_dim3A_338 : vector<16xi32> to vector<16x1xi32>
      %gather3A_340 = vector.shape_cast %broadcast_in_dim3A_339 : vector<16x1xi32> to vector<16xi32>
      %gather3A_341 = tpu.dynamic_gather %get3A_295[%gather3A_340] in [0] : vector<16xf32>, vector<16xi32> -> vector<16xf32>
      %broadcast_in_dim3A_342 = arith.constant 9 : i32
      %broadcast_in_dim3A_343 = vector.broadcast %broadcast_in_dim3A_342 : i32 to vector<16xi32>
      %broadcast_in_dim3A_344 = vector.shape_cast %broadcast_in_dim3A_343 : vector<16xi32> to vector<16x1xi32>
      %gather3A_345 = vector.shape_cast %broadcast_in_dim3A_344 : vector<16x1xi32> to vector<16xi32>
      %gather3A_346 = tpu.dynamic_gather %get3A_295[%gather3A_345] in [0] : vector<16xf32>, vector<16xi32> -> vector<16xf32>
      %broadcast_in_dim3A_347 = arith.constant 10 : i32
      %broadcast_in_dim3A_348 = vector.broadcast %broadcast_in_dim3A_347 : i32 to vector<16xi32>
      %broadcast_in_dim3A_349 = vector.shape_cast %broadcast_in_dim3A_348 : vector<16xi32> to vector<16x1xi32>
      %gather3A_350 = vector.shape_cast %broadcast_in_dim3A_349 : vector<16x1xi32> to vector<16xi32>
      %gather3A_351 = tpu.dynamic_gather %get3A_295[%gather3A_350] in [0] : vector<16xf32>, vector<16xi32> -> vector<16xf32>
      %broadcast_in_dim3A_352 = arith.constant 11 : i32
      %broadcast_in_dim3A_353 = vector.broadcast %broadcast_in_dim3A_352 : i32 to vector<16xi32>
      %broadcast_in_dim3A_354 = vector.shape_cast %broadcast_in_dim3A_353 : vector<16xi32> to vector<16x1xi32>
      %gather3A_355 = vector.shape_cast %broadcast_in_dim3A_354 : vector<16x1xi32> to vector<16xi32>
      %gather3A_356 = tpu.dynamic_gather %get3A_295[%gather3A_355] in [0] : vector<16xf32>, vector<16xi32> -> vector<16xf32>
      %broadcast_in_dim3A_357 = arith.constant 12 : i32
      %broadcast_in_dim3A_358 = vector.broadcast %broadcast_in_dim3A_357 : i32 to vector<16xi32>
      %broadcast_in_dim3A_359 = vector.shape_cast %broadcast_in_dim3A_358 : vector<16xi32> to vector<16x1xi32>
      %gather3A_360 = vector.shape_cast %broadcast_in_dim3A_359 : vector<16x1xi32> to vector<16xi32>
      %gather3A_361 = tpu.dynamic_gather %get3A_295[%gather3A_360] in [0] : vector<16xf32>, vector<16xi32> -> vector<16xf32>
      %broadcast_in_dim3A_362 = arith.constant 13 : i32
      %broadcast_in_dim3A_363 = vector.broadcast %broadcast_in_dim3A_362 : i32 to vector<16xi32>
      %broadcast_in_dim3A_364 = vector.shape_cast %broadcast_in_dim3A_363 : vector<16xi32> to vector<16x1xi32>
      %gather3A_365 = vector.shape_cast %broadcast_in_dim3A_364 : vector<16x1xi32> to vector<16xi32>
      %gather3A_366 = tpu.dynamic_gather %get3A_295[%gather3A_365] in [0] : vector<16xf32>, vector<16xi32> -> vector<16xf32>
      %broadcast_in_dim3A_367 = arith.constant 14 : i32
      %broadcast_in_dim3A_368 = vector.broadcast %broadcast_in_dim3A_367 : i32 to vector<16xi32>
      %broadcast_in_dim3A_369 = vector.shape_cast %broadcast_in_dim3A_368 : vector<16xi32> to vector<16x1xi32>
      %gather3A_370 = vector.shape_cast %broadcast_in_dim3A_369 : vector<16x1xi32> to vector<16xi32>
      %gather3A_371 = tpu.dynamic_gather %get3A_295[%gather3A_370] in [0] : vector<16xf32>, vector<16xi32> -> vector<16xf32>
      %broadcast_in_dim3A_372 = arith.constant 15 : i32
      %broadcast_in_dim3A_373 = vector.broadcast %broadcast_in_dim3A_372 : i32 to vector<16xi32>
      %broadcast_in_dim3A_374 = vector.shape_cast %broadcast_in_dim3A_373 : vector<16xi32> to vector<16x1xi32>
      %gather3A_375 = vector.shape_cast %broadcast_in_dim3A_374 : vector<16x1xi32> to vector<16xi32>
      %gather3A_376 = tpu.dynamic_gather %get3A_295[%gather3A_375] in [0] : vector<16xf32>, vector<16xi32> -> vector<16xf32>
      %broadcast_in_dim3A_377 = arith.constant 0 : i32
      %broadcast_in_dim3A_378 = vector.broadcast %broadcast_in_dim3A_377 : i32 to vector<16xi32>
      %broadcast_in_dim3A_379 = vector.shape_cast %broadcast_in_dim3A_378 : vector<16xi32> to vector<16x1xi32>
      %gather3A_380 = vector.shape_cast %broadcast_in_dim3A_379 : vector<16x1xi32> to vector<16xi32>
      %gather3A_381 = tpu.dynamic_gather %get3A_297[%gather3A_380] in [0] : vector<16xf32>, vector<16xi32> -> vector<16xf32>
      %broadcast_in_dim3A_382 = arith.constant 1 : i32
      %broadcast_in_dim3A_383 = vector.broadcast %broadcast_in_dim3A_382 : i32 to vector<16xi32>
      %broadcast_in_dim3A_384 = vector.shape_cast %broadcast_in_dim3A_383 : vector<16xi32> to vector<16x1xi32>
      %gather3A_385 = vector.shape_cast %broadcast_in_dim3A_384 : vector<16x1xi32> to vector<16xi32>
      %gather3A_386 = tpu.dynamic_gather %get3A_297[%gather3A_385] in [0] : vector<16xf32>, vector<16xi32> -> vector<16xf32>
      %broadcast_in_dim3A_387 = arith.constant 2 : i32
      %broadcast_in_dim3A_388 = vector.broadcast %broadcast_in_dim3A_387 : i32 to vector<16xi32>
      %broadcast_in_dim3A_389 = vector.shape_cast %broadcast_in_dim3A_388 : vector<16xi32> to vector<16x1xi32>
      %gather3A_390 = vector.shape_cast %broadcast_in_dim3A_389 : vector<16x1xi32> to vector<16xi32>
      %gather3A_391 = tpu.dynamic_gather %get3A_297[%gather3A_390] in [0] : vector<16xf32>, vector<16xi32> -> vector<16xf32>
      %broadcast_in_dim3A_392 = arith.constant 3 : i32
      %broadcast_in_dim3A_393 = vector.broadcast %broadcast_in_dim3A_392 : i32 to vector<16xi32>
      %broadcast_in_dim3A_394 = vector.shape_cast %broadcast_in_dim3A_393 : vector<16xi32> to vector<16x1xi32>
      %gather3A_395 = vector.shape_cast %broadcast_in_dim3A_394 : vector<16x1xi32> to vector<16xi32>
      %gather3A_396 = tpu.dynamic_gather %get3A_297[%gather3A_395] in [0] : vector<16xf32>, vector<16xi32> -> vector<16xf32>
      %broadcast_in_dim3A_397 = arith.constant 4 : i32
      %broadcast_in_dim3A_398 = vector.broadcast %broadcast_in_dim3A_397 : i32 to vector<16xi32>
      %broadcast_in_dim3A_399 = vector.shape_cast %broadcast_in_dim3A_398 : vector<16xi32> to vector<16x1xi32>
      %gather3A_400 = vector.shape_cast %broadcast_in_dim3A_399 : vector<16x1xi32> to vector<16xi32>
      %gather3A_401 = tpu.dynamic_gather %get3A_297[%gather3A_400] in [0] : vector<16xf32>, vector<16xi32> -> vector<16xf32>
      %broadcast_in_dim3A_402 = arith.constant 5 : i32
      %broadcast_in_dim3A_403 = vector.broadcast %broadcast_in_dim3A_402 : i32 to vector<16xi32>
      %broadcast_in_dim3A_404 = vector.shape_cast %broadcast_in_dim3A_403 : vector<16xi32> to vector<16x1xi32>
      %gather3A_405 = vector.shape_cast %broadcast_in_dim3A_404 : vector<16x1xi32> to vector<16xi32>
      %gather3A_406 = tpu.dynamic_gather %get3A_297[%gather3A_405] in [0] : vector<16xf32>, vector<16xi32> -> vector<16xf32>
      %broadcast_in_dim3A_407 = arith.constant 6 : i32
      %broadcast_in_dim3A_408 = vector.broadcast %broadcast_in_dim3A_407 : i32 to vector<16xi32>
      %broadcast_in_dim3A_409 = vector.shape_cast %broadcast_in_dim3A_408 : vector<16xi32> to vector<16x1xi32>
      %gather3A_410 = vector.shape_cast %broadcast_in_dim3A_409 : vector<16x1xi32> to vector<16xi32>
      %gather3A_411 = tpu.dynamic_gather %get3A_297[%gather3A_410] in [0] : vector<16xf32>, vector<16xi32> -> vector<16xf32>
      %broadcast_in_dim3A_412 = arith.constant 7 : i32
      %broadcast_in_dim3A_413 = vector.broadcast %broadcast_in_dim3A_412 : i32 to vector<16xi32>
      %broadcast_in_dim3A_414 = vector.shape_cast %broadcast_in_dim3A_413 : vector<16xi32> to vector<16x1xi32>
      %gather3A_415 = vector.shape_cast %broadcast_in_dim3A_414 : vector<16x1xi32> to vector<16xi32>
      %gather3A_416 = tpu.dynamic_gather %get3A_297[%gather3A_415] in [0] : vector<16xf32>, vector<16xi32> -> vector<16xf32>
      %broadcast_in_dim3A_417 = arith.constant 8 : i32
      %broadcast_in_dim3A_418 = vector.broadcast %broadcast_in_dim3A_417 : i32 to vector<16xi32>
      %broadcast_in_dim3A_419 = vector.shape_cast %broadcast_in_dim3A_418 : vector<16xi32> to vector<16x1xi32>
      %gather3A_420 = vector.shape_cast %broadcast_in_dim3A_419 : vector<16x1xi32> to vector<16xi32>
      %gather3A_421 = tpu.dynamic_gather %get3A_297[%gather3A_420] in [0] : vector<16xf32>, vector<16xi32> -> vector<16xf32>
      %broadcast_in_dim3A_422 = arith.constant 9 : i32
      %broadcast_in_dim3A_423 = vector.broadcast %broadcast_in_dim3A_422 : i32 to vector<16xi32>
      %broadcast_in_dim3A_424 = vector.shape_cast %broadcast_in_dim3A_423 : vector<16xi32> to vector<16x1xi32>
      %gather3A_425 = vector.shape_cast %broadcast_in_dim3A_424 : vector<16x1xi32> to vector<16xi32>
      %gather3A_426 = tpu.dynamic_gather %get3A_297[%gather3A_425] in [0] : vector<16xf32>, vector<16xi32> -> vector<16xf32>
      %broadcast_in_dim3A_427 = arith.constant 10 : i32
      %broadcast_in_dim3A_428 = vector.broadcast %broadcast_in_dim3A_427 : i32 to vector<16xi32>
      %broadcast_in_dim3A_429 = vector.shape_cast %broadcast_in_dim3A_428 : vector<16xi32> to vector<16x1xi32>
      %gather3A_430 = vector.shape_cast %broadcast_in_dim3A_429 : vector<16x1xi32> to vector<16xi32>
      %gather3A_431 = tpu.dynamic_gather %get3A_297[%gather3A_430] in [0] : vector<16xf32>, vector<16xi32> -> vector<16xf32>
      %broadcast_in_dim3A_432 = arith.constant 11 : i32
      %broadcast_in_dim3A_433 = vector.broadcast %broadcast_in_dim3A_432 : i32 to vector<16xi32>
      %broadcast_in_dim3A_434 = vector.shape_cast %broadcast_in_dim3A_433 : vector<16xi32> to vector<16x1xi32>
      %gather3A_435 = vector.shape_cast %broadcast_in_dim3A_434 : vector<16x1xi32> to vector<16xi32>
      %gather3A_436 = tpu.dynamic_gather %get3A_297[%gather3A_435] in [0] : vector<16xf32>, vector<16xi32> -> vector<16xf32>
      %broadcast_in_dim3A_437 = arith.constant 12 : i32
      %broadcast_in_dim3A_438 = vector.broadcast %broadcast_in_dim3A_437 : i32 to vector<16xi32>
      %broadcast_in_dim3A_439 = vector.shape_cast %broadcast_in_dim3A_438 : vector<16xi32> to vector<16x1xi32>
      %gather3A_440 = vector.shape_cast %broadcast_in_dim3A_439 : vector<16x1xi32> to vector<16xi32>
      %gather3A_441 = tpu.dynamic_gather %get3A_297[%gather3A_440] in [0] : vector<16xf32>, vector<16xi32> -> vector<16xf32>
      %rem3A_442 = arith.constant 2 : i32
      %rem3A_443 = arith.remsi %while3A_141, %rem3A_442 : i32
      %eq3A_444 = arith.constant 0 : i32
      %eq3A_445 = arith.cmpi eq, %rem3A_443, %eq3A_444 : i32
      %convert_element_type3A_446 = arith.extui %eq3A_445 : i1 to i32
      %cond3A_447 = arith.constant 0 : i32
      %cond3A_448 = arith.cmpi ne, %convert_element_type3A_446, %cond3A_447 : i32
      scf.if %cond3A_448 {
        %mul3A_454 = arith.constant 4 : i32
        %mul3A_455 = arith.muli %select_n3A_192, %mul3A_454 : i32
        %add3A_456 = arith.constant 0 : i32
        %add3A_457 = arith.addi %mul3A_455, %add3A_456 : i32
        %dma_wait3A = arith.constant 0 : i32
        %dma_wait3A_458 = arith.constant 0 : i32
        %dma_wait3A_459 = tpu.memref_slice %arg5[%dma_wait3A, %dma_wait3A_458] : memref<4x2800xf32, #tpu.memory_space<vmem>> -> memref<1x2800xf32, #tpu.memory_space<vmem>>
        %dma_wait3A_460 = tpu.memref_squeeze %dma_wait3A_459 : memref<1x2800xf32, #tpu.memory_space<vmem>> -> memref<2800xf32, #tpu.memory_space<vmem>>
        %dma_wait3A_461 = tpu.memref_slice %arg2[%add3A_457, %mul3A_210] : memref<16x70000xf32, #tpu.memory_space<hbm>> -> memref<1x2800xf32, #tpu.memory_space<hbm>>
        %dma_wait3A_462 = tpu.memref_squeeze %dma_wait3A_461 : memref<1x2800xf32, #tpu.memory_space<hbm>> -> memref<2800xf32, #tpu.memory_space<hbm>>
        %dma_wait3A_463 = arith.constant 0 : i32
        %dma_wait3A_464 = tpu.memref_slice %arg5[%dma_wait3A, %dma_wait3A_463] : memref<4x2800xf32, #tpu.memory_space<vmem>> -> memref<1x2800xf32, #tpu.memory_space<vmem>>
        %dma_wait3A_465 = tpu.memref_squeeze %dma_wait3A_464 : memref<1x2800xf32, #tpu.memory_space<vmem>> -> memref<2800xf32, #tpu.memory_space<vmem>>
        %dma_wait3A_466 = tpu.memref_slice %arg2[%add3A_457, %mul3A_210] : memref<16x70000xf32, #tpu.memory_space<hbm>> -> memref<1x2800xf32, #tpu.memory_space<hbm>>
        %dma_wait3A_467 = tpu.memref_squeeze %dma_wait3A_466 : memref<1x2800xf32, #tpu.memory_space<hbm>> -> memref<2800xf32, #tpu.memory_space<hbm>>
        tpu.wait_dma2 semaphore(%arg10 : memref<!tpu.dma_semaphore, #tpu.memory_space<semaphore_mem>>) src(%dma_wait3A_467 : memref<2800xf32, #tpu.memory_space<hbm>>) dst(%dma_wait3A_465 : memref<2800xf32, #tpu.memory_space<vmem>>)
        %mul3A_468 = arith.constant 4 : i32
        %mul3A_469 = arith.muli %select_n3A_192, %mul3A_468 : i32
        %add3A_470 = arith.constant 1 : i32
        %add3A_471 = arith.addi %mul3A_469, %add3A_470 : i32
        %dma_wait3A_472 = arith.constant 1 : i32
        %dma_wait3A_473 = arith.constant 0 : i32
        %dma_wait3A_474 = tpu.memref_slice %arg5[%dma_wait3A_472, %dma_wait3A_473] : memref<4x2800xf32, #tpu.memory_space<vmem>> -> memref<1x2800xf32, #tpu.memory_space<vmem>>
        %dma_wait3A_475 = tpu.memref_squeeze %dma_wait3A_474 : memref<1x2800xf32, #tpu.memory_space<vmem>> -> memref<2800xf32, #tpu.memory_space<vmem>>
        %dma_wait3A_476 = tpu.memref_slice %arg2[%add3A_471, %mul3A_210] : memref<16x70000xf32, #tpu.memory_space<hbm>> -> memref<1x2800xf32, #tpu.memory_space<hbm>>
        %dma_wait3A_477 = tpu.memref_squeeze %dma_wait3A_476 : memref<1x2800xf32, #tpu.memory_space<hbm>> -> memref<2800xf32, #tpu.memory_space<hbm>>
        %dma_wait3A_478 = arith.constant 0 : i32
        %dma_wait3A_479 = tpu.memref_slice %arg5[%dma_wait3A_472, %dma_wait3A_478] : memref<4x2800xf32, #tpu.memory_space<vmem>> -> memref<1x2800xf32, #tpu.memory_space<vmem>>
        %dma_wait3A_480 = tpu.memref_squeeze %dma_wait3A_479 : memref<1x2800xf32, #tpu.memory_space<vmem>> -> memref<2800xf32, #tpu.memory_space<vmem>>
        %dma_wait3A_481 = tpu.memref_slice %arg2[%add3A_471, %mul3A_210] : memref<16x70000xf32, #tpu.memory_space<hbm>> -> memref<1x2800xf32, #tpu.memory_space<hbm>>
        %dma_wait3A_482 = tpu.memref_squeeze %dma_wait3A_481 : memref<1x2800xf32, #tpu.memory_space<hbm>> -> memref<2800xf32, #tpu.memory_space<hbm>>
        tpu.wait_dma2 semaphore(%arg10 : memref<!tpu.dma_semaphore, #tpu.memory_space<semaphore_mem>>) src(%dma_wait3A_482 : memref<2800xf32, #tpu.memory_space<hbm>>) dst(%dma_wait3A_480 : memref<2800xf32, #tpu.memory_space<vmem>>)
        %mul3A_483 = arith.constant 4 : i32
        %mul3A_484 = arith.muli %select_n3A_192, %mul3A_483 : i32
        %add3A_485 = arith.constant 2 : i32
        %add3A_486 = arith.addi %mul3A_484, %add3A_485 : i32
        %dma_wait3A_487 = arith.constant 2 : i32
        %dma_wait3A_488 = arith.constant 0 : i32
        %dma_wait3A_489 = tpu.memref_slice %arg5[%dma_wait3A_487, %dma_wait3A_488] : memref<4x2800xf32, #tpu.memory_space<vmem>> -> memref<1x2800xf32, #tpu.memory_space<vmem>>
        %dma_wait3A_490 = tpu.memref_squeeze %dma_wait3A_489 : memref<1x2800xf32, #tpu.memory_space<vmem>> -> memref<2800xf32, #tpu.memory_space<vmem>>
        %dma_wait3A_491 = tpu.memref_slice %arg2[%add3A_486, %mul3A_210] : memref<16x70000xf32, #tpu.memory_space<hbm>> -> memref<1x2800xf32, #tpu.memory_space<hbm>>
        %dma_wait3A_492 = tpu.memref_squeeze %dma_wait3A_491 : memref<1x2800xf32, #tpu.memory_space<hbm>> -> memref<2800xf32, #tpu.memory_space<hbm>>
        %dma_wait3A_493 = arith.constant 0 : i32
        %dma_wait3A_494 = tpu.memref_slice %arg5[%dma_wait3A_487, %dma_wait3A_493] : memref<4x2800xf32, #tpu.memory_space<vmem>> -> memref<1x2800xf32, #tpu.memory_space<vmem>>
        %dma_wait3A_495 = tpu.memref_squeeze %dma_wait3A_494 : memref<1x2800xf32, #tpu.memory_space<vmem>> -> memref<2800xf32, #tpu.memory_space<vmem>>
        %dma_wait3A_496 = tpu.memref_slice %arg2[%add3A_486, %mul3A_210] : memref<16x70000xf32, #tpu.memory_space<hbm>> -> memref<1x2800xf32, #tpu.memory_space<hbm>>
        %dma_wait3A_497 = tpu.memref_squeeze %dma_wait3A_496 : memref<1x2800xf32, #tpu.memory_space<hbm>> -> memref<2800xf32, #tpu.memory_space<hbm>>
        tpu.wait_dma2 semaphore(%arg10 : memref<!tpu.dma_semaphore, #tpu.memory_space<semaphore_mem>>) src(%dma_wait3A_497 : memref<2800xf32, #tpu.memory_space<hbm>>) dst(%dma_wait3A_495 : memref<2800xf32, #tpu.memory_space<vmem>>)
        %mul3A_498 = arith.constant 4 : i32
        %mul3A_499 = arith.muli %select_n3A_192, %mul3A_498 : i32
        %add3A_500 = arith.constant 3 : i32
        %add3A_501 = arith.addi %mul3A_499, %add3A_500 : i32
        %dma_wait3A_502 = arith.constant 3 : i32
        %dma_wait3A_503 = arith.constant 0 : i32
        %dma_wait3A_504 = tpu.memref_slice %arg5[%dma_wait3A_502, %dma_wait3A_503] : memref<4x2800xf32, #tpu.memory_space<vmem>> -> memref<1x2800xf32, #tpu.memory_space<vmem>>
        %dma_wait3A_505 = tpu.memref_squeeze %dma_wait3A_504 : memref<1x2800xf32, #tpu.memory_space<vmem>> -> memref<2800xf32, #tpu.memory_space<vmem>>
        %dma_wait3A_506 = tpu.memref_slice %arg2[%add3A_501, %mul3A_210] : memref<16x70000xf32, #tpu.memory_space<hbm>> -> memref<1x2800xf32, #tpu.memory_space<hbm>>
        %dma_wait3A_507 = tpu.memref_squeeze %dma_wait3A_506 : memref<1x2800xf32, #tpu.memory_space<hbm>> -> memref<2800xf32, #tpu.memory_space<hbm>>
        %dma_wait3A_508 = arith.constant 0 : i32
        %dma_wait3A_509 = tpu.memref_slice %arg5[%dma_wait3A_502, %dma_wait3A_508] : memref<4x2800xf32, #tpu.memory_space<vmem>> -> memref<1x2800xf32, #tpu.memory_space<vmem>>
        %dma_wait3A_510 = tpu.memref_squeeze %dma_wait3A_509 : memref<1x2800xf32, #tpu.memory_space<vmem>> -> memref<2800xf32, #tpu.memory_space<vmem>>
        %dma_wait3A_511 = tpu.memref_slice %arg2[%add3A_501, %mul3A_210] : memref<16x70000xf32, #tpu.memory_space<hbm>> -> memref<1x2800xf32, #tpu.memory_space<hbm>>
        %dma_wait3A_512 = tpu.memref_squeeze %dma_wait3A_511 : memref<1x2800xf32, #tpu.memory_space<hbm>> -> memref<2800xf32, #tpu.memory_space<hbm>>
        tpu.wait_dma2 semaphore(%arg10 : memref<!tpu.dma_semaphore, #tpu.memory_space<semaphore_mem>>) src(%dma_wait3A_512 : memref<2800xf32, #tpu.memory_space<hbm>>) dst(%dma_wait3A_510 : memref<2800xf32, #tpu.memory_space<vmem>>)
        %convert_element_type3A_513 = arith.extui %lt3A_220 : i1 to i32
        %cond3A_514 = arith.constant 0 : i32
        %cond3A_515 = arith.cmpi ne, %convert_element_type3A_513, %cond3A_514 : i32
        scf.if %cond3A_515 {
          %mul3A_521 = arith.constant 4 : i32
          %mul3A_522 = arith.muli %select_n3A_271, %mul3A_521 : i32
          %add3A_523 = arith.constant 0 : i32
          %add3A_524 = arith.addi %mul3A_522, %add3A_523 : i32
          %dma_start3A_525 = arith.constant 0 : i32
          %dma_start3A_526 = arith.constant 0 : i32
          %dma_start3A_527 = tpu.memref_slice %arg6[%dma_start3A_525, %dma_start3A_526] : memref<4x2800xf32, #tpu.memory_space<vmem>> -> memref<1x2800xf32, #tpu.memory_space<vmem>>
          %dma_start3A_528 = tpu.memref_squeeze %dma_start3A_527 : memref<1x2800xf32, #tpu.memory_space<vmem>> -> memref<2800xf32, #tpu.memory_space<vmem>>
          %dma_start3A_529 = tpu.memref_slice %arg2[%add3A_524, %select_n3A_291] : memref<16x70000xf32, #tpu.memory_space<hbm>> -> memref<1x2800xf32, #tpu.memory_space<hbm>>
          %dma_start3A_530 = tpu.memref_squeeze %dma_start3A_529 : memref<1x2800xf32, #tpu.memory_space<hbm>> -> memref<2800xf32, #tpu.memory_space<hbm>>
          %dma_start3A_531 = arith.constant 0 : i32
          %dma_start3A_532 = tpu.memref_slice %arg6[%dma_start3A_525, %dma_start3A_531] : memref<4x2800xf32, #tpu.memory_space<vmem>> -> memref<1x2800xf32, #tpu.memory_space<vmem>>
          %dma_start3A_533 = tpu.memref_squeeze %dma_start3A_532 : memref<1x2800xf32, #tpu.memory_space<vmem>> -> memref<2800xf32, #tpu.memory_space<vmem>>
          %dma_start3A_534 = tpu.memref_slice %arg2[%add3A_524, %select_n3A_291] : memref<16x70000xf32, #tpu.memory_space<hbm>> -> memref<1x2800xf32, #tpu.memory_space<hbm>>
          %dma_start3A_535 = tpu.memref_squeeze %dma_start3A_534 : memref<1x2800xf32, #tpu.memory_space<hbm>> -> memref<2800xf32, #tpu.memory_space<hbm>>
          tpu.enqueue_dma source(%dma_start3A_535 : memref<2800xf32, #tpu.memory_space<hbm>>) target(%dma_start3A_533 : memref<2800xf32, #tpu.memory_space<vmem>>) target_semaphore(%arg11 : memref<!tpu.dma_semaphore, #tpu.memory_space<semaphore_mem>>)
          %mul3A_536 = arith.constant 4 : i32
          %mul3A_537 = arith.muli %select_n3A_271, %mul3A_536 : i32
          %add3A_538 = arith.constant 1 : i32
          %add3A_539 = arith.addi %mul3A_537, %add3A_538 : i32
          %dma_start3A_540 = arith.constant 1 : i32
          %dma_start3A_541 = arith.constant 0 : i32
          %dma_start3A_542 = tpu.memref_slice %arg6[%dma_start3A_540, %dma_start3A_541] : memref<4x2800xf32, #tpu.memory_space<vmem>> -> memref<1x2800xf32, #tpu.memory_space<vmem>>
          %dma_start3A_543 = tpu.memref_squeeze %dma_start3A_542 : memref<1x2800xf32, #tpu.memory_space<vmem>> -> memref<2800xf32, #tpu.memory_space<vmem>>
          %dma_start3A_544 = tpu.memref_slice %arg2[%add3A_539, %select_n3A_291] : memref<16x70000xf32, #tpu.memory_space<hbm>> -> memref<1x2800xf32, #tpu.memory_space<hbm>>
          %dma_start3A_545 = tpu.memref_squeeze %dma_start3A_544 : memref<1x2800xf32, #tpu.memory_space<hbm>> -> memref<2800xf32, #tpu.memory_space<hbm>>
          %dma_start3A_546 = arith.constant 0 : i32
          %dma_start3A_547 = tpu.memref_slice %arg6[%dma_start3A_540, %dma_start3A_546] : memref<4x2800xf32, #tpu.memory_space<vmem>> -> memref<1x2800xf32, #tpu.memory_space<vmem>>
          %dma_start3A_548 = tpu.memref_squeeze %dma_start3A_547 : memref<1x2800xf32, #tpu.memory_space<vmem>> -> memref<2800xf32, #tpu.memory_space<vmem>>
          %dma_start3A_549 = tpu.memref_slice %arg2[%add3A_539, %select_n3A_291] : memref<16x70000xf32, #tpu.memory_space<hbm>> -> memref<1x2800xf32, #tpu.memory_space<hbm>>
          %dma_start3A_550 = tpu.memref_squeeze %dma_start3A_549 : memref<1x2800xf32, #tpu.memory_space<hbm>> -> memref<2800xf32, #tpu.memory_space<hbm>>
          tpu.enqueue_dma source(%dma_start3A_550 : memref<2800xf32, #tpu.memory_space<hbm>>) target(%dma_start3A_548 : memref<2800xf32, #tpu.memory_space<vmem>>) target_semaphore(%arg11 : memref<!tpu.dma_semaphore, #tpu.memory_space<semaphore_mem>>)
          %mul3A_551 = arith.constant 4 : i32
          %mul3A_552 = arith.muli %select_n3A_271, %mul3A_551 : i32
          %add3A_553 = arith.constant 2 : i32
          %add3A_554 = arith.addi %mul3A_552, %add3A_553 : i32
          %dma_start3A_555 = arith.constant 2 : i32
          %dma_start3A_556 = arith.constant 0 : i32
          %dma_start3A_557 = tpu.memref_slice %arg6[%dma_start3A_555, %dma_start3A_556] : memref<4x2800xf32, #tpu.memory_space<vmem>> -> memref<1x2800xf32, #tpu.memory_space<vmem>>
          %dma_start3A_558 = tpu.memref_squeeze %dma_start3A_557 : memref<1x2800xf32, #tpu.memory_space<vmem>> -> memref<2800xf32, #tpu.memory_space<vmem>>
          %dma_start3A_559 = tpu.memref_slice %arg2[%add3A_554, %select_n3A_291] : memref<16x70000xf32, #tpu.memory_space<hbm>> -> memref<1x2800xf32, #tpu.memory_space<hbm>>
          %dma_start3A_560 = tpu.memref_squeeze %dma_start3A_559 : memref<1x2800xf32, #tpu.memory_space<hbm>> -> memref<2800xf32, #tpu.memory_space<hbm>>
          %dma_start3A_561 = arith.constant 0 : i32
          %dma_start3A_562 = tpu.memref_slice %arg6[%dma_start3A_555, %dma_start3A_561] : memref<4x2800xf32, #tpu.memory_space<vmem>> -> memref<1x2800xf32, #tpu.memory_space<vmem>>
          %dma_start3A_563 = tpu.memref_squeeze %dma_start3A_562 : memref<1x2800xf32, #tpu.memory_space<vmem>> -> memref<2800xf32, #tpu.memory_space<vmem>>
          %dma_start3A_564 = tpu.memref_slice %arg2[%add3A_554, %select_n3A_291] : memref<16x70000xf32, #tpu.memory_space<hbm>> -> memref<1x2800xf32, #tpu.memory_space<hbm>>
          %dma_start3A_565 = tpu.memref_squeeze %dma_start3A_564 : memref<1x2800xf32, #tpu.memory_space<hbm>> -> memref<2800xf32, #tpu.memory_space<hbm>>
          tpu.enqueue_dma source(%dma_start3A_565 : memref<2800xf32, #tpu.memory_space<hbm>>) target(%dma_start3A_563 : memref<2800xf32, #tpu.memory_space<vmem>>) target_semaphore(%arg11 : memref<!tpu.dma_semaphore, #tpu.memory_space<semaphore_mem>>)
          %mul3A_566 = arith.constant 4 : i32
          %mul3A_567 = arith.muli %select_n3A_271, %mul3A_566 : i32
          %add3A_568 = arith.constant 3 : i32
          %add3A_569 = arith.addi %mul3A_567, %add3A_568 : i32
          %dma_start3A_570 = arith.constant 3 : i32
          %dma_start3A_571 = arith.constant 0 : i32
          %dma_start3A_572 = tpu.memref_slice %arg6[%dma_start3A_570, %dma_start3A_571] : memref<4x2800xf32, #tpu.memory_space<vmem>> -> memref<1x2800xf32, #tpu.memory_space<vmem>>
          %dma_start3A_573 = tpu.memref_squeeze %dma_start3A_572 : memref<1x2800xf32, #tpu.memory_space<vmem>> -> memref<2800xf32, #tpu.memory_space<vmem>>
          %dma_start3A_574 = tpu.memref_slice %arg2[%add3A_569, %select_n3A_291] : memref<16x70000xf32, #tpu.memory_space<hbm>> -> memref<1x2800xf32, #tpu.memory_space<hbm>>
          %dma_start3A_575 = tpu.memref_squeeze %dma_start3A_574 : memref<1x2800xf32, #tpu.memory_space<hbm>> -> memref<2800xf32, #tpu.memory_space<hbm>>
          %dma_start3A_576 = arith.constant 0 : i32
          %dma_start3A_577 = tpu.memref_slice %arg6[%dma_start3A_570, %dma_start3A_576] : memref<4x2800xf32, #tpu.memory_space<vmem>> -> memref<1x2800xf32, #tpu.memory_space<vmem>>
          %dma_start3A_578 = tpu.memref_squeeze %dma_start3A_577 : memref<1x2800xf32, #tpu.memory_space<vmem>> -> memref<2800xf32, #tpu.memory_space<vmem>>
          %dma_start3A_579 = tpu.memref_slice %arg2[%add3A_569, %select_n3A_291] : memref<16x70000xf32, #tpu.memory_space<hbm>> -> memref<1x2800xf32, #tpu.memory_space<hbm>>
          %dma_start3A_580 = tpu.memref_squeeze %dma_start3A_579 : memref<1x2800xf32, #tpu.memory_space<hbm>> -> memref<2800xf32, #tpu.memory_space<hbm>>
          tpu.enqueue_dma source(%dma_start3A_580 : memref<2800xf32, #tpu.memory_space<hbm>>) target(%dma_start3A_578 : memref<2800xf32, #tpu.memory_space<vmem>>) target_semaphore(%arg11 : memref<!tpu.dma_semaphore, #tpu.memory_space<semaphore_mem>>)
        } else {
        }
        %scan3A = arith.constant 0 : i32
        %scan3A_516 = arith.constant 0 : i32
        %scan3A_517 = arith.constant 175 : i32
        %scan3A_518 = arith.addi %scan3A_516, %scan3A_517 : i32
        %scan3A_519 = arith.constant 1 : i32
        scf.for %scan3A_521 = %scan3A_516 to %scan3A_518 step %scan3A_519  : i32 {
          %mul3A_522 = arith.constant 16 : i32
          %mul3A_523 = arith.muli %scan3A_521, %mul3A_522 : i32
          %get3A_524 = arith.constant 0 : i32
          %get3A_525 = arith.index_cast %get3A_524 : i32 to index
          %get3A_526 = arith.index_cast %mul3A_523 : i32 to index
          %get3A_527 = tpu.vector_load %arg5[%get3A_525, %get3A_526] {strides = array<i32>} : memref<4x2800xf32, #tpu.memory_space<vmem>>, vector<16xf32>,
          %get3A_528 = arith.constant 1 : i32
          %get3A_529 = arith.index_cast %get3A_528 : i32 to index
          %get3A_530 = arith.index_cast %mul3A_523 : i32 to index
          %get3A_531 = tpu.vector_load %arg5[%get3A_529, %get3A_530] {strides = array<i32>} : memref<4x2800xf32, #tpu.memory_space<vmem>>, vector<16xf32>,
          %get3A_532 = arith.constant 2 : i32
          %get3A_533 = arith.index_cast %get3A_532 : i32 to index
          %get3A_534 = arith.index_cast %mul3A_523 : i32 to index
          %get3A_535 = tpu.vector_load %arg5[%get3A_533, %get3A_534] {strides = array<i32>} : memref<4x2800xf32, #tpu.memory_space<vmem>>, vector<16xf32>,
          %get3A_536 = arith.constant 3 : i32
          %get3A_537 = arith.index_cast %get3A_536 : i32 to index
          %get3A_538 = arith.index_cast %mul3A_523 : i32 to index
          %get3A_539 = tpu.vector_load %arg5[%get3A_537, %get3A_538] {strides = array<i32>} : memref<4x2800xf32, #tpu.memory_space<vmem>>, vector<16xf32>,
          %mul3A_540 = arith.mulf %gather3A_301, %get3A_527 : vector<16xf32>
          %mul3A_541 = arith.mulf %gather3A_306, %get3A_531 : vector<16xf32>
          %add3A_542 = arith.addf %mul3A_540, %mul3A_541 : vector<16xf32>
          %mul3A_543 = arith.mulf %gather3A_311, %get3A_535 : vector<16xf32>
          %add3A_544 = arith.addf %mul3A_543, %gather3A_316 : vector<16xf32>
          %add3A_545 = arith.addf %add3A_542, %add3A_544 : vector<16xf32>
          %bitcast3A_546 = vector.bitcast %add3A_545 : vector<16xf32> to vector<16xi32>
          %add3A_547 = arith.constant 32767 : i32
          %add3A_548 = vector.broadcast %add3A_547 : i32 to vector<16xi32>
          %add3A_549 = arith.addi %bitcast3A_546, %add3A_548 : vector<16xi32>
          %shift_right_arithmetic3A = arith.constant 16 : i32
          %shift_right_arithmetic3A_550 = vector.broadcast %shift_right_arithmetic3A : i32 to vector<16xi32>
          %shift_right_arithmetic3A_551 = arith.shrsi %bitcast3A_546, %shift_right_arithmetic3A_550 : vector<16xi32>
          %and3A_552 = arith.constant 1 : i32
          %and3A_553 = vector.broadcast %and3A_552 : i32 to vector<16xi32>
          %and3A_554 = arith.andi %shift_right_arithmetic3A_551, %and3A_553 : vector<16xi32>
          %add3A_555 = arith.addi %add3A_549, %and3A_554 : vector<16xi32>
          %and3A_556 = arith.constant -65536 : i32
          %and3A_557 = vector.broadcast %and3A_556 : i32 to vector<16xi32>
          %and3A_558 = arith.andi %add3A_555, %and3A_557 : vector<16xi32>
          %bitcast3A_559 = vector.bitcast %and3A_558 : vector<16xi32> to vector<16xf32>
          %mul3A_560 = arith.mulf %gather3A_321, %get3A_527 : vector<16xf32>
          %mul3A_561 = arith.mulf %gather3A_326, %get3A_531 : vector<16xf32>
          %add3A_562 = arith.addf %mul3A_560, %mul3A_561 : vector<16xf32>
          %mul3A_563 = arith.mulf %gather3A_331, %get3A_535 : vector<16xf32>
          %add3A_564 = arith.addf %mul3A_563, %gather3A_336 : vector<16xf32>
          %add3A_565 = arith.addf %add3A_562, %add3A_564 : vector<16xf32>
          %bitcast3A_566 = vector.bitcast %add3A_565 : vector<16xf32> to vector<16xi32>
          %add3A_567 = arith.constant 32767 : i32
          %add3A_568 = vector.broadcast %add3A_567 : i32 to vector<16xi32>
          %add3A_569 = arith.addi %bitcast3A_566, %add3A_568 : vector<16xi32>
          %shift_right_arithmetic3A_570 = arith.constant 16 : i32
          %shift_right_arithmetic3A_571 = vector.broadcast %shift_right_arithmetic3A_570 : i32 to vector<16xi32>
          %shift_right_arithmetic3A_572 = arith.shrsi %bitcast3A_566, %shift_right_arithmetic3A_571 : vector<16xi32>
          %and3A_573 = arith.constant 1 : i32
          %and3A_574 = vector.broadcast %and3A_573 : i32 to vector<16xi32>
          %and3A_575 = arith.andi %shift_right_arithmetic3A_572, %and3A_574 : vector<16xi32>
          %add3A_576 = arith.addi %add3A_569, %and3A_575 : vector<16xi32>
          %and3A_577 = arith.constant -65536 : i32
          %and3A_578 = vector.broadcast %and3A_577 : i32 to vector<16xi32>
          %and3A_579 = arith.andi %add3A_576, %and3A_578 : vector<16xi32>
          %bitcast3A_580 = vector.bitcast %and3A_579 : vector<16xi32> to vector<16xf32>
          %mul3A_581 = arith.mulf %gather3A_341, %get3A_527 : vector<16xf32>
          %mul3A_582 = arith.mulf %gather3A_346, %get3A_531 : vector<16xf32>
          %add3A_583 = arith.addf %mul3A_581, %mul3A_582 : vector<16xf32>
          %mul3A_584 = arith.mulf %gather3A_351, %get3A_535 : vector<16xf32>
          %add3A_585 = arith.addf %mul3A_584, %gather3A_356 : vector<16xf32>
          %add3A_586 = arith.addf %add3A_583, %add3A_585 : vector<16xf32>
          %bitcast3A_587 = vector.bitcast %add3A_586 : vector<16xf32> to vector<16xi32>
          %add3A_588 = arith.constant 32767 : i32
          %add3A_589 = vector.broadcast %add3A_588 : i32 to vector<16xi32>
          %add3A_590 = arith.addi %bitcast3A_587, %add3A_589 : vector<16xi32>
          %shift_right_arithmetic3A_591 = arith.constant 16 : i32
          %shift_right_arithmetic3A_592 = vector.broadcast %shift_right_arithmetic3A_591 : i32 to vector<16xi32>
          %shift_right_arithmetic3A_593 = arith.shrsi %bitcast3A_587, %shift_right_arithmetic3A_592 : vector<16xi32>
          %and3A_594 = arith.constant 1 : i32
          %and3A_595 = vector.broadcast %and3A_594 : i32 to vector<16xi32>
          %and3A_596 = arith.andi %shift_right_arithmetic3A_593, %and3A_595 : vector<16xi32>
          %add3A_597 = arith.addi %add3A_590, %and3A_596 : vector<16xi32>
          %and3A_598 = arith.constant -65536 : i32
          %and3A_599 = vector.broadcast %and3A_598 : i32 to vector<16xi32>
          %and3A_600 = arith.andi %add3A_597, %and3A_599 : vector<16xi32>
          %bitcast3A_601 = vector.bitcast %and3A_600 : vector<16xi32> to vector<16xf32>
          %mul3A_602 = arith.mulf %gather3A_361, %bitcast3A_559 : vector<16xf32>
          %mul3A_603 = arith.mulf %gather3A_366, %bitcast3A_580 : vector<16xf32>
          %add3A_604 = arith.addf %mul3A_602, %mul3A_603 : vector<16xf32>
          %mul3A_605 = arith.mulf %gather3A_371, %bitcast3A_601 : vector<16xf32>
          %add3A_606 = arith.addf %mul3A_605, %gather3A_376 : vector<16xf32>
          %add3A_607 = arith.addf %add3A_604, %add3A_606 : vector<16xf32>
          %mul3A_608 = arith.mulf %gather3A_381, %bitcast3A_559 : vector<16xf32>
          %mul3A_609 = arith.mulf %gather3A_386, %bitcast3A_580 : vector<16xf32>
          %add3A_610 = arith.addf %mul3A_608, %mul3A_609 : vector<16xf32>
          %mul3A_611 = arith.mulf %gather3A_391, %bitcast3A_601 : vector<16xf32>
          %add3A_612 = arith.addf %mul3A_611, %gather3A_396 : vector<16xf32>
          %add3A_613 = arith.addf %add3A_610, %add3A_612 : vector<16xf32>
          %mul3A_614 = arith.mulf %gather3A_401, %bitcast3A_559 : vector<16xf32>
          %mul3A_615 = arith.mulf %gather3A_406, %bitcast3A_580 : vector<16xf32>
          %add3A_616 = arith.addf %mul3A_614, %mul3A_615 : vector<16xf32>
          %mul3A_617 = arith.mulf %gather3A_411, %bitcast3A_601 : vector<16xf32>
          %add3A_618 = arith.addf %mul3A_617, %gather3A_416 : vector<16xf32>
          %add3A_619 = arith.addf %add3A_616, %add3A_618 : vector<16xf32>
          %mul3A_620 = arith.mulf %gather3A_421, %bitcast3A_559 : vector<16xf32>
          %mul3A_621 = arith.mulf %gather3A_426, %bitcast3A_580 : vector<16xf32>
          %add3A_622 = arith.addf %mul3A_620, %mul3A_621 : vector<16xf32>
          %mul3A_623 = arith.mulf %gather3A_431, %bitcast3A_601 : vector<16xf32>
          %add3A_624 = arith.addf %mul3A_623, %gather3A_436 : vector<16xf32>
          %add3A_625 = arith.addf %add3A_622, %add3A_624 : vector<16xf32>
          %max3A_626 = arith.constant 9.99999997E-7 : f32
          %max3A_627 = vector.broadcast %max3A_626 : f32 to vector<16xf32>
          %max3A_628 = arith.maximumf %add3A_619, %max3A_627 : vector<16xf32>
          %div3A_629 = arith.divf %add3A_607, %max3A_628 : vector<16xf32>
          %div3A_630 = arith.divf %add3A_613, %max3A_628 : vector<16xf32>
          %gt3A = arith.constant -5.000000e-01 : f32
          %gt3A_631 = vector.broadcast %gt3A : f32 to vector<16xf32>
          %gt3A_632 = arith.cmpf ogt, %div3A_629, %gt3A_631 : vector<16xf32>
          %lt3A_633 = arith.constant 4.950000e+01 : f32
          %lt3A_634 = vector.broadcast %lt3A_633 : f32 to vector<16xf32>
          %lt3A_635 = arith.cmpf olt, %div3A_629, %lt3A_634 : vector<16xf32>
          %and3A_636 = arith.andi %gt3A_632, %lt3A_635 : vector<16xi1>
          %gt3A_637 = arith.constant -5.000000e-01 : f32
          %gt3A_638 = vector.broadcast %gt3A_637 : f32 to vector<16xf32>
          %gt3A_639 = arith.cmpf ogt, %div3A_630, %gt3A_638 : vector<16xf32>
          %and3A_640 = arith.andi %and3A_636, %gt3A_639 : vector<16xi1>
          %lt3A_641 = arith.constant 2.750000e+01 : f32
          %lt3A_642 = vector.broadcast %lt3A_641 : f32 to vector<16xf32>
          %lt3A_643 = arith.cmpf olt, %div3A_630, %lt3A_642 : vector<16xf32>
          %and3A_644 = arith.andi %and3A_640, %lt3A_643 : vector<16xi1>
          %gt3A_645 = arith.constant 0.000000e+00 : f32
          %gt3A_646 = vector.broadcast %gt3A_645 : f32 to vector<16xf32>
          %gt3A_647 = arith.cmpf ogt, %add3A_625, %gt3A_646 : vector<16xf32>
          %and3A_648 = arith.andi %and3A_644, %gt3A_647 : vector<16xi1>
          %max3A_649 = arith.constant 0.000000e+00 : f32
          %max3A_650 = vector.broadcast %max3A_649 : f32 to vector<16xf32>
          %max3A_651 = arith.maximumf %add3A_619, %max3A_650 : vector<16xf32>
          %min3A = arith.minimumf %max3A_651, %gather3A_441 : vector<16xf32>
          %jit3A_652 = arith.constant 0.000000e+00 : f32
          %broadcast_in_dim3A_653 = vector.broadcast %jit3A_652 : f32 to vector<16xf32>
          %select_n3A_654 = arith.select %and3A_648, %min3A, %broadcast_in_dim3A_653 : vector<16xi1>, vector<16xf32>
          %max3A_655 = arith.constant 0.000000e+00 : f32
          %max3A_656 = vector.broadcast %max3A_655 : f32 to vector<16xf32>
          %max3A_657 = arith.maximumf %get3A_539, %max3A_656 : vector<16xf32>
          %min3A_658 = arith.constant 2.550000e+02 : f32
          %min3A_659 = vector.broadcast %min3A_658 : f32 to vector<16xf32>
          %min3A_660 = arith.minimumf %max3A_657, %min3A_659 : vector<16xf32>
          %jit3A_661 = arith.constant 0.000000e+00 : f32
          %broadcast_in_dim3A_662 = vector.broadcast %jit3A_661 : f32 to vector<16xf32>
          %select_n3A_663 = arith.select %and3A_648, %min3A_660, %broadcast_in_dim3A_662 : vector<16xi1>, vector<16xf32>
          %max3A_664 = arith.constant 0.000000e+00 : f32
          %max3A_665 = vector.broadcast %max3A_664 : f32 to vector<16xf32>
          %max3A_666 = arith.maximumf %div3A_630, %max3A_665 : vector<16xf32>
          %min3A_667 = arith.constant 2.700000e+01 : f32
          %min3A_668 = vector.broadcast %min3A_667 : f32 to vector<16xf32>
          %min3A_669 = arith.minimumf %max3A_666, %min3A_668 : vector<16xf32>
          %convert_element_type3A_670 = arith.fptosi %min3A_669 : vector<16xf32> to vector<16xi32>
          %max3A_671 = arith.constant 0.000000e+00 : f32
          %max3A_672 = vector.broadcast %max3A_671 : f32 to vector<16xf32>
          %max3A_673 = arith.maximumf %div3A_629, %max3A_672 : vector<16xf32>
          %min3A_674 = arith.constant 4.900000e+01 : f32
          %min3A_675 = vector.broadcast %min3A_674 : f32 to vector<16xf32>
          %min3A_676 = arith.minimumf %max3A_673, %min3A_675 : vector<16xf32>
          %convert_element_type3A_677 = arith.fptosi %min3A_676 : vector<16xf32> to vector<16xi32>
          %mul3A_678 = arith.constant 50 : i32
          %mul3A_679 = vector.broadcast %mul3A_678 : i32 to vector<16xi32>
          %mul3A_680 = arith.muli %convert_element_type3A_670, %mul3A_679 : vector<16xi32>
          %add3A_681 = arith.addi %mul3A_680, %convert_element_type3A_677 : vector<16xi32>
          tpu.vector_store_idx %arg8[%add3A_681], %select_n3A_654 : memref<1408xf32, #tpu.memory_space<vmem>>[vector<16xi32>], vector<16xf32>,
          tpu.vector_store_idx %arg9[%add3A_681], %select_n3A_663 : memref<1408xf32, #tpu.memory_space<vmem>>[vector<16xi32>], vector<16xf32>,
        }
        %scan3A_520 = arith.constant 175 : i32
      } else {
      }
      %eq3A_449 = arith.constant 1 : i32
      %eq3A_450 = arith.cmpi eq, %rem3A_443, %eq3A_449 : i32
      %convert_element_type3A_451 = arith.extui %eq3A_450 : i1 to i32
      %cond3A_452 = arith.constant 0 : i32
      %cond3A_453 = arith.cmpi ne, %convert_element_type3A_451, %cond3A_452 : i32
      scf.if %cond3A_453 {
        %mul3A_454 = arith.constant 4 : i32
        %mul3A_455 = arith.muli %select_n3A_192, %mul3A_454 : i32
        %add3A_456 = arith.constant 0 : i32
        %add3A_457 = arith.addi %mul3A_455, %add3A_456 : i32
        %dma_wait3A = arith.constant 0 : i32
        %dma_wait3A_458 = arith.constant 0 : i32
        %dma_wait3A_459 = tpu.memref_slice %arg6[%dma_wait3A, %dma_wait3A_458] : memref<4x2800xf32, #tpu.memory_space<vmem>> -> memref<1x2800xf32, #tpu.memory_space<vmem>>
        %dma_wait3A_460 = tpu.memref_squeeze %dma_wait3A_459 : memref<1x2800xf32, #tpu.memory_space<vmem>> -> memref<2800xf32, #tpu.memory_space<vmem>>
        %dma_wait3A_461 = tpu.memref_slice %arg2[%add3A_457, %mul3A_210] : memref<16x70000xf32, #tpu.memory_space<hbm>> -> memref<1x2800xf32, #tpu.memory_space<hbm>>
        %dma_wait3A_462 = tpu.memref_squeeze %dma_wait3A_461 : memref<1x2800xf32, #tpu.memory_space<hbm>> -> memref<2800xf32, #tpu.memory_space<hbm>>
        %dma_wait3A_463 = arith.constant 0 : i32
        %dma_wait3A_464 = tpu.memref_slice %arg6[%dma_wait3A, %dma_wait3A_463] : memref<4x2800xf32, #tpu.memory_space<vmem>> -> memref<1x2800xf32, #tpu.memory_space<vmem>>
        %dma_wait3A_465 = tpu.memref_squeeze %dma_wait3A_464 : memref<1x2800xf32, #tpu.memory_space<vmem>> -> memref<2800xf32, #tpu.memory_space<vmem>>
        %dma_wait3A_466 = tpu.memref_slice %arg2[%add3A_457, %mul3A_210] : memref<16x70000xf32, #tpu.memory_space<hbm>> -> memref<1x2800xf32, #tpu.memory_space<hbm>>
        %dma_wait3A_467 = tpu.memref_squeeze %dma_wait3A_466 : memref<1x2800xf32, #tpu.memory_space<hbm>> -> memref<2800xf32, #tpu.memory_space<hbm>>
        tpu.wait_dma2 semaphore(%arg11 : memref<!tpu.dma_semaphore, #tpu.memory_space<semaphore_mem>>) src(%dma_wait3A_467 : memref<2800xf32, #tpu.memory_space<hbm>>) dst(%dma_wait3A_465 : memref<2800xf32, #tpu.memory_space<vmem>>)
        %mul3A_468 = arith.constant 4 : i32
        %mul3A_469 = arith.muli %select_n3A_192, %mul3A_468 : i32
        %add3A_470 = arith.constant 1 : i32
        %add3A_471 = arith.addi %mul3A_469, %add3A_470 : i32
        %dma_wait3A_472 = arith.constant 1 : i32
        %dma_wait3A_473 = arith.constant 0 : i32
        %dma_wait3A_474 = tpu.memref_slice %arg6[%dma_wait3A_472, %dma_wait3A_473] : memref<4x2800xf32, #tpu.memory_space<vmem>> -> memref<1x2800xf32, #tpu.memory_space<vmem>>
        %dma_wait3A_475 = tpu.memref_squeeze %dma_wait3A_474 : memref<1x2800xf32, #tpu.memory_space<vmem>> -> memref<2800xf32, #tpu.memory_space<vmem>>
        %dma_wait3A_476 = tpu.memref_slice %arg2[%add3A_471, %mul3A_210] : memref<16x70000xf32, #tpu.memory_space<hbm>> -> memref<1x2800xf32, #tpu.memory_space<hbm>>
        %dma_wait3A_477 = tpu.memref_squeeze %dma_wait3A_476 : memref<1x2800xf32, #tpu.memory_space<hbm>> -> memref<2800xf32, #tpu.memory_space<hbm>>
        %dma_wait3A_478 = arith.constant 0 : i32
        %dma_wait3A_479 = tpu.memref_slice %arg6[%dma_wait3A_472, %dma_wait3A_478] : memref<4x2800xf32, #tpu.memory_space<vmem>> -> memref<1x2800xf32, #tpu.memory_space<vmem>>
        %dma_wait3A_480 = tpu.memref_squeeze %dma_wait3A_479 : memref<1x2800xf32, #tpu.memory_space<vmem>> -> memref<2800xf32, #tpu.memory_space<vmem>>
        %dma_wait3A_481 = tpu.memref_slice %arg2[%add3A_471, %mul3A_210] : memref<16x70000xf32, #tpu.memory_space<hbm>> -> memref<1x2800xf32, #tpu.memory_space<hbm>>
        %dma_wait3A_482 = tpu.memref_squeeze %dma_wait3A_481 : memref<1x2800xf32, #tpu.memory_space<hbm>> -> memref<2800xf32, #tpu.memory_space<hbm>>
        tpu.wait_dma2 semaphore(%arg11 : memref<!tpu.dma_semaphore, #tpu.memory_space<semaphore_mem>>) src(%dma_wait3A_482 : memref<2800xf32, #tpu.memory_space<hbm>>) dst(%dma_wait3A_480 : memref<2800xf32, #tpu.memory_space<vmem>>)
        %mul3A_483 = arith.constant 4 : i32
        %mul3A_484 = arith.muli %select_n3A_192, %mul3A_483 : i32
        %add3A_485 = arith.constant 2 : i32
        %add3A_486 = arith.addi %mul3A_484, %add3A_485 : i32
        %dma_wait3A_487 = arith.constant 2 : i32
        %dma_wait3A_488 = arith.constant 0 : i32
        %dma_wait3A_489 = tpu.memref_slice %arg6[%dma_wait3A_487, %dma_wait3A_488] : memref<4x2800xf32, #tpu.memory_space<vmem>> -> memref<1x2800xf32, #tpu.memory_space<vmem>>
        %dma_wait3A_490 = tpu.memref_squeeze %dma_wait3A_489 : memref<1x2800xf32, #tpu.memory_space<vmem>> -> memref<2800xf32, #tpu.memory_space<vmem>>
        %dma_wait3A_491 = tpu.memref_slice %arg2[%add3A_486, %mul3A_210] : memref<16x70000xf32, #tpu.memory_space<hbm>> -> memref<1x2800xf32, #tpu.memory_space<hbm>>
        %dma_wait3A_492 = tpu.memref_squeeze %dma_wait3A_491 : memref<1x2800xf32, #tpu.memory_space<hbm>> -> memref<2800xf32, #tpu.memory_space<hbm>>
        %dma_wait3A_493 = arith.constant 0 : i32
        %dma_wait3A_494 = tpu.memref_slice %arg6[%dma_wait3A_487, %dma_wait3A_493] : memref<4x2800xf32, #tpu.memory_space<vmem>> -> memref<1x2800xf32, #tpu.memory_space<vmem>>
        %dma_wait3A_495 = tpu.memref_squeeze %dma_wait3A_494 : memref<1x2800xf32, #tpu.memory_space<vmem>> -> memref<2800xf32, #tpu.memory_space<vmem>>
        %dma_wait3A_496 = tpu.memref_slice %arg2[%add3A_486, %mul3A_210] : memref<16x70000xf32, #tpu.memory_space<hbm>> -> memref<1x2800xf32, #tpu.memory_space<hbm>>
        %dma_wait3A_497 = tpu.memref_squeeze %dma_wait3A_496 : memref<1x2800xf32, #tpu.memory_space<hbm>> -> memref<2800xf32, #tpu.memory_space<hbm>>
        tpu.wait_dma2 semaphore(%arg11 : memref<!tpu.dma_semaphore, #tpu.memory_space<semaphore_mem>>) src(%dma_wait3A_497 : memref<2800xf32, #tpu.memory_space<hbm>>) dst(%dma_wait3A_495 : memref<2800xf32, #tpu.memory_space<vmem>>)
        %mul3A_498 = arith.constant 4 : i32
        %mul3A_499 = arith.muli %select_n3A_192, %mul3A_498 : i32
        %add3A_500 = arith.constant 3 : i32
        %add3A_501 = arith.addi %mul3A_499, %add3A_500 : i32
        %dma_wait3A_502 = arith.constant 3 : i32
        %dma_wait3A_503 = arith.constant 0 : i32
        %dma_wait3A_504 = tpu.memref_slice %arg6[%dma_wait3A_502, %dma_wait3A_503] : memref<4x2800xf32, #tpu.memory_space<vmem>> -> memref<1x2800xf32, #tpu.memory_space<vmem>>
        %dma_wait3A_505 = tpu.memref_squeeze %dma_wait3A_504 : memref<1x2800xf32, #tpu.memory_space<vmem>> -> memref<2800xf32, #tpu.memory_space<vmem>>
        %dma_wait3A_506 = tpu.memref_slice %arg2[%add3A_501, %mul3A_210] : memref<16x70000xf32, #tpu.memory_space<hbm>> -> memref<1x2800xf32, #tpu.memory_space<hbm>>
        %dma_wait3A_507 = tpu.memref_squeeze %dma_wait3A_506 : memref<1x2800xf32, #tpu.memory_space<hbm>> -> memref<2800xf32, #tpu.memory_space<hbm>>
        %dma_wait3A_508 = arith.constant 0 : i32
        %dma_wait3A_509 = tpu.memref_slice %arg6[%dma_wait3A_502, %dma_wait3A_508] : memref<4x2800xf32, #tpu.memory_space<vmem>> -> memref<1x2800xf32, #tpu.memory_space<vmem>>
        %dma_wait3A_510 = tpu.memref_squeeze %dma_wait3A_509 : memref<1x2800xf32, #tpu.memory_space<vmem>> -> memref<2800xf32, #tpu.memory_space<vmem>>
        %dma_wait3A_511 = tpu.memref_slice %arg2[%add3A_501, %mul3A_210] : memref<16x70000xf32, #tpu.memory_space<hbm>> -> memref<1x2800xf32, #tpu.memory_space<hbm>>
        %dma_wait3A_512 = tpu.memref_squeeze %dma_wait3A_511 : memref<1x2800xf32, #tpu.memory_space<hbm>> -> memref<2800xf32, #tpu.memory_space<hbm>>
        tpu.wait_dma2 semaphore(%arg11 : memref<!tpu.dma_semaphore, #tpu.memory_space<semaphore_mem>>) src(%dma_wait3A_512 : memref<2800xf32, #tpu.memory_space<hbm>>) dst(%dma_wait3A_510 : memref<2800xf32, #tpu.memory_space<vmem>>)
        %convert_element_type3A_513 = arith.extui %lt3A_220 : i1 to i32
        %cond3A_514 = arith.constant 0 : i32
        %cond3A_515 = arith.cmpi ne, %convert_element_type3A_513, %cond3A_514 : i32
        scf.if %cond3A_515 {
          %mul3A_521 = arith.constant 4 : i32
          %mul3A_522 = arith.muli %select_n3A_271, %mul3A_521 : i32
          %add3A_523 = arith.constant 0 : i32
          %add3A_524 = arith.addi %mul3A_522, %add3A_523 : i32
          %dma_start3A_525 = arith.constant 0 : i32
          %dma_start3A_526 = arith.constant 0 : i32
          %dma_start3A_527 = tpu.memref_slice %arg5[%dma_start3A_525, %dma_start3A_526] : memref<4x2800xf32, #tpu.memory_space<vmem>> -> memref<1x2800xf32, #tpu.memory_space<vmem>>
          %dma_start3A_528 = tpu.memref_squeeze %dma_start3A_527 : memref<1x2800xf32, #tpu.memory_space<vmem>> -> memref<2800xf32, #tpu.memory_space<vmem>>
          %dma_start3A_529 = tpu.memref_slice %arg2[%add3A_524, %select_n3A_291] : memref<16x70000xf32, #tpu.memory_space<hbm>> -> memref<1x2800xf32, #tpu.memory_space<hbm>>
          %dma_start3A_530 = tpu.memref_squeeze %dma_start3A_529 : memref<1x2800xf32, #tpu.memory_space<hbm>> -> memref<2800xf32, #tpu.memory_space<hbm>>
          %dma_start3A_531 = arith.constant 0 : i32
          %dma_start3A_532 = tpu.memref_slice %arg5[%dma_start3A_525, %dma_start3A_531] : memref<4x2800xf32, #tpu.memory_space<vmem>> -> memref<1x2800xf32, #tpu.memory_space<vmem>>
          %dma_start3A_533 = tpu.memref_squeeze %dma_start3A_532 : memref<1x2800xf32, #tpu.memory_space<vmem>> -> memref<2800xf32, #tpu.memory_space<vmem>>
          %dma_start3A_534 = tpu.memref_slice %arg2[%add3A_524, %select_n3A_291] : memref<16x70000xf32, #tpu.memory_space<hbm>> -> memref<1x2800xf32, #tpu.memory_space<hbm>>
          %dma_start3A_535 = tpu.memref_squeeze %dma_start3A_534 : memref<1x2800xf32, #tpu.memory_space<hbm>> -> memref<2800xf32, #tpu.memory_space<hbm>>
          tpu.enqueue_dma source(%dma_start3A_535 : memref<2800xf32, #tpu.memory_space<hbm>>) target(%dma_start3A_533 : memref<2800xf32, #tpu.memory_space<vmem>>) target_semaphore(%arg10 : memref<!tpu.dma_semaphore, #tpu.memory_space<semaphore_mem>>)
          %mul3A_536 = arith.constant 4 : i32
          %mul3A_537 = arith.muli %select_n3A_271, %mul3A_536 : i32
          %add3A_538 = arith.constant 1 : i32
          %add3A_539 = arith.addi %mul3A_537, %add3A_538 : i32
          %dma_start3A_540 = arith.constant 1 : i32
          %dma_start3A_541 = arith.constant 0 : i32
          %dma_start3A_542 = tpu.memref_slice %arg5[%dma_start3A_540, %dma_start3A_541] : memref<4x2800xf32, #tpu.memory_space<vmem>> -> memref<1x2800xf32, #tpu.memory_space<vmem>>
          %dma_start3A_543 = tpu.memref_squeeze %dma_start3A_542 : memref<1x2800xf32, #tpu.memory_space<vmem>> -> memref<2800xf32, #tpu.memory_space<vmem>>
          %dma_start3A_544 = tpu.memref_slice %arg2[%add3A_539, %select_n3A_291] : memref<16x70000xf32, #tpu.memory_space<hbm>> -> memref<1x2800xf32, #tpu.memory_space<hbm>>
          %dma_start3A_545 = tpu.memref_squeeze %dma_start3A_544 : memref<1x2800xf32, #tpu.memory_space<hbm>> -> memref<2800xf32, #tpu.memory_space<hbm>>
          %dma_start3A_546 = arith.constant 0 : i32
          %dma_start3A_547 = tpu.memref_slice %arg5[%dma_start3A_540, %dma_start3A_546] : memref<4x2800xf32, #tpu.memory_space<vmem>> -> memref<1x2800xf32, #tpu.memory_space<vmem>>
          %dma_start3A_548 = tpu.memref_squeeze %dma_start3A_547 : memref<1x2800xf32, #tpu.memory_space<vmem>> -> memref<2800xf32, #tpu.memory_space<vmem>>
          %dma_start3A_549 = tpu.memref_slice %arg2[%add3A_539, %select_n3A_291] : memref<16x70000xf32, #tpu.memory_space<hbm>> -> memref<1x2800xf32, #tpu.memory_space<hbm>>
          %dma_start3A_550 = tpu.memref_squeeze %dma_start3A_549 : memref<1x2800xf32, #tpu.memory_space<hbm>> -> memref<2800xf32, #tpu.memory_space<hbm>>
          tpu.enqueue_dma source(%dma_start3A_550 : memref<2800xf32, #tpu.memory_space<hbm>>) target(%dma_start3A_548 : memref<2800xf32, #tpu.memory_space<vmem>>) target_semaphore(%arg10 : memref<!tpu.dma_semaphore, #tpu.memory_space<semaphore_mem>>)
          %mul3A_551 = arith.constant 4 : i32
          %mul3A_552 = arith.muli %select_n3A_271, %mul3A_551 : i32
          %add3A_553 = arith.constant 2 : i32
          %add3A_554 = arith.addi %mul3A_552, %add3A_553 : i32
          %dma_start3A_555 = arith.constant 2 : i32
          %dma_start3A_556 = arith.constant 0 : i32
          %dma_start3A_557 = tpu.memref_slice %arg5[%dma_start3A_555, %dma_start3A_556] : memref<4x2800xf32, #tpu.memory_space<vmem>> -> memref<1x2800xf32, #tpu.memory_space<vmem>>
          %dma_start3A_558 = tpu.memref_squeeze %dma_start3A_557 : memref<1x2800xf32, #tpu.memory_space<vmem>> -> memref<2800xf32, #tpu.memory_space<vmem>>
          %dma_start3A_559 = tpu.memref_slice %arg2[%add3A_554, %select_n3A_291] : memref<16x70000xf32, #tpu.memory_space<hbm>> -> memref<1x2800xf32, #tpu.memory_space<hbm>>
          %dma_start3A_560 = tpu.memref_squeeze %dma_start3A_559 : memref<1x2800xf32, #tpu.memory_space<hbm>> -> memref<2800xf32, #tpu.memory_space<hbm>>
          %dma_start3A_561 = arith.constant 0 : i32
          %dma_start3A_562 = tpu.memref_slice %arg5[%dma_start3A_555, %dma_start3A_561] : memref<4x2800xf32, #tpu.memory_space<vmem>> -> memref<1x2800xf32, #tpu.memory_space<vmem>>
          %dma_start3A_563 = tpu.memref_squeeze %dma_start3A_562 : memref<1x2800xf32, #tpu.memory_space<vmem>> -> memref<2800xf32, #tpu.memory_space<vmem>>
          %dma_start3A_564 = tpu.memref_slice %arg2[%add3A_554, %select_n3A_291] : memref<16x70000xf32, #tpu.memory_space<hbm>> -> memref<1x2800xf32, #tpu.memory_space<hbm>>
          %dma_start3A_565 = tpu.memref_squeeze %dma_start3A_564 : memref<1x2800xf32, #tpu.memory_space<hbm>> -> memref<2800xf32, #tpu.memory_space<hbm>>
          tpu.enqueue_dma source(%dma_start3A_565 : memref<2800xf32, #tpu.memory_space<hbm>>) target(%dma_start3A_563 : memref<2800xf32, #tpu.memory_space<vmem>>) target_semaphore(%arg10 : memref<!tpu.dma_semaphore, #tpu.memory_space<semaphore_mem>>)
          %mul3A_566 = arith.constant 4 : i32
          %mul3A_567 = arith.muli %select_n3A_271, %mul3A_566 : i32
          %add3A_568 = arith.constant 3 : i32
          %add3A_569 = arith.addi %mul3A_567, %add3A_568 : i32
          %dma_start3A_570 = arith.constant 3 : i32
          %dma_start3A_571 = arith.constant 0 : i32
          %dma_start3A_572 = tpu.memref_slice %arg5[%dma_start3A_570, %dma_start3A_571] : memref<4x2800xf32, #tpu.memory_space<vmem>> -> memref<1x2800xf32, #tpu.memory_space<vmem>>
          %dma_start3A_573 = tpu.memref_squeeze %dma_start3A_572 : memref<1x2800xf32, #tpu.memory_space<vmem>> -> memref<2800xf32, #tpu.memory_space<vmem>>
          %dma_start3A_574 = tpu.memref_slice %arg2[%add3A_569, %select_n3A_291] : memref<16x70000xf32, #tpu.memory_space<hbm>> -> memref<1x2800xf32, #tpu.memory_space<hbm>>
          %dma_start3A_575 = tpu.memref_squeeze %dma_start3A_574 : memref<1x2800xf32, #tpu.memory_space<hbm>> -> memref<2800xf32, #tpu.memory_space<hbm>>
          %dma_start3A_576 = arith.constant 0 : i32
          %dma_start3A_577 = tpu.memref_slice %arg5[%dma_start3A_570, %dma_start3A_576] : memref<4x2800xf32, #tpu.memory_space<vmem>> -> memref<1x2800xf32, #tpu.memory_space<vmem>>
          %dma_start3A_578 = tpu.memref_squeeze %dma_start3A_577 : memref<1x2800xf32, #tpu.memory_space<vmem>> -> memref<2800xf32, #tpu.memory_space<vmem>>
          %dma_start3A_579 = tpu.memref_slice %arg2[%add3A_569, %select_n3A_291] : memref<16x70000xf32, #tpu.memory_space<hbm>> -> memref<1x2800xf32, #tpu.memory_space<hbm>>
          %dma_start3A_580 = tpu.memref_squeeze %dma_start3A_579 : memref<1x2800xf32, #tpu.memory_space<hbm>> -> memref<2800xf32, #tpu.memory_space<hbm>>
          tpu.enqueue_dma source(%dma_start3A_580 : memref<2800xf32, #tpu.memory_space<hbm>>) target(%dma_start3A_578 : memref<2800xf32, #tpu.memory_space<vmem>>) target_semaphore(%arg10 : memref<!tpu.dma_semaphore, #tpu.memory_space<semaphore_mem>>)
        } else {
        }
        %scan3A = arith.constant 0 : i32
        %scan3A_516 = arith.constant 0 : i32
        %scan3A_517 = arith.constant 175 : i32
        %scan3A_518 = arith.addi %scan3A_516, %scan3A_517 : i32
        %scan3A_519 = arith.constant 1 : i32
        scf.for %scan3A_521 = %scan3A_516 to %scan3A_518 step %scan3A_519  : i32 {
          %mul3A_522 = arith.constant 16 : i32
          %mul3A_523 = arith.muli %scan3A_521, %mul3A_522 : i32
          %get3A_524 = arith.constant 0 : i32
          %get3A_525 = arith.index_cast %get3A_524 : i32 to index
          %get3A_526 = arith.index_cast %mul3A_523 : i32 to index
          %get3A_527 = tpu.vector_load %arg6[%get3A_525, %get3A_526] {strides = array<i32>} : memref<4x2800xf32, #tpu.memory_space<vmem>>, vector<16xf32>,
          %get3A_528 = arith.constant 1 : i32
          %get3A_529 = arith.index_cast %get3A_528 : i32 to index
          %get3A_530 = arith.index_cast %mul3A_523 : i32 to index
          %get3A_531 = tpu.vector_load %arg6[%get3A_529, %get3A_530] {strides = array<i32>} : memref<4x2800xf32, #tpu.memory_space<vmem>>, vector<16xf32>,
          %get3A_532 = arith.constant 2 : i32
          %get3A_533 = arith.index_cast %get3A_532 : i32 to index
          %get3A_534 = arith.index_cast %mul3A_523 : i32 to index
          %get3A_535 = tpu.vector_load %arg6[%get3A_533, %get3A_534] {strides = array<i32>} : memref<4x2800xf32, #tpu.memory_space<vmem>>, vector<16xf32>,
          %get3A_536 = arith.constant 3 : i32
          %get3A_537 = arith.index_cast %get3A_536 : i32 to index
          %get3A_538 = arith.index_cast %mul3A_523 : i32 to index
          %get3A_539 = tpu.vector_load %arg6[%get3A_537, %get3A_538] {strides = array<i32>} : memref<4x2800xf32, #tpu.memory_space<vmem>>, vector<16xf32>,
          %mul3A_540 = arith.mulf %gather3A_301, %get3A_527 : vector<16xf32>
          %mul3A_541 = arith.mulf %gather3A_306, %get3A_531 : vector<16xf32>
          %add3A_542 = arith.addf %mul3A_540, %mul3A_541 : vector<16xf32>
          %mul3A_543 = arith.mulf %gather3A_311, %get3A_535 : vector<16xf32>
          %add3A_544 = arith.addf %mul3A_543, %gather3A_316 : vector<16xf32>
          %add3A_545 = arith.addf %add3A_542, %add3A_544 : vector<16xf32>
          %bitcast3A_546 = vector.bitcast %add3A_545 : vector<16xf32> to vector<16xi32>
          %add3A_547 = arith.constant 32767 : i32
          %add3A_548 = vector.broadcast %add3A_547 : i32 to vector<16xi32>
          %add3A_549 = arith.addi %bitcast3A_546, %add3A_548 : vector<16xi32>
          %shift_right_arithmetic3A = arith.constant 16 : i32
          %shift_right_arithmetic3A_550 = vector.broadcast %shift_right_arithmetic3A : i32 to vector<16xi32>
          %shift_right_arithmetic3A_551 = arith.shrsi %bitcast3A_546, %shift_right_arithmetic3A_550 : vector<16xi32>
          %and3A_552 = arith.constant 1 : i32
          %and3A_553 = vector.broadcast %and3A_552 : i32 to vector<16xi32>
          %and3A_554 = arith.andi %shift_right_arithmetic3A_551, %and3A_553 : vector<16xi32>
          %add3A_555 = arith.addi %add3A_549, %and3A_554 : vector<16xi32>
          %and3A_556 = arith.constant -65536 : i32
          %and3A_557 = vector.broadcast %and3A_556 : i32 to vector<16xi32>
          %and3A_558 = arith.andi %add3A_555, %and3A_557 : vector<16xi32>
          %bitcast3A_559 = vector.bitcast %and3A_558 : vector<16xi32> to vector<16xf32>
          %mul3A_560 = arith.mulf %gather3A_321, %get3A_527 : vector<16xf32>
          %mul3A_561 = arith.mulf %gather3A_326, %get3A_531 : vector<16xf32>
          %add3A_562 = arith.addf %mul3A_560, %mul3A_561 : vector<16xf32>
          %mul3A_563 = arith.mulf %gather3A_331, %get3A_535 : vector<16xf32>
          %add3A_564 = arith.addf %mul3A_563, %gather3A_336 : vector<16xf32>
          %add3A_565 = arith.addf %add3A_562, %add3A_564 : vector<16xf32>
          %bitcast3A_566 = vector.bitcast %add3A_565 : vector<16xf32> to vector<16xi32>
          %add3A_567 = arith.constant 32767 : i32
          %add3A_568 = vector.broadcast %add3A_567 : i32 to vector<16xi32>
          %add3A_569 = arith.addi %bitcast3A_566, %add3A_568 : vector<16xi32>
          %shift_right_arithmetic3A_570 = arith.constant 16 : i32
          %shift_right_arithmetic3A_571 = vector.broadcast %shift_right_arithmetic3A_570 : i32 to vector<16xi32>
          %shift_right_arithmetic3A_572 = arith.shrsi %bitcast3A_566, %shift_right_arithmetic3A_571 : vector<16xi32>
          %and3A_573 = arith.constant 1 : i32
          %and3A_574 = vector.broadcast %and3A_573 : i32 to vector<16xi32>
          %and3A_575 = arith.andi %shift_right_arithmetic3A_572, %and3A_574 : vector<16xi32>
          %add3A_576 = arith.addi %add3A_569, %and3A_575 : vector<16xi32>
          %and3A_577 = arith.constant -65536 : i32
          %and3A_578 = vector.broadcast %and3A_577 : i32 to vector<16xi32>
          %and3A_579 = arith.andi %add3A_576, %and3A_578 : vector<16xi32>
          %bitcast3A_580 = vector.bitcast %and3A_579 : vector<16xi32> to vector<16xf32>
          %mul3A_581 = arith.mulf %gather3A_341, %get3A_527 : vector<16xf32>
          %mul3A_582 = arith.mulf %gather3A_346, %get3A_531 : vector<16xf32>
          %add3A_583 = arith.addf %mul3A_581, %mul3A_582 : vector<16xf32>
          %mul3A_584 = arith.mulf %gather3A_351, %get3A_535 : vector<16xf32>
          %add3A_585 = arith.addf %mul3A_584, %gather3A_356 : vector<16xf32>
          %add3A_586 = arith.addf %add3A_583, %add3A_585 : vector<16xf32>
          %bitcast3A_587 = vector.bitcast %add3A_586 : vector<16xf32> to vector<16xi32>
          %add3A_588 = arith.constant 32767 : i32
          %add3A_589 = vector.broadcast %add3A_588 : i32 to vector<16xi32>
          %add3A_590 = arith.addi %bitcast3A_587, %add3A_589 : vector<16xi32>
          %shift_right_arithmetic3A_591 = arith.constant 16 : i32
          %shift_right_arithmetic3A_592 = vector.broadcast %shift_right_arithmetic3A_591 : i32 to vector<16xi32>
          %shift_right_arithmetic3A_593 = arith.shrsi %bitcast3A_587, %shift_right_arithmetic3A_592 : vector<16xi32>
          %and3A_594 = arith.constant 1 : i32
          %and3A_595 = vector.broadcast %and3A_594 : i32 to vector<16xi32>
          %and3A_596 = arith.andi %shift_right_arithmetic3A_593, %and3A_595 : vector<16xi32>
          %add3A_597 = arith.addi %add3A_590, %and3A_596 : vector<16xi32>
          %and3A_598 = arith.constant -65536 : i32
          %and3A_599 = vector.broadcast %and3A_598 : i32 to vector<16xi32>
          %and3A_600 = arith.andi %add3A_597, %and3A_599 : vector<16xi32>
          %bitcast3A_601 = vector.bitcast %and3A_600 : vector<16xi32> to vector<16xf32>
          %mul3A_602 = arith.mulf %gather3A_361, %bitcast3A_559 : vector<16xf32>
          %mul3A_603 = arith.mulf %gather3A_366, %bitcast3A_580 : vector<16xf32>
          %add3A_604 = arith.addf %mul3A_602, %mul3A_603 : vector<16xf32>
          %mul3A_605 = arith.mulf %gather3A_371, %bitcast3A_601 : vector<16xf32>
          %add3A_606 = arith.addf %mul3A_605, %gather3A_376 : vector<16xf32>
          %add3A_607 = arith.addf %add3A_604, %add3A_606 : vector<16xf32>
          %mul3A_608 = arith.mulf %gather3A_381, %bitcast3A_559 : vector<16xf32>
          %mul3A_609 = arith.mulf %gather3A_386, %bitcast3A_580 : vector<16xf32>
          %add3A_610 = arith.addf %mul3A_608, %mul3A_609 : vector<16xf32>
          %mul3A_611 = arith.mulf %gather3A_391, %bitcast3A_601 : vector<16xf32>
          %add3A_612 = arith.addf %mul3A_611, %gather3A_396 : vector<16xf32>
          %add3A_613 = arith.addf %add3A_610, %add3A_612 : vector<16xf32>
          %mul3A_614 = arith.mulf %gather3A_401, %bitcast3A_559 : vector<16xf32>
          %mul3A_615 = arith.mulf %gather3A_406, %bitcast3A_580 : vector<16xf32>
          %add3A_616 = arith.addf %mul3A_614, %mul3A_615 : vector<16xf32>
          %mul3A_617 = arith.mulf %gather3A_411, %bitcast3A_601 : vector<16xf32>
          %add3A_618 = arith.addf %mul3A_617, %gather3A_416 : vector<16xf32>
          %add3A_619 = arith.addf %add3A_616, %add3A_618 : vector<16xf32>
          %mul3A_620 = arith.mulf %gather3A_421, %bitcast3A_559 : vector<16xf32>
          %mul3A_621 = arith.mulf %gather3A_426, %bitcast3A_580 : vector<16xf32>
          %add3A_622 = arith.addf %mul3A_620, %mul3A_621 : vector<16xf32>
          %mul3A_623 = arith.mulf %gather3A_431, %bitcast3A_601 : vector<16xf32>
          %add3A_624 = arith.addf %mul3A_623, %gather3A_436 : vector<16xf32>
          %add3A_625 = arith.addf %add3A_622, %add3A_624 : vector<16xf32>
          %max3A_626 = arith.constant 9.99999997E-7 : f32
          %max3A_627 = vector.broadcast %max3A_626 : f32 to vector<16xf32>
          %max3A_628 = arith.maximumf %add3A_619, %max3A_627 : vector<16xf32>
          %div3A_629 = arith.divf %add3A_607, %max3A_628 : vector<16xf32>
          %div3A_630 = arith.divf %add3A_613, %max3A_628 : vector<16xf32>
          %gt3A = arith.constant -5.000000e-01 : f32
          %gt3A_631 = vector.broadcast %gt3A : f32 to vector<16xf32>
          %gt3A_632 = arith.cmpf ogt, %div3A_629, %gt3A_631 : vector<16xf32>
          %lt3A_633 = arith.constant 4.950000e+01 : f32
          %lt3A_634 = vector.broadcast %lt3A_633 : f32 to vector<16xf32>
          %lt3A_635 = arith.cmpf olt, %div3A_629, %lt3A_634 : vector<16xf32>
          %and3A_636 = arith.andi %gt3A_632, %lt3A_635 : vector<16xi1>
          %gt3A_637 = arith.constant -5.000000e-01 : f32
          %gt3A_638 = vector.broadcast %gt3A_637 : f32 to vector<16xf32>
          %gt3A_639 = arith.cmpf ogt, %div3A_630, %gt3A_638 : vector<16xf32>
          %and3A_640 = arith.andi %and3A_636, %gt3A_639 : vector<16xi1>
          %lt3A_641 = arith.constant 2.750000e+01 : f32
          %lt3A_642 = vector.broadcast %lt3A_641 : f32 to vector<16xf32>
          %lt3A_643 = arith.cmpf olt, %div3A_630, %lt3A_642 : vector<16xf32>
          %and3A_644 = arith.andi %and3A_640, %lt3A_643 : vector<16xi1>
          %gt3A_645 = arith.constant 0.000000e+00 : f32
          %gt3A_646 = vector.broadcast %gt3A_645 : f32 to vector<16xf32>
          %gt3A_647 = arith.cmpf ogt, %add3A_625, %gt3A_646 : vector<16xf32>
          %and3A_648 = arith.andi %and3A_644, %gt3A_647 : vector<16xi1>
          %max3A_649 = arith.constant 0.000000e+00 : f32
          %max3A_650 = vector.broadcast %max3A_649 : f32 to vector<16xf32>
          %max3A_651 = arith.maximumf %add3A_619, %max3A_650 : vector<16xf32>
          %min3A = arith.minimumf %max3A_651, %gather3A_441 : vector<16xf32>
          %jit3A_652 = arith.constant 0.000000e+00 : f32
          %broadcast_in_dim3A_653 = vector.broadcast %jit3A_652 : f32 to vector<16xf32>
          %select_n3A_654 = arith.select %and3A_648, %min3A, %broadcast_in_dim3A_653 : vector<16xi1>, vector<16xf32>
          %max3A_655 = arith.constant 0.000000e+00 : f32
          %max3A_656 = vector.broadcast %max3A_655 : f32 to vector<16xf32>
          %max3A_657 = arith.maximumf %get3A_539, %max3A_656 : vector<16xf32>
          %min3A_658 = arith.constant 2.550000e+02 : f32
          %min3A_659 = vector.broadcast %min3A_658 : f32 to vector<16xf32>
          %min3A_660 = arith.minimumf %max3A_657, %min3A_659 : vector<16xf32>
          %jit3A_661 = arith.constant 0.000000e+00 : f32
          %broadcast_in_dim3A_662 = vector.broadcast %jit3A_661 : f32 to vector<16xf32>
          %select_n3A_663 = arith.select %and3A_648, %min3A_660, %broadcast_in_dim3A_662 : vector<16xi1>, vector<16xf32>
          %max3A_664 = arith.constant 0.000000e+00 : f32
          %max3A_665 = vector.broadcast %max3A_664 : f32 to vector<16xf32>
          %max3A_666 = arith.maximumf %div3A_630, %max3A_665 : vector<16xf32>
          %min3A_667 = arith.constant 2.700000e+01 : f32
          %min3A_668 = vector.broadcast %min3A_667 : f32 to vector<16xf32>
          %min3A_669 = arith.minimumf %max3A_666, %min3A_668 : vector<16xf32>
          %convert_element_type3A_670 = arith.fptosi %min3A_669 : vector<16xf32> to vector<16xi32>
          %max3A_671 = arith.constant 0.000000e+00 : f32
          %max3A_672 = vector.broadcast %max3A_671 : f32 to vector<16xf32>
          %max3A_673 = arith.maximumf %div3A_629, %max3A_672 : vector<16xf32>
          %min3A_674 = arith.constant 4.900000e+01 : f32
          %min3A_675 = vector.broadcast %min3A_674 : f32 to vector<16xf32>
          %min3A_676 = arith.minimumf %max3A_673, %min3A_675 : vector<16xf32>
          %convert_element_type3A_677 = arith.fptosi %min3A_676 : vector<16xf32> to vector<16xi32>
          %mul3A_678 = arith.constant 50 : i32
          %mul3A_679 = vector.broadcast %mul3A_678 : i32 to vector<16xi32>
          %mul3A_680 = arith.muli %convert_element_type3A_670, %mul3A_679 : vector<16xi32>
          %add3A_681 = arith.addi %mul3A_680, %convert_element_type3A_677 : vector<16xi32>
          tpu.vector_store_idx %arg8[%add3A_681], %select_n3A_654 : memref<1408xf32, #tpu.memory_space<vmem>>[vector<16xi32>], vector<16xf32>,
          tpu.vector_store_idx %arg9[%add3A_681], %select_n3A_663 : memref<1408xf32, #tpu.memory_space<vmem>>[vector<16xi32>], vector<16xf32>,
        }
        %scan3A_520 = arith.constant 175 : i32
      } else {
      }
      scf.yield %select_n3A_168, %select_n3A_217 : i32, i32
    }
    %while3A_138 = arith.constant 1 : i32
    %while3A_139:2 = scf.for %while3A_141 = %while3A_135 to %while3A_131 step %while3A_138 iter_args(%while3A_142 = %while3A_137#0, %while3A_143 = %while3A_137#1) -> (i32, i32)  : i32 {
      %add3A_144 = arith.addi %sub3A_5, %while3A_141 : i32
      %jit3A_145 = arith.constant 25 : i32
      %div3A_146 = arith.divsi %add3A_144, %jit3A_145 : i32
      %sign3A_147 = arith.constant 0 : i32
      %sign3A_148 = arith.cmpi sgt, %add3A_144, %sign3A_147 : i32
      %sign3A_149 = arith.extui %sign3A_148 : i1 to i32
      %sign3A_150 = arith.constant 0 : i32
      %sign3A_151 = arith.cmpi slt, %add3A_144, %sign3A_150 : i32
      %sign3A_152 = arith.extui %sign3A_151 : i1 to i32
      %sign3A_153 = arith.subi %sign3A_149, %sign3A_152 : i32
      %sign3A_154 = arith.constant 0 : i32
      %sign3A_155 = arith.cmpi sgt, %jit3A_145, %sign3A_154 : i32
      %sign3A_156 = arith.extui %sign3A_155 : i1 to i32
      %sign3A_157 = arith.constant 0 : i32
      %sign3A_158 = arith.cmpi slt, %jit3A_145, %sign3A_157 : i32
      %sign3A_159 = arith.extui %sign3A_158 : i1 to i32
      %sign3A_160 = arith.subi %sign3A_156, %sign3A_159 : i32
      %ne3A_161 = arith.cmpi ne, %sign3A_153, %sign3A_160 : i32
      %rem3A_162 = arith.remsi %add3A_144, %jit3A_145 : i32
      %ne3A_163 = arith.constant 0 : i32
      %ne3A_164 = arith.cmpi ne, %rem3A_162, %ne3A_163 : i32
      %and3A_165 = arith.andi %ne3A_161, %ne3A_164 : i1
      %sub3A_166 = arith.constant 1 : i32
      %sub3A_167 = arith.subi %div3A_146, %sub3A_166 : i32
      %select_n3A_168 = arith.select %and3A_165, %sub3A_167, %div3A_146 : i32
      %jit3A_169 = arith.constant 6 : i32
      %div3A_170 = arith.divsi %select_n3A_168, %jit3A_169 : i32
      %sign3A_171 = arith.constant 0 : i32
      %sign3A_172 = arith.cmpi sgt, %select_n3A_168, %sign3A_171 : i32
      %sign3A_173 = arith.extui %sign3A_172 : i1 to i32
      %sign3A_174 = arith.constant 0 : i32
      %sign3A_175 = arith.cmpi slt, %select_n3A_168, %sign3A_174 : i32
      %sign3A_176 = arith.extui %sign3A_175 : i1 to i32
      %sign3A_177 = arith.subi %sign3A_173, %sign3A_176 : i32
      %sign3A_178 = arith.constant 0 : i32
      %sign3A_179 = arith.cmpi sgt, %jit3A_169, %sign3A_178 : i32
      %sign3A_180 = arith.extui %sign3A_179 : i1 to i32
      %sign3A_181 = arith.constant 0 : i32
      %sign3A_182 = arith.cmpi slt, %jit3A_169, %sign3A_181 : i32
      %sign3A_183 = arith.extui %sign3A_182 : i1 to i32
      %sign3A_184 = arith.subi %sign3A_180, %sign3A_183 : i32
      %ne3A_185 = arith.cmpi ne, %sign3A_177, %sign3A_184 : i32
      %rem3A_186 = arith.remsi %select_n3A_168, %jit3A_169 : i32
      %ne3A_187 = arith.constant 0 : i32
      %ne3A_188 = arith.cmpi ne, %rem3A_186, %ne3A_187 : i32
      %and3A_189 = arith.andi %ne3A_185, %ne3A_188 : i1
      %sub3A_190 = arith.constant 1 : i32
      %sub3A_191 = arith.subi %div3A_170, %sub3A_190 : i32
      %select_n3A_192 = arith.select %and3A_189, %sub3A_191, %div3A_170 : i32
      %jit3A_193 = arith.constant 25 : i32
      %eq3A_194 = arith.constant 0 : i32
      %eq3A_195 = arith.cmpi eq, %jit3A_193, %eq3A_194 : i32
      %jit3A_196 = arith.constant 1 : i32
      %select_n3A_197 = arith.select %eq3A_195, %jit3A_196, %jit3A_193 : i32
      %rem3A_198 = arith.remsi %add3A_144, %select_n3A_197 : i32
      %ne3A_199 = arith.constant 0 : i32
      %ne3A_200 = arith.cmpi ne, %rem3A_198, %ne3A_199 : i32
      %lt3A_201 = arith.constant 0 : i32
      %lt3A_202 = arith.cmpi slt, %rem3A_198, %lt3A_201 : i32
      %lt3A_203 = arith.constant 0 : i32
      %lt3A_204 = arith.cmpi slt, %select_n3A_197, %lt3A_203 : i32
      %ne3A_205 = arith.xori %lt3A_202, %lt3A_204 : i1
      %and3A_206 = arith.andi %ne3A_205, %ne3A_200 : i1
      %add3A_207 = arith.addi %rem3A_198, %select_n3A_197 : i32
      %select_n3A_208 = arith.select %and3A_206, %add3A_207, %rem3A_198 : i32
      %mul3A_209 = arith.constant 2800 : i32
      %mul3A_210 = arith.muli %select_n3A_208, %mul3A_209 : i32
      %ne3A_211 = arith.cmpi ne, %select_n3A_168, %while3A_142 : i32
      %ge3A = arith.constant 0 : i32
      %ge3A_212 = arith.cmpi sge, %while3A_142, %ge3A : i32
      %and3A_213 = arith.andi %ne3A_211, %ge3A_212 : i1
      %convert_element_type3A = arith.extui %and3A_213 : i1 to i32
      %cond3A = arith.constant 0 : i32
      %cond3A_214 = arith.cmpi ne, %convert_element_type3A, %cond3A : i32
      scf.if %cond3A_214 {
        %run_scoped3A_454 = arith.constant 0 : i32
        "tpu.region"() ({
          %run_scoped3A_456 = tpu.sem_alloc : memref<!tpu.dma_semaphore, #tpu.memory_space<semaphore_mem>>
          %dma_start3A_457 = arith.constant 0 : i32
          %dma_start3A_458 = tpu.memref_slice %arg4[%add3A, %while3A_143, %run_scoped3A_454, %dma_start3A_457] : memref<32x2x2x1408xf32, #tpu.memory_space<hbm>> -> memref<1x1x1x1408xf32, #tpu.memory_space<hbm>>
          %dma_start3A_459 = tpu.memref_squeeze %dma_start3A_458 : memref<1x1x1x1408xf32, #tpu.memory_space<hbm>> -> memref<1408xf32, #tpu.memory_space<hbm>>
          %dma_start3A_460 = arith.constant 0 : i32
          %dma_start3A_461 = tpu.memref_slice %arg4[%add3A, %while3A_143, %run_scoped3A_454, %dma_start3A_460] : memref<32x2x2x1408xf32, #tpu.memory_space<hbm>> -> memref<1x1x1x1408xf32, #tpu.memory_space<hbm>>
          %dma_start3A_462 = tpu.memref_squeeze %dma_start3A_461 : memref<1x1x1x1408xf32, #tpu.memory_space<hbm>> -> memref<1408xf32, #tpu.memory_space<hbm>>
          tpu.enqueue_dma source(%arg8 : memref<1408xf32, #tpu.memory_space<vmem>>) target(%dma_start3A_462 : memref<1408xf32, #tpu.memory_space<hbm>>) target_semaphore(%run_scoped3A_456 : memref<!tpu.dma_semaphore, #tpu.memory_space<semaphore_mem>>)
          %dma_wait3A = arith.constant 0 : i32
          %dma_wait3A_463 = tpu.memref_slice %arg4[%add3A, %while3A_143, %run_scoped3A_454, %dma_wait3A] : memref<32x2x2x1408xf32, #tpu.memory_space<hbm>> -> memref<1x1x1x1408xf32, #tpu.memory_space<hbm>>
          %dma_wait3A_464 = tpu.memref_squeeze %dma_wait3A_463 : memref<1x1x1x1408xf32, #tpu.memory_space<hbm>> -> memref<1408xf32, #tpu.memory_space<hbm>>
          %dma_wait3A_465 = arith.constant 0 : i32
          %dma_wait3A_466 = tpu.memref_slice %arg4[%add3A, %while3A_143, %run_scoped3A_454, %dma_wait3A_465] : memref<32x2x2x1408xf32, #tpu.memory_space<hbm>> -> memref<1x1x1x1408xf32, #tpu.memory_space<hbm>>
          %dma_wait3A_467 = tpu.memref_squeeze %dma_wait3A_466 : memref<1x1x1x1408xf32, #tpu.memory_space<hbm>> -> memref<1408xf32, #tpu.memory_space<hbm>>
          tpu.wait_dma2 semaphore(%run_scoped3A_456 : memref<!tpu.dma_semaphore, #tpu.memory_space<semaphore_mem>>) src(%arg8 : memref<1408xf32, #tpu.memory_space<vmem>>) dst(%dma_wait3A_467 : memref<1408xf32, #tpu.memory_space<hbm>>)
          tpu.yield
        }) : () -> ()
        %run_scoped3A_455 = arith.constant 1 : i32
        "tpu.region"() ({
          %run_scoped3A_456 = tpu.sem_alloc : memref<!tpu.dma_semaphore, #tpu.memory_space<semaphore_mem>>
          %dma_start3A_457 = arith.constant 0 : i32
          %dma_start3A_458 = tpu.memref_slice %arg4[%add3A, %while3A_143, %run_scoped3A_455, %dma_start3A_457] : memref<32x2x2x1408xf32, #tpu.memory_space<hbm>> -> memref<1x1x1x1408xf32, #tpu.memory_space<hbm>>
          %dma_start3A_459 = tpu.memref_squeeze %dma_start3A_458 : memref<1x1x1x1408xf32, #tpu.memory_space<hbm>> -> memref<1408xf32, #tpu.memory_space<hbm>>
          %dma_start3A_460 = arith.constant 0 : i32
          %dma_start3A_461 = tpu.memref_slice %arg4[%add3A, %while3A_143, %run_scoped3A_455, %dma_start3A_460] : memref<32x2x2x1408xf32, #tpu.memory_space<hbm>> -> memref<1x1x1x1408xf32, #tpu.memory_space<hbm>>
          %dma_start3A_462 = tpu.memref_squeeze %dma_start3A_461 : memref<1x1x1x1408xf32, #tpu.memory_space<hbm>> -> memref<1408xf32, #tpu.memory_space<hbm>>
          tpu.enqueue_dma source(%arg9 : memref<1408xf32, #tpu.memory_space<vmem>>) target(%dma_start3A_462 : memref<1408xf32, #tpu.memory_space<hbm>>) target_semaphore(%run_scoped3A_456 : memref<!tpu.dma_semaphore, #tpu.memory_space<semaphore_mem>>)
          %dma_wait3A = arith.constant 0 : i32
          %dma_wait3A_463 = tpu.memref_slice %arg4[%add3A, %while3A_143, %run_scoped3A_455, %dma_wait3A] : memref<32x2x2x1408xf32, #tpu.memory_space<hbm>> -> memref<1x1x1x1408xf32, #tpu.memory_space<hbm>>
          %dma_wait3A_464 = tpu.memref_squeeze %dma_wait3A_463 : memref<1x1x1x1408xf32, #tpu.memory_space<hbm>> -> memref<1408xf32, #tpu.memory_space<hbm>>
          %dma_wait3A_465 = arith.constant 0 : i32
          %dma_wait3A_466 = tpu.memref_slice %arg4[%add3A, %while3A_143, %run_scoped3A_455, %dma_wait3A_465] : memref<32x2x2x1408xf32, #tpu.memory_space<hbm>> -> memref<1x1x1x1408xf32, #tpu.memory_space<hbm>>
          %dma_wait3A_467 = tpu.memref_squeeze %dma_wait3A_466 : memref<1x1x1x1408xf32, #tpu.memory_space<hbm>> -> memref<1408xf32, #tpu.memory_space<hbm>>
          tpu.wait_dma2 semaphore(%run_scoped3A_456 : memref<!tpu.dma_semaphore, #tpu.memory_space<semaphore_mem>>) src(%arg9 : memref<1408xf32, #tpu.memory_space<vmem>>) dst(%dma_wait3A_467 : memref<1408xf32, #tpu.memory_space<hbm>>)
          tpu.yield
        }) : () -> ()
      } else {
      }
      %add3A_215 = arith.constant 1 : i32
      %add3A_216 = arith.addi %while3A_143, %add3A_215 : i32
      %select_n3A_217 = arith.select %and3A_213, %add3A_216, %while3A_143 : i32
      %add3A_218 = arith.constant 1 : i32
      %add3A_219 = arith.addi %while3A_141, %add3A_218 : i32
      %lt3A_220 = arith.cmpi slt, %add3A_219, %select_n3A : i32
      %add3A_221 = arith.addi %sub3A_5, %add3A_219 : i32
      %jit3A_222 = arith.constant 25 : i32
      %div3A_223 = arith.divsi %add3A_221, %jit3A_222 : i32
      %sign3A_224 = arith.constant 0 : i32
      %sign3A_225 = arith.cmpi sgt, %add3A_221, %sign3A_224 : i32
      %sign3A_226 = arith.extui %sign3A_225 : i1 to i32
      %sign3A_227 = arith.constant 0 : i32
      %sign3A_228 = arith.cmpi slt, %add3A_221, %sign3A_227 : i32
      %sign3A_229 = arith.extui %sign3A_228 : i1 to i32
      %sign3A_230 = arith.subi %sign3A_226, %sign3A_229 : i32
      %sign3A_231 = arith.constant 0 : i32
      %sign3A_232 = arith.cmpi sgt, %jit3A_222, %sign3A_231 : i32
      %sign3A_233 = arith.extui %sign3A_232 : i1 to i32
      %sign3A_234 = arith.constant 0 : i32
      %sign3A_235 = arith.cmpi slt, %jit3A_222, %sign3A_234 : i32
      %sign3A_236 = arith.extui %sign3A_235 : i1 to i32
      %sign3A_237 = arith.subi %sign3A_233, %sign3A_236 : i32
      %ne3A_238 = arith.cmpi ne, %sign3A_230, %sign3A_237 : i32
      %rem3A_239 = arith.remsi %add3A_221, %jit3A_222 : i32
      %ne3A_240 = arith.constant 0 : i32
      %ne3A_241 = arith.cmpi ne, %rem3A_239, %ne3A_240 : i32
      %and3A_242 = arith.andi %ne3A_238, %ne3A_241 : i1
      %sub3A_243 = arith.constant 1 : i32
      %sub3A_244 = arith.subi %div3A_223, %sub3A_243 : i32
      %select_n3A_245 = arith.select %and3A_242, %sub3A_244, %div3A_223 : i32
      %jit3A_246 = arith.constant 6 : i32
      %div3A_247 = arith.divsi %select_n3A_245, %jit3A_246 : i32
      %sign3A_248 = arith.constant 0 : i32
      %sign3A_249 = arith.cmpi sgt, %select_n3A_245, %sign3A_248 : i32
      %sign3A_250 = arith.extui %sign3A_249 : i1 to i32
      %sign3A_251 = arith.constant 0 : i32
      %sign3A_252 = arith.cmpi slt, %select_n3A_245, %sign3A_251 : i32
      %sign3A_253 = arith.extui %sign3A_252 : i1 to i32
      %sign3A_254 = arith.subi %sign3A_250, %sign3A_253 : i32
      %sign3A_255 = arith.constant 0 : i32
      %sign3A_256 = arith.cmpi sgt, %jit3A_246, %sign3A_255 : i32
      %sign3A_257 = arith.extui %sign3A_256 : i1 to i32
      %sign3A_258 = arith.constant 0 : i32
      %sign3A_259 = arith.cmpi slt, %jit3A_246, %sign3A_258 : i32
      %sign3A_260 = arith.extui %sign3A_259 : i1 to i32
      %sign3A_261 = arith.subi %sign3A_257, %sign3A_260 : i32
      %ne3A_262 = arith.cmpi ne, %sign3A_254, %sign3A_261 : i32
      %rem3A_263 = arith.remsi %select_n3A_245, %jit3A_246 : i32
      %ne3A_264 = arith.constant 0 : i32
      %ne3A_265 = arith.cmpi ne, %rem3A_263, %ne3A_264 : i32
      %and3A_266 = arith.andi %ne3A_262, %ne3A_265 : i1
      %sub3A_267 = arith.constant 1 : i32
      %sub3A_268 = arith.subi %div3A_247, %sub3A_267 : i32
      %select_n3A_269 = arith.select %and3A_266, %sub3A_268, %div3A_247 : i32
      %jit3A_270 = arith.constant 0 : i32
      %select_n3A_271 = arith.select %lt3A_220, %select_n3A_269, %jit3A_270 : i32
      %jit3A_272 = arith.constant 25 : i32
      %eq3A_273 = arith.constant 0 : i32
      %eq3A_274 = arith.cmpi eq, %jit3A_272, %eq3A_273 : i32
      %jit3A_275 = arith.constant 1 : i32
      %select_n3A_276 = arith.select %eq3A_274, %jit3A_275, %jit3A_272 : i32
      %rem3A_277 = arith.remsi %add3A_221, %select_n3A_276 : i32
      %ne3A_278 = arith.constant 0 : i32
      %ne3A_279 = arith.cmpi ne, %rem3A_277, %ne3A_278 : i32
      %lt3A_280 = arith.constant 0 : i32
      %lt3A_281 = arith.cmpi slt, %rem3A_277, %lt3A_280 : i32
      %lt3A_282 = arith.constant 0 : i32
      %lt3A_283 = arith.cmpi slt, %select_n3A_276, %lt3A_282 : i32
      %ne3A_284 = arith.xori %lt3A_281, %lt3A_283 : i1
      %and3A_285 = arith.andi %ne3A_284, %ne3A_279 : i1
      %add3A_286 = arith.addi %rem3A_277, %select_n3A_276 : i32
      %select_n3A_287 = arith.select %and3A_285, %add3A_286, %rem3A_277 : i32
      %mul3A_288 = arith.constant 2800 : i32
      %mul3A_289 = arith.muli %select_n3A_287, %mul3A_288 : i32
      %jit3A_290 = arith.constant 0 : i32
      %select_n3A_291 = arith.select %lt3A_220, %mul3A_289, %jit3A_290 : i32
      %convert_element_type3A_292 = arith.extui %ne3A_211 : i1 to i32
      %cond3A_293 = arith.constant 0 : i32
      %cond3A_294 = arith.cmpi ne, %convert_element_type3A_292, %cond3A_293 : i32
      scf.if %cond3A_294 {
        %scan3A = arith.constant 0 : i32
        %scan3A_454 = arith.constant 0 : i32
        %scan3A_455 = arith.constant 88 : i32
        %scan3A_456 = arith.addi %scan3A_454, %scan3A_455 : i32
        %scan3A_457 = arith.constant 1 : i32
        scf.for %scan3A_459 = %scan3A_454 to %scan3A_456 step %scan3A_457  : i32 {
          %mul3A_460 = arith.constant 16 : i32
          %mul3A_461 = arith.muli %scan3A_459, %mul3A_460 : i32
          %swap3A = arith.index_cast %mul3A_461 : i32 to index
          %swap3A_462 = tpu.vector_load %arg8[%swap3A] {strides = array<i32>} : memref<1408xf32, #tpu.memory_space<vmem>>, vector<16xf32>,
          tpu.vector_store %arg8[%swap3A], %bitcast3A {strides = array<i32>} : memref<1408xf32, #tpu.memory_space<vmem>>, vector<16xf32>,
          %mul3A_463 = arith.constant 16 : i32
          %mul3A_464 = arith.muli %scan3A_459, %mul3A_463 : i32
          %swap3A_465 = arith.index_cast %mul3A_464 : i32 to index
          %swap3A_466 = tpu.vector_load %arg9[%swap3A_465] {strides = array<i32>} : memref<1408xf32, #tpu.memory_space<vmem>>, vector<16xf32>,
          tpu.vector_store %arg9[%swap3A_465], %bitcast3A {strides = array<i32>} : memref<1408xf32, #tpu.memory_space<vmem>>, vector<16xf32>,
        }
        %scan3A_458 = arith.constant 88 : i32
        "tpu.region"() ({
          %run_scoped3A_459 = tpu.sem_alloc : memref<!tpu.dma_semaphore, #tpu.memory_space<semaphore_mem>>
          %dma_start3A_460 = arith.constant 0 : i32
          %dma_start3A_461 = tpu.memref_slice %arg3[%select_n3A_168, %dma_start3A_460] : memref<24x32xf32, #tpu.memory_space<hbm>> -> memref<1x32xf32, #tpu.memory_space<hbm>>
          %dma_start3A_462 = tpu.memref_squeeze %dma_start3A_461 : memref<1x32xf32, #tpu.memory_space<hbm>> -> memref<32xf32, #tpu.memory_space<hbm>>
          %dma_start3A_463 = arith.constant 0 : i32
          %dma_start3A_464 = tpu.memref_slice %arg3[%select_n3A_168, %dma_start3A_463] : memref<24x32xf32, #tpu.memory_space<hbm>> -> memref<1x32xf32, #tpu.memory_space<hbm>>
          %dma_start3A_465 = tpu.memref_squeeze %dma_start3A_464 : memref<1x32xf32, #tpu.memory_space<hbm>> -> memref<32xf32, #tpu.memory_space<hbm>>
          tpu.enqueue_dma source(%dma_start3A_465 : memref<32xf32, #tpu.memory_space<hbm>>) target(%arg7 : memref<32xf32, #tpu.memory_space<vmem>>) target_semaphore(%run_scoped3A_459 : memref<!tpu.dma_semaphore, #tpu.memory_space<semaphore_mem>>)
          %dma_wait3A = arith.constant 0 : i32
          %dma_wait3A_466 = tpu.memref_slice %arg3[%select_n3A_168, %dma_wait3A] : memref<24x32xf32, #tpu.memory_space<hbm>> -> memref<1x32xf32, #tpu.memory_space<hbm>>
          %dma_wait3A_467 = tpu.memref_squeeze %dma_wait3A_466 : memref<1x32xf32, #tpu.memory_space<hbm>> -> memref<32xf32, #tpu.memory_space<hbm>>
          %dma_wait3A_468 = arith.constant 0 : i32
          %dma_wait3A_469 = tpu.memref_slice %arg3[%select_n3A_168, %dma_wait3A_468] : memref<24x32xf32, #tpu.memory_space<hbm>> -> memref<1x32xf32, #tpu.memory_space<hbm>>
          %dma_wait3A_470 = tpu.memref_squeeze %dma_wait3A_469 : memref<1x32xf32, #tpu.memory_space<hbm>> -> memref<32xf32, #tpu.memory_space<hbm>>
          tpu.wait_dma2 semaphore(%run_scoped3A_459 : memref<!tpu.dma_semaphore, #tpu.memory_space<semaphore_mem>>) src(%dma_wait3A_470 : memref<32xf32, #tpu.memory_space<hbm>>) dst(%arg7 : memref<32xf32, #tpu.memory_space<vmem>>)
          tpu.yield
        }) : () -> ()
      } else {
      }
      %get3A = arith.constant 0 : index
      %get3A_295 = tpu.vector_load %arg7[%get3A] {strides = array<i32>} : memref<32xf32, #tpu.memory_space<vmem>>, vector<16xf32>,
      %get3A_296 = arith.constant 16 : index
      %get3A_297 = tpu.vector_load %arg7[%get3A_296] {strides = array<i32>} : memref<32xf32, #tpu.memory_space<vmem>>, vector<16xf32>,
      %broadcast_in_dim3A_298 = arith.constant 0 : i32
      %broadcast_in_dim3A_299 = vector.broadcast %broadcast_in_dim3A_298 : i32 to vector<16xi32>
      %broadcast_in_dim3A_300 = vector.shape_cast %broadcast_in_dim3A_299 : vector<16xi32> to vector<16x1xi32>
      %gather3A = vector.shape_cast %broadcast_in_dim3A_300 : vector<16x1xi32> to vector<16xi32>
      %gather3A_301 = tpu.dynamic_gather %get3A_295[%gather3A] in [0] : vector<16xf32>, vector<16xi32> -> vector<16xf32>
      %broadcast_in_dim3A_302 = arith.constant 1 : i32
      %broadcast_in_dim3A_303 = vector.broadcast %broadcast_in_dim3A_302 : i32 to vector<16xi32>
      %broadcast_in_dim3A_304 = vector.shape_cast %broadcast_in_dim3A_303 : vector<16xi32> to vector<16x1xi32>
      %gather3A_305 = vector.shape_cast %broadcast_in_dim3A_304 : vector<16x1xi32> to vector<16xi32>
      %gather3A_306 = tpu.dynamic_gather %get3A_295[%gather3A_305] in [0] : vector<16xf32>, vector<16xi32> -> vector<16xf32>
      %broadcast_in_dim3A_307 = arith.constant 2 : i32
      %broadcast_in_dim3A_308 = vector.broadcast %broadcast_in_dim3A_307 : i32 to vector<16xi32>
      %broadcast_in_dim3A_309 = vector.shape_cast %broadcast_in_dim3A_308 : vector<16xi32> to vector<16x1xi32>
      %gather3A_310 = vector.shape_cast %broadcast_in_dim3A_309 : vector<16x1xi32> to vector<16xi32>
      %gather3A_311 = tpu.dynamic_gather %get3A_295[%gather3A_310] in [0] : vector<16xf32>, vector<16xi32> -> vector<16xf32>
      %broadcast_in_dim3A_312 = arith.constant 3 : i32
      %broadcast_in_dim3A_313 = vector.broadcast %broadcast_in_dim3A_312 : i32 to vector<16xi32>
      %broadcast_in_dim3A_314 = vector.shape_cast %broadcast_in_dim3A_313 : vector<16xi32> to vector<16x1xi32>
      %gather3A_315 = vector.shape_cast %broadcast_in_dim3A_314 : vector<16x1xi32> to vector<16xi32>
      %gather3A_316 = tpu.dynamic_gather %get3A_295[%gather3A_315] in [0] : vector<16xf32>, vector<16xi32> -> vector<16xf32>
      %broadcast_in_dim3A_317 = arith.constant 4 : i32
      %broadcast_in_dim3A_318 = vector.broadcast %broadcast_in_dim3A_317 : i32 to vector<16xi32>
      %broadcast_in_dim3A_319 = vector.shape_cast %broadcast_in_dim3A_318 : vector<16xi32> to vector<16x1xi32>
      %gather3A_320 = vector.shape_cast %broadcast_in_dim3A_319 : vector<16x1xi32> to vector<16xi32>
      %gather3A_321 = tpu.dynamic_gather %get3A_295[%gather3A_320] in [0] : vector<16xf32>, vector<16xi32> -> vector<16xf32>
      %broadcast_in_dim3A_322 = arith.constant 5 : i32
      %broadcast_in_dim3A_323 = vector.broadcast %broadcast_in_dim3A_322 : i32 to vector<16xi32>
      %broadcast_in_dim3A_324 = vector.shape_cast %broadcast_in_dim3A_323 : vector<16xi32> to vector<16x1xi32>
      %gather3A_325 = vector.shape_cast %broadcast_in_dim3A_324 : vector<16x1xi32> to vector<16xi32>
      %gather3A_326 = tpu.dynamic_gather %get3A_295[%gather3A_325] in [0] : vector<16xf32>, vector<16xi32> -> vector<16xf32>
      %broadcast_in_dim3A_327 = arith.constant 6 : i32
      %broadcast_in_dim3A_328 = vector.broadcast %broadcast_in_dim3A_327 : i32 to vector<16xi32>
      %broadcast_in_dim3A_329 = vector.shape_cast %broadcast_in_dim3A_328 : vector<16xi32> to vector<16x1xi32>
      %gather3A_330 = vector.shape_cast %broadcast_in_dim3A_329 : vector<16x1xi32> to vector<16xi32>
      %gather3A_331 = tpu.dynamic_gather %get3A_295[%gather3A_330] in [0] : vector<16xf32>, vector<16xi32> -> vector<16xf32>
      %broadcast_in_dim3A_332 = arith.constant 7 : i32
      %broadcast_in_dim3A_333 = vector.broadcast %broadcast_in_dim3A_332 : i32 to vector<16xi32>
      %broadcast_in_dim3A_334 = vector.shape_cast %broadcast_in_dim3A_333 : vector<16xi32> to vector<16x1xi32>
      %gather3A_335 = vector.shape_cast %broadcast_in_dim3A_334 : vector<16x1xi32> to vector<16xi32>
      %gather3A_336 = tpu.dynamic_gather %get3A_295[%gather3A_335] in [0] : vector<16xf32>, vector<16xi32> -> vector<16xf32>
      %broadcast_in_dim3A_337 = arith.constant 8 : i32
      %broadcast_in_dim3A_338 = vector.broadcast %broadcast_in_dim3A_337 : i32 to vector<16xi32>
      %broadcast_in_dim3A_339 = vector.shape_cast %broadcast_in_dim3A_338 : vector<16xi32> to vector<16x1xi32>
      %gather3A_340 = vector.shape_cast %broadcast_in_dim3A_339 : vector<16x1xi32> to vector<16xi32>
      %gather3A_341 = tpu.dynamic_gather %get3A_295[%gather3A_340] in [0] : vector<16xf32>, vector<16xi32> -> vector<16xf32>
      %broadcast_in_dim3A_342 = arith.constant 9 : i32
      %broadcast_in_dim3A_343 = vector.broadcast %broadcast_in_dim3A_342 : i32 to vector<16xi32>
      %broadcast_in_dim3A_344 = vector.shape_cast %broadcast_in_dim3A_343 : vector<16xi32> to vector<16x1xi32>
      %gather3A_345 = vector.shape_cast %broadcast_in_dim3A_344 : vector<16x1xi32> to vector<16xi32>
      %gather3A_346 = tpu.dynamic_gather %get3A_295[%gather3A_345] in [0] : vector<16xf32>, vector<16xi32> -> vector<16xf32>
      %broadcast_in_dim3A_347 = arith.constant 10 : i32
      %broadcast_in_dim3A_348 = vector.broadcast %broadcast_in_dim3A_347 : i32 to vector<16xi32>
      %broadcast_in_dim3A_349 = vector.shape_cast %broadcast_in_dim3A_348 : vector<16xi32> to vector<16x1xi32>
      %gather3A_350 = vector.shape_cast %broadcast_in_dim3A_349 : vector<16x1xi32> to vector<16xi32>
      %gather3A_351 = tpu.dynamic_gather %get3A_295[%gather3A_350] in [0] : vector<16xf32>, vector<16xi32> -> vector<16xf32>
      %broadcast_in_dim3A_352 = arith.constant 11 : i32
      %broadcast_in_dim3A_353 = vector.broadcast %broadcast_in_dim3A_352 : i32 to vector<16xi32>
      %broadcast_in_dim3A_354 = vector.shape_cast %broadcast_in_dim3A_353 : vector<16xi32> to vector<16x1xi32>
      %gather3A_355 = vector.shape_cast %broadcast_in_dim3A_354 : vector<16x1xi32> to vector<16xi32>
      %gather3A_356 = tpu.dynamic_gather %get3A_295[%gather3A_355] in [0] : vector<16xf32>, vector<16xi32> -> vector<16xf32>
      %broadcast_in_dim3A_357 = arith.constant 12 : i32
      %broadcast_in_dim3A_358 = vector.broadcast %broadcast_in_dim3A_357 : i32 to vector<16xi32>
      %broadcast_in_dim3A_359 = vector.shape_cast %broadcast_in_dim3A_358 : vector<16xi32> to vector<16x1xi32>
      %gather3A_360 = vector.shape_cast %broadcast_in_dim3A_359 : vector<16x1xi32> to vector<16xi32>
      %gather3A_361 = tpu.dynamic_gather %get3A_295[%gather3A_360] in [0] : vector<16xf32>, vector<16xi32> -> vector<16xf32>
      %broadcast_in_dim3A_362 = arith.constant 13 : i32
      %broadcast_in_dim3A_363 = vector.broadcast %broadcast_in_dim3A_362 : i32 to vector<16xi32>
      %broadcast_in_dim3A_364 = vector.shape_cast %broadcast_in_dim3A_363 : vector<16xi32> to vector<16x1xi32>
      %gather3A_365 = vector.shape_cast %broadcast_in_dim3A_364 : vector<16x1xi32> to vector<16xi32>
      %gather3A_366 = tpu.dynamic_gather %get3A_295[%gather3A_365] in [0] : vector<16xf32>, vector<16xi32> -> vector<16xf32>
      %broadcast_in_dim3A_367 = arith.constant 14 : i32
      %broadcast_in_dim3A_368 = vector.broadcast %broadcast_in_dim3A_367 : i32 to vector<16xi32>
      %broadcast_in_dim3A_369 = vector.shape_cast %broadcast_in_dim3A_368 : vector<16xi32> to vector<16x1xi32>
      %gather3A_370 = vector.shape_cast %broadcast_in_dim3A_369 : vector<16x1xi32> to vector<16xi32>
      %gather3A_371 = tpu.dynamic_gather %get3A_295[%gather3A_370] in [0] : vector<16xf32>, vector<16xi32> -> vector<16xf32>
      %broadcast_in_dim3A_372 = arith.constant 15 : i32
      %broadcast_in_dim3A_373 = vector.broadcast %broadcast_in_dim3A_372 : i32 to vector<16xi32>
      %broadcast_in_dim3A_374 = vector.shape_cast %broadcast_in_dim3A_373 : vector<16xi32> to vector<16x1xi32>
      %gather3A_375 = vector.shape_cast %broadcast_in_dim3A_374 : vector<16x1xi32> to vector<16xi32>
      %gather3A_376 = tpu.dynamic_gather %get3A_295[%gather3A_375] in [0] : vector<16xf32>, vector<16xi32> -> vector<16xf32>
      %broadcast_in_dim3A_377 = arith.constant 0 : i32
      %broadcast_in_dim3A_378 = vector.broadcast %broadcast_in_dim3A_377 : i32 to vector<16xi32>
      %broadcast_in_dim3A_379 = vector.shape_cast %broadcast_in_dim3A_378 : vector<16xi32> to vector<16x1xi32>
      %gather3A_380 = vector.shape_cast %broadcast_in_dim3A_379 : vector<16x1xi32> to vector<16xi32>
      %gather3A_381 = tpu.dynamic_gather %get3A_297[%gather3A_380] in [0] : vector<16xf32>, vector<16xi32> -> vector<16xf32>
      %broadcast_in_dim3A_382 = arith.constant 1 : i32
      %broadcast_in_dim3A_383 = vector.broadcast %broadcast_in_dim3A_382 : i32 to vector<16xi32>
      %broadcast_in_dim3A_384 = vector.shape_cast %broadcast_in_dim3A_383 : vector<16xi32> to vector<16x1xi32>
      %gather3A_385 = vector.shape_cast %broadcast_in_dim3A_384 : vector<16x1xi32> to vector<16xi32>
      %gather3A_386 = tpu.dynamic_gather %get3A_297[%gather3A_385] in [0] : vector<16xf32>, vector<16xi32> -> vector<16xf32>
      %broadcast_in_dim3A_387 = arith.constant 2 : i32
      %broadcast_in_dim3A_388 = vector.broadcast %broadcast_in_dim3A_387 : i32 to vector<16xi32>
      %broadcast_in_dim3A_389 = vector.shape_cast %broadcast_in_dim3A_388 : vector<16xi32> to vector<16x1xi32>
      %gather3A_390 = vector.shape_cast %broadcast_in_dim3A_389 : vector<16x1xi32> to vector<16xi32>
      %gather3A_391 = tpu.dynamic_gather %get3A_297[%gather3A_390] in [0] : vector<16xf32>, vector<16xi32> -> vector<16xf32>
      %broadcast_in_dim3A_392 = arith.constant 3 : i32
      %broadcast_in_dim3A_393 = vector.broadcast %broadcast_in_dim3A_392 : i32 to vector<16xi32>
      %broadcast_in_dim3A_394 = vector.shape_cast %broadcast_in_dim3A_393 : vector<16xi32> to vector<16x1xi32>
      %gather3A_395 = vector.shape_cast %broadcast_in_dim3A_394 : vector<16x1xi32> to vector<16xi32>
      %gather3A_396 = tpu.dynamic_gather %get3A_297[%gather3A_395] in [0] : vector<16xf32>, vector<16xi32> -> vector<16xf32>
      %broadcast_in_dim3A_397 = arith.constant 4 : i32
      %broadcast_in_dim3A_398 = vector.broadcast %broadcast_in_dim3A_397 : i32 to vector<16xi32>
      %broadcast_in_dim3A_399 = vector.shape_cast %broadcast_in_dim3A_398 : vector<16xi32> to vector<16x1xi32>
      %gather3A_400 = vector.shape_cast %broadcast_in_dim3A_399 : vector<16x1xi32> to vector<16xi32>
      %gather3A_401 = tpu.dynamic_gather %get3A_297[%gather3A_400] in [0] : vector<16xf32>, vector<16xi32> -> vector<16xf32>
      %broadcast_in_dim3A_402 = arith.constant 5 : i32
      %broadcast_in_dim3A_403 = vector.broadcast %broadcast_in_dim3A_402 : i32 to vector<16xi32>
      %broadcast_in_dim3A_404 = vector.shape_cast %broadcast_in_dim3A_403 : vector<16xi32> to vector<16x1xi32>
      %gather3A_405 = vector.shape_cast %broadcast_in_dim3A_404 : vector<16x1xi32> to vector<16xi32>
      %gather3A_406 = tpu.dynamic_gather %get3A_297[%gather3A_405] in [0] : vector<16xf32>, vector<16xi32> -> vector<16xf32>
      %broadcast_in_dim3A_407 = arith.constant 6 : i32
      %broadcast_in_dim3A_408 = vector.broadcast %broadcast_in_dim3A_407 : i32 to vector<16xi32>
      %broadcast_in_dim3A_409 = vector.shape_cast %broadcast_in_dim3A_408 : vector<16xi32> to vector<16x1xi32>
      %gather3A_410 = vector.shape_cast %broadcast_in_dim3A_409 : vector<16x1xi32> to vector<16xi32>
      %gather3A_411 = tpu.dynamic_gather %get3A_297[%gather3A_410] in [0] : vector<16xf32>, vector<16xi32> -> vector<16xf32>
      %broadcast_in_dim3A_412 = arith.constant 7 : i32
      %broadcast_in_dim3A_413 = vector.broadcast %broadcast_in_dim3A_412 : i32 to vector<16xi32>
      %broadcast_in_dim3A_414 = vector.shape_cast %broadcast_in_dim3A_413 : vector<16xi32> to vector<16x1xi32>
      %gather3A_415 = vector.shape_cast %broadcast_in_dim3A_414 : vector<16x1xi32> to vector<16xi32>
      %gather3A_416 = tpu.dynamic_gather %get3A_297[%gather3A_415] in [0] : vector<16xf32>, vector<16xi32> -> vector<16xf32>
      %broadcast_in_dim3A_417 = arith.constant 8 : i32
      %broadcast_in_dim3A_418 = vector.broadcast %broadcast_in_dim3A_417 : i32 to vector<16xi32>
      %broadcast_in_dim3A_419 = vector.shape_cast %broadcast_in_dim3A_418 : vector<16xi32> to vector<16x1xi32>
      %gather3A_420 = vector.shape_cast %broadcast_in_dim3A_419 : vector<16x1xi32> to vector<16xi32>
      %gather3A_421 = tpu.dynamic_gather %get3A_297[%gather3A_420] in [0] : vector<16xf32>, vector<16xi32> -> vector<16xf32>
      %broadcast_in_dim3A_422 = arith.constant 9 : i32
      %broadcast_in_dim3A_423 = vector.broadcast %broadcast_in_dim3A_422 : i32 to vector<16xi32>
      %broadcast_in_dim3A_424 = vector.shape_cast %broadcast_in_dim3A_423 : vector<16xi32> to vector<16x1xi32>
      %gather3A_425 = vector.shape_cast %broadcast_in_dim3A_424 : vector<16x1xi32> to vector<16xi32>
      %gather3A_426 = tpu.dynamic_gather %get3A_297[%gather3A_425] in [0] : vector<16xf32>, vector<16xi32> -> vector<16xf32>
      %broadcast_in_dim3A_427 = arith.constant 10 : i32
      %broadcast_in_dim3A_428 = vector.broadcast %broadcast_in_dim3A_427 : i32 to vector<16xi32>
      %broadcast_in_dim3A_429 = vector.shape_cast %broadcast_in_dim3A_428 : vector<16xi32> to vector<16x1xi32>
      %gather3A_430 = vector.shape_cast %broadcast_in_dim3A_429 : vector<16x1xi32> to vector<16xi32>
      %gather3A_431 = tpu.dynamic_gather %get3A_297[%gather3A_430] in [0] : vector<16xf32>, vector<16xi32> -> vector<16xf32>
      %broadcast_in_dim3A_432 = arith.constant 11 : i32
      %broadcast_in_dim3A_433 = vector.broadcast %broadcast_in_dim3A_432 : i32 to vector<16xi32>
      %broadcast_in_dim3A_434 = vector.shape_cast %broadcast_in_dim3A_433 : vector<16xi32> to vector<16x1xi32>
      %gather3A_435 = vector.shape_cast %broadcast_in_dim3A_434 : vector<16x1xi32> to vector<16xi32>
      %gather3A_436 = tpu.dynamic_gather %get3A_297[%gather3A_435] in [0] : vector<16xf32>, vector<16xi32> -> vector<16xf32>
      %broadcast_in_dim3A_437 = arith.constant 12 : i32
      %broadcast_in_dim3A_438 = vector.broadcast %broadcast_in_dim3A_437 : i32 to vector<16xi32>
      %broadcast_in_dim3A_439 = vector.shape_cast %broadcast_in_dim3A_438 : vector<16xi32> to vector<16x1xi32>
      %gather3A_440 = vector.shape_cast %broadcast_in_dim3A_439 : vector<16x1xi32> to vector<16xi32>
      %gather3A_441 = tpu.dynamic_gather %get3A_297[%gather3A_440] in [0] : vector<16xf32>, vector<16xi32> -> vector<16xf32>
      %rem3A_442 = arith.constant 2 : i32
      %rem3A_443 = arith.remsi %while3A_141, %rem3A_442 : i32
      %eq3A_444 = arith.constant 0 : i32
      %eq3A_445 = arith.cmpi eq, %rem3A_443, %eq3A_444 : i32
      %convert_element_type3A_446 = arith.extui %eq3A_445 : i1 to i32
      %cond3A_447 = arith.constant 0 : i32
      %cond3A_448 = arith.cmpi ne, %convert_element_type3A_446, %cond3A_447 : i32
      scf.if %cond3A_448 {
        %mul3A_454 = arith.constant 4 : i32
        %mul3A_455 = arith.muli %select_n3A_192, %mul3A_454 : i32
        %add3A_456 = arith.constant 0 : i32
        %add3A_457 = arith.addi %mul3A_455, %add3A_456 : i32
        %dma_wait3A = arith.constant 0 : i32
        %dma_wait3A_458 = arith.constant 0 : i32
        %dma_wait3A_459 = tpu.memref_slice %arg5[%dma_wait3A, %dma_wait3A_458] : memref<4x2800xf32, #tpu.memory_space<vmem>> -> memref<1x2800xf32, #tpu.memory_space<vmem>>
        %dma_wait3A_460 = tpu.memref_squeeze %dma_wait3A_459 : memref<1x2800xf32, #tpu.memory_space<vmem>> -> memref<2800xf32, #tpu.memory_space<vmem>>
        %dma_wait3A_461 = tpu.memref_slice %arg2[%add3A_457, %mul3A_210] : memref<16x70000xf32, #tpu.memory_space<hbm>> -> memref<1x2800xf32, #tpu.memory_space<hbm>>
        %dma_wait3A_462 = tpu.memref_squeeze %dma_wait3A_461 : memref<1x2800xf32, #tpu.memory_space<hbm>> -> memref<2800xf32, #tpu.memory_space<hbm>>
        %dma_wait3A_463 = arith.constant 0 : i32
        %dma_wait3A_464 = tpu.memref_slice %arg5[%dma_wait3A, %dma_wait3A_463] : memref<4x2800xf32, #tpu.memory_space<vmem>> -> memref<1x2800xf32, #tpu.memory_space<vmem>>
        %dma_wait3A_465 = tpu.memref_squeeze %dma_wait3A_464 : memref<1x2800xf32, #tpu.memory_space<vmem>> -> memref<2800xf32, #tpu.memory_space<vmem>>
        %dma_wait3A_466 = tpu.memref_slice %arg2[%add3A_457, %mul3A_210] : memref<16x70000xf32, #tpu.memory_space<hbm>> -> memref<1x2800xf32, #tpu.memory_space<hbm>>
        %dma_wait3A_467 = tpu.memref_squeeze %dma_wait3A_466 : memref<1x2800xf32, #tpu.memory_space<hbm>> -> memref<2800xf32, #tpu.memory_space<hbm>>
        tpu.wait_dma2 semaphore(%arg10 : memref<!tpu.dma_semaphore, #tpu.memory_space<semaphore_mem>>) src(%dma_wait3A_467 : memref<2800xf32, #tpu.memory_space<hbm>>) dst(%dma_wait3A_465 : memref<2800xf32, #tpu.memory_space<vmem>>)
        %mul3A_468 = arith.constant 4 : i32
        %mul3A_469 = arith.muli %select_n3A_192, %mul3A_468 : i32
        %add3A_470 = arith.constant 1 : i32
        %add3A_471 = arith.addi %mul3A_469, %add3A_470 : i32
        %dma_wait3A_472 = arith.constant 1 : i32
        %dma_wait3A_473 = arith.constant 0 : i32
        %dma_wait3A_474 = tpu.memref_slice %arg5[%dma_wait3A_472, %dma_wait3A_473] : memref<4x2800xf32, #tpu.memory_space<vmem>> -> memref<1x2800xf32, #tpu.memory_space<vmem>>
        %dma_wait3A_475 = tpu.memref_squeeze %dma_wait3A_474 : memref<1x2800xf32, #tpu.memory_space<vmem>> -> memref<2800xf32, #tpu.memory_space<vmem>>
        %dma_wait3A_476 = tpu.memref_slice %arg2[%add3A_471, %mul3A_210] : memref<16x70000xf32, #tpu.memory_space<hbm>> -> memref<1x2800xf32, #tpu.memory_space<hbm>>
        %dma_wait3A_477 = tpu.memref_squeeze %dma_wait3A_476 : memref<1x2800xf32, #tpu.memory_space<hbm>> -> memref<2800xf32, #tpu.memory_space<hbm>>
        %dma_wait3A_478 = arith.constant 0 : i32
        %dma_wait3A_479 = tpu.memref_slice %arg5[%dma_wait3A_472, %dma_wait3A_478] : memref<4x2800xf32, #tpu.memory_space<vmem>> -> memref<1x2800xf32, #tpu.memory_space<vmem>>
        %dma_wait3A_480 = tpu.memref_squeeze %dma_wait3A_479 : memref<1x2800xf32, #tpu.memory_space<vmem>> -> memref<2800xf32, #tpu.memory_space<vmem>>
        %dma_wait3A_481 = tpu.memref_slice %arg2[%add3A_471, %mul3A_210] : memref<16x70000xf32, #tpu.memory_space<hbm>> -> memref<1x2800xf32, #tpu.memory_space<hbm>>
        %dma_wait3A_482 = tpu.memref_squeeze %dma_wait3A_481 : memref<1x2800xf32, #tpu.memory_space<hbm>> -> memref<2800xf32, #tpu.memory_space<hbm>>
        tpu.wait_dma2 semaphore(%arg10 : memref<!tpu.dma_semaphore, #tpu.memory_space<semaphore_mem>>) src(%dma_wait3A_482 : memref<2800xf32, #tpu.memory_space<hbm>>) dst(%dma_wait3A_480 : memref<2800xf32, #tpu.memory_space<vmem>>)
        %mul3A_483 = arith.constant 4 : i32
        %mul3A_484 = arith.muli %select_n3A_192, %mul3A_483 : i32
        %add3A_485 = arith.constant 2 : i32
        %add3A_486 = arith.addi %mul3A_484, %add3A_485 : i32
        %dma_wait3A_487 = arith.constant 2 : i32
        %dma_wait3A_488 = arith.constant 0 : i32
        %dma_wait3A_489 = tpu.memref_slice %arg5[%dma_wait3A_487, %dma_wait3A_488] : memref<4x2800xf32, #tpu.memory_space<vmem>> -> memref<1x2800xf32, #tpu.memory_space<vmem>>
        %dma_wait3A_490 = tpu.memref_squeeze %dma_wait3A_489 : memref<1x2800xf32, #tpu.memory_space<vmem>> -> memref<2800xf32, #tpu.memory_space<vmem>>
        %dma_wait3A_491 = tpu.memref_slice %arg2[%add3A_486, %mul3A_210] : memref<16x70000xf32, #tpu.memory_space<hbm>> -> memref<1x2800xf32, #tpu.memory_space<hbm>>
        %dma_wait3A_492 = tpu.memref_squeeze %dma_wait3A_491 : memref<1x2800xf32, #tpu.memory_space<hbm>> -> memref<2800xf32, #tpu.memory_space<hbm>>
        %dma_wait3A_493 = arith.constant 0 : i32
        %dma_wait3A_494 = tpu.memref_slice %arg5[%dma_wait3A_487, %dma_wait3A_493] : memref<4x2800xf32, #tpu.memory_space<vmem>> -> memref<1x2800xf32, #tpu.memory_space<vmem>>
        %dma_wait3A_495 = tpu.memref_squeeze %dma_wait3A_494 : memref<1x2800xf32, #tpu.memory_space<vmem>> -> memref<2800xf32, #tpu.memory_space<vmem>>
        %dma_wait3A_496 = tpu.memref_slice %arg2[%add3A_486, %mul3A_210] : memref<16x70000xf32, #tpu.memory_space<hbm>> -> memref<1x2800xf32, #tpu.memory_space<hbm>>
        %dma_wait3A_497 = tpu.memref_squeeze %dma_wait3A_496 : memref<1x2800xf32, #tpu.memory_space<hbm>> -> memref<2800xf32, #tpu.memory_space<hbm>>
        tpu.wait_dma2 semaphore(%arg10 : memref<!tpu.dma_semaphore, #tpu.memory_space<semaphore_mem>>) src(%dma_wait3A_497 : memref<2800xf32, #tpu.memory_space<hbm>>) dst(%dma_wait3A_495 : memref<2800xf32, #tpu.memory_space<vmem>>)
        %mul3A_498 = arith.constant 4 : i32
        %mul3A_499 = arith.muli %select_n3A_192, %mul3A_498 : i32
        %add3A_500 = arith.constant 3 : i32
        %add3A_501 = arith.addi %mul3A_499, %add3A_500 : i32
        %dma_wait3A_502 = arith.constant 3 : i32
        %dma_wait3A_503 = arith.constant 0 : i32
        %dma_wait3A_504 = tpu.memref_slice %arg5[%dma_wait3A_502, %dma_wait3A_503] : memref<4x2800xf32, #tpu.memory_space<vmem>> -> memref<1x2800xf32, #tpu.memory_space<vmem>>
        %dma_wait3A_505 = tpu.memref_squeeze %dma_wait3A_504 : memref<1x2800xf32, #tpu.memory_space<vmem>> -> memref<2800xf32, #tpu.memory_space<vmem>>
        %dma_wait3A_506 = tpu.memref_slice %arg2[%add3A_501, %mul3A_210] : memref<16x70000xf32, #tpu.memory_space<hbm>> -> memref<1x2800xf32, #tpu.memory_space<hbm>>
        %dma_wait3A_507 = tpu.memref_squeeze %dma_wait3A_506 : memref<1x2800xf32, #tpu.memory_space<hbm>> -> memref<2800xf32, #tpu.memory_space<hbm>>
        %dma_wait3A_508 = arith.constant 0 : i32
        %dma_wait3A_509 = tpu.memref_slice %arg5[%dma_wait3A_502, %dma_wait3A_508] : memref<4x2800xf32, #tpu.memory_space<vmem>> -> memref<1x2800xf32, #tpu.memory_space<vmem>>
        %dma_wait3A_510 = tpu.memref_squeeze %dma_wait3A_509 : memref<1x2800xf32, #tpu.memory_space<vmem>> -> memref<2800xf32, #tpu.memory_space<vmem>>
        %dma_wait3A_511 = tpu.memref_slice %arg2[%add3A_501, %mul3A_210] : memref<16x70000xf32, #tpu.memory_space<hbm>> -> memref<1x2800xf32, #tpu.memory_space<hbm>>
        %dma_wait3A_512 = tpu.memref_squeeze %dma_wait3A_511 : memref<1x2800xf32, #tpu.memory_space<hbm>> -> memref<2800xf32, #tpu.memory_space<hbm>>
        tpu.wait_dma2 semaphore(%arg10 : memref<!tpu.dma_semaphore, #tpu.memory_space<semaphore_mem>>) src(%dma_wait3A_512 : memref<2800xf32, #tpu.memory_space<hbm>>) dst(%dma_wait3A_510 : memref<2800xf32, #tpu.memory_space<vmem>>)
        %convert_element_type3A_513 = arith.extui %lt3A_220 : i1 to i32
        %cond3A_514 = arith.constant 0 : i32
        %cond3A_515 = arith.cmpi ne, %convert_element_type3A_513, %cond3A_514 : i32
        scf.if %cond3A_515 {
          %mul3A_521 = arith.constant 4 : i32
          %mul3A_522 = arith.muli %select_n3A_271, %mul3A_521 : i32
          %add3A_523 = arith.constant 0 : i32
          %add3A_524 = arith.addi %mul3A_522, %add3A_523 : i32
          %dma_start3A_525 = arith.constant 0 : i32
          %dma_start3A_526 = arith.constant 0 : i32
          %dma_start3A_527 = tpu.memref_slice %arg6[%dma_start3A_525, %dma_start3A_526] : memref<4x2800xf32, #tpu.memory_space<vmem>> -> memref<1x2800xf32, #tpu.memory_space<vmem>>
          %dma_start3A_528 = tpu.memref_squeeze %dma_start3A_527 : memref<1x2800xf32, #tpu.memory_space<vmem>> -> memref<2800xf32, #tpu.memory_space<vmem>>
          %dma_start3A_529 = tpu.memref_slice %arg2[%add3A_524, %select_n3A_291] : memref<16x70000xf32, #tpu.memory_space<hbm>> -> memref<1x2800xf32, #tpu.memory_space<hbm>>
          %dma_start3A_530 = tpu.memref_squeeze %dma_start3A_529 : memref<1x2800xf32, #tpu.memory_space<hbm>> -> memref<2800xf32, #tpu.memory_space<hbm>>
          %dma_start3A_531 = arith.constant 0 : i32
          %dma_start3A_532 = tpu.memref_slice %arg6[%dma_start3A_525, %dma_start3A_531] : memref<4x2800xf32, #tpu.memory_space<vmem>> -> memref<1x2800xf32, #tpu.memory_space<vmem>>
          %dma_start3A_533 = tpu.memref_squeeze %dma_start3A_532 : memref<1x2800xf32, #tpu.memory_space<vmem>> -> memref<2800xf32, #tpu.memory_space<vmem>>
          %dma_start3A_534 = tpu.memref_slice %arg2[%add3A_524, %select_n3A_291] : memref<16x70000xf32, #tpu.memory_space<hbm>> -> memref<1x2800xf32, #tpu.memory_space<hbm>>
          %dma_start3A_535 = tpu.memref_squeeze %dma_start3A_534 : memref<1x2800xf32, #tpu.memory_space<hbm>> -> memref<2800xf32, #tpu.memory_space<hbm>>
          tpu.enqueue_dma source(%dma_start3A_535 : memref<2800xf32, #tpu.memory_space<hbm>>) target(%dma_start3A_533 : memref<2800xf32, #tpu.memory_space<vmem>>) target_semaphore(%arg11 : memref<!tpu.dma_semaphore, #tpu.memory_space<semaphore_mem>>)
          %mul3A_536 = arith.constant 4 : i32
          %mul3A_537 = arith.muli %select_n3A_271, %mul3A_536 : i32
          %add3A_538 = arith.constant 1 : i32
          %add3A_539 = arith.addi %mul3A_537, %add3A_538 : i32
          %dma_start3A_540 = arith.constant 1 : i32
          %dma_start3A_541 = arith.constant 0 : i32
          %dma_start3A_542 = tpu.memref_slice %arg6[%dma_start3A_540, %dma_start3A_541] : memref<4x2800xf32, #tpu.memory_space<vmem>> -> memref<1x2800xf32, #tpu.memory_space<vmem>>
          %dma_start3A_543 = tpu.memref_squeeze %dma_start3A_542 : memref<1x2800xf32, #tpu.memory_space<vmem>> -> memref<2800xf32, #tpu.memory_space<vmem>>
          %dma_start3A_544 = tpu.memref_slice %arg2[%add3A_539, %select_n3A_291] : memref<16x70000xf32, #tpu.memory_space<hbm>> -> memref<1x2800xf32, #tpu.memory_space<hbm>>
          %dma_start3A_545 = tpu.memref_squeeze %dma_start3A_544 : memref<1x2800xf32, #tpu.memory_space<hbm>> -> memref<2800xf32, #tpu.memory_space<hbm>>
          %dma_start3A_546 = arith.constant 0 : i32
          %dma_start3A_547 = tpu.memref_slice %arg6[%dma_start3A_540, %dma_start3A_546] : memref<4x2800xf32, #tpu.memory_space<vmem>> -> memref<1x2800xf32, #tpu.memory_space<vmem>>
          %dma_start3A_548 = tpu.memref_squeeze %dma_start3A_547 : memref<1x2800xf32, #tpu.memory_space<vmem>> -> memref<2800xf32, #tpu.memory_space<vmem>>
          %dma_start3A_549 = tpu.memref_slice %arg2[%add3A_539, %select_n3A_291] : memref<16x70000xf32, #tpu.memory_space<hbm>> -> memref<1x2800xf32, #tpu.memory_space<hbm>>
          %dma_start3A_550 = tpu.memref_squeeze %dma_start3A_549 : memref<1x2800xf32, #tpu.memory_space<hbm>> -> memref<2800xf32, #tpu.memory_space<hbm>>
          tpu.enqueue_dma source(%dma_start3A_550 : memref<2800xf32, #tpu.memory_space<hbm>>) target(%dma_start3A_548 : memref<2800xf32, #tpu.memory_space<vmem>>) target_semaphore(%arg11 : memref<!tpu.dma_semaphore, #tpu.memory_space<semaphore_mem>>)
          %mul3A_551 = arith.constant 4 : i32
          %mul3A_552 = arith.muli %select_n3A_271, %mul3A_551 : i32
          %add3A_553 = arith.constant 2 : i32
          %add3A_554 = arith.addi %mul3A_552, %add3A_553 : i32
          %dma_start3A_555 = arith.constant 2 : i32
          %dma_start3A_556 = arith.constant 0 : i32
          %dma_start3A_557 = tpu.memref_slice %arg6[%dma_start3A_555, %dma_start3A_556] : memref<4x2800xf32, #tpu.memory_space<vmem>> -> memref<1x2800xf32, #tpu.memory_space<vmem>>
          %dma_start3A_558 = tpu.memref_squeeze %dma_start3A_557 : memref<1x2800xf32, #tpu.memory_space<vmem>> -> memref<2800xf32, #tpu.memory_space<vmem>>
          %dma_start3A_559 = tpu.memref_slice %arg2[%add3A_554, %select_n3A_291] : memref<16x70000xf32, #tpu.memory_space<hbm>> -> memref<1x2800xf32, #tpu.memory_space<hbm>>
          %dma_start3A_560 = tpu.memref_squeeze %dma_start3A_559 : memref<1x2800xf32, #tpu.memory_space<hbm>> -> memref<2800xf32, #tpu.memory_space<hbm>>
          %dma_start3A_561 = arith.constant 0 : i32
          %dma_start3A_562 = tpu.memref_slice %arg6[%dma_start3A_555, %dma_start3A_561] : memref<4x2800xf32, #tpu.memory_space<vmem>> -> memref<1x2800xf32, #tpu.memory_space<vmem>>
          %dma_start3A_563 = tpu.memref_squeeze %dma_start3A_562 : memref<1x2800xf32, #tpu.memory_space<vmem>> -> memref<2800xf32, #tpu.memory_space<vmem>>
          %dma_start3A_564 = tpu.memref_slice %arg2[%add3A_554, %select_n3A_291] : memref<16x70000xf32, #tpu.memory_space<hbm>> -> memref<1x2800xf32, #tpu.memory_space<hbm>>
          %dma_start3A_565 = tpu.memref_squeeze %dma_start3A_564 : memref<1x2800xf32, #tpu.memory_space<hbm>> -> memref<2800xf32, #tpu.memory_space<hbm>>
          tpu.enqueue_dma source(%dma_start3A_565 : memref<2800xf32, #tpu.memory_space<hbm>>) target(%dma_start3A_563 : memref<2800xf32, #tpu.memory_space<vmem>>) target_semaphore(%arg11 : memref<!tpu.dma_semaphore, #tpu.memory_space<semaphore_mem>>)
          %mul3A_566 = arith.constant 4 : i32
          %mul3A_567 = arith.muli %select_n3A_271, %mul3A_566 : i32
          %add3A_568 = arith.constant 3 : i32
          %add3A_569 = arith.addi %mul3A_567, %add3A_568 : i32
          %dma_start3A_570 = arith.constant 3 : i32
          %dma_start3A_571 = arith.constant 0 : i32
          %dma_start3A_572 = tpu.memref_slice %arg6[%dma_start3A_570, %dma_start3A_571] : memref<4x2800xf32, #tpu.memory_space<vmem>> -> memref<1x2800xf32, #tpu.memory_space<vmem>>
          %dma_start3A_573 = tpu.memref_squeeze %dma_start3A_572 : memref<1x2800xf32, #tpu.memory_space<vmem>> -> memref<2800xf32, #tpu.memory_space<vmem>>
          %dma_start3A_574 = tpu.memref_slice %arg2[%add3A_569, %select_n3A_291] : memref<16x70000xf32, #tpu.memory_space<hbm>> -> memref<1x2800xf32, #tpu.memory_space<hbm>>
          %dma_start3A_575 = tpu.memref_squeeze %dma_start3A_574 : memref<1x2800xf32, #tpu.memory_space<hbm>> -> memref<2800xf32, #tpu.memory_space<hbm>>
          %dma_start3A_576 = arith.constant 0 : i32
          %dma_start3A_577 = tpu.memref_slice %arg6[%dma_start3A_570, %dma_start3A_576] : memref<4x2800xf32, #tpu.memory_space<vmem>> -> memref<1x2800xf32, #tpu.memory_space<vmem>>
          %dma_start3A_578 = tpu.memref_squeeze %dma_start3A_577 : memref<1x2800xf32, #tpu.memory_space<vmem>> -> memref<2800xf32, #tpu.memory_space<vmem>>
          %dma_start3A_579 = tpu.memref_slice %arg2[%add3A_569, %select_n3A_291] : memref<16x70000xf32, #tpu.memory_space<hbm>> -> memref<1x2800xf32, #tpu.memory_space<hbm>>
          %dma_start3A_580 = tpu.memref_squeeze %dma_start3A_579 : memref<1x2800xf32, #tpu.memory_space<hbm>> -> memref<2800xf32, #tpu.memory_space<hbm>>
          tpu.enqueue_dma source(%dma_start3A_580 : memref<2800xf32, #tpu.memory_space<hbm>>) target(%dma_start3A_578 : memref<2800xf32, #tpu.memory_space<vmem>>) target_semaphore(%arg11 : memref<!tpu.dma_semaphore, #tpu.memory_space<semaphore_mem>>)
        } else {
        }
        %scan3A = arith.constant 0 : i32
        %scan3A_516 = arith.constant 0 : i32
        %scan3A_517 = arith.constant 175 : i32
        %scan3A_518 = arith.addi %scan3A_516, %scan3A_517 : i32
        %scan3A_519 = arith.constant 1 : i32
        scf.for %scan3A_521 = %scan3A_516 to %scan3A_518 step %scan3A_519  : i32 {
          %mul3A_522 = arith.constant 16 : i32
          %mul3A_523 = arith.muli %scan3A_521, %mul3A_522 : i32
          %get3A_524 = arith.constant 0 : i32
          %get3A_525 = arith.index_cast %get3A_524 : i32 to index
          %get3A_526 = arith.index_cast %mul3A_523 : i32 to index
          %get3A_527 = tpu.vector_load %arg5[%get3A_525, %get3A_526] {strides = array<i32>} : memref<4x2800xf32, #tpu.memory_space<vmem>>, vector<16xf32>,
          %get3A_528 = arith.constant 1 : i32
          %get3A_529 = arith.index_cast %get3A_528 : i32 to index
          %get3A_530 = arith.index_cast %mul3A_523 : i32 to index
          %get3A_531 = tpu.vector_load %arg5[%get3A_529, %get3A_530] {strides = array<i32>} : memref<4x2800xf32, #tpu.memory_space<vmem>>, vector<16xf32>,
          %get3A_532 = arith.constant 2 : i32
          %get3A_533 = arith.index_cast %get3A_532 : i32 to index
          %get3A_534 = arith.index_cast %mul3A_523 : i32 to index
          %get3A_535 = tpu.vector_load %arg5[%get3A_533, %get3A_534] {strides = array<i32>} : memref<4x2800xf32, #tpu.memory_space<vmem>>, vector<16xf32>,
          %get3A_536 = arith.constant 3 : i32
          %get3A_537 = arith.index_cast %get3A_536 : i32 to index
          %get3A_538 = arith.index_cast %mul3A_523 : i32 to index
          %get3A_539 = tpu.vector_load %arg5[%get3A_537, %get3A_538] {strides = array<i32>} : memref<4x2800xf32, #tpu.memory_space<vmem>>, vector<16xf32>,
          %mul3A_540 = arith.mulf %gather3A_301, %get3A_527 : vector<16xf32>
          %mul3A_541 = arith.mulf %gather3A_306, %get3A_531 : vector<16xf32>
          %add3A_542 = arith.addf %mul3A_540, %mul3A_541 : vector<16xf32>
          %mul3A_543 = arith.mulf %gather3A_311, %get3A_535 : vector<16xf32>
          %add3A_544 = arith.addf %mul3A_543, %gather3A_316 : vector<16xf32>
          %add3A_545 = arith.addf %add3A_542, %add3A_544 : vector<16xf32>
          %bitcast3A_546 = vector.bitcast %add3A_545 : vector<16xf32> to vector<16xi32>
          %add3A_547 = arith.constant 32767 : i32
          %add3A_548 = vector.broadcast %add3A_547 : i32 to vector<16xi32>
          %add3A_549 = arith.addi %bitcast3A_546, %add3A_548 : vector<16xi32>
          %shift_right_arithmetic3A = arith.constant 16 : i32
          %shift_right_arithmetic3A_550 = vector.broadcast %shift_right_arithmetic3A : i32 to vector<16xi32>
          %shift_right_arithmetic3A_551 = arith.shrsi %bitcast3A_546, %shift_right_arithmetic3A_550 : vector<16xi32>
          %and3A_552 = arith.constant 1 : i32
          %and3A_553 = vector.broadcast %and3A_552 : i32 to vector<16xi32>
          %and3A_554 = arith.andi %shift_right_arithmetic3A_551, %and3A_553 : vector<16xi32>
          %add3A_555 = arith.addi %add3A_549, %and3A_554 : vector<16xi32>
          %and3A_556 = arith.constant -65536 : i32
          %and3A_557 = vector.broadcast %and3A_556 : i32 to vector<16xi32>
          %and3A_558 = arith.andi %add3A_555, %and3A_557 : vector<16xi32>
          %bitcast3A_559 = vector.bitcast %and3A_558 : vector<16xi32> to vector<16xf32>
          %mul3A_560 = arith.mulf %gather3A_321, %get3A_527 : vector<16xf32>
          %mul3A_561 = arith.mulf %gather3A_326, %get3A_531 : vector<16xf32>
          %add3A_562 = arith.addf %mul3A_560, %mul3A_561 : vector<16xf32>
          %mul3A_563 = arith.mulf %gather3A_331, %get3A_535 : vector<16xf32>
          %add3A_564 = arith.addf %mul3A_563, %gather3A_336 : vector<16xf32>
          %add3A_565 = arith.addf %add3A_562, %add3A_564 : vector<16xf32>
          %bitcast3A_566 = vector.bitcast %add3A_565 : vector<16xf32> to vector<16xi32>
          %add3A_567 = arith.constant 32767 : i32
          %add3A_568 = vector.broadcast %add3A_567 : i32 to vector<16xi32>
          %add3A_569 = arith.addi %bitcast3A_566, %add3A_568 : vector<16xi32>
          %shift_right_arithmetic3A_570 = arith.constant 16 : i32
          %shift_right_arithmetic3A_571 = vector.broadcast %shift_right_arithmetic3A_570 : i32 to vector<16xi32>
          %shift_right_arithmetic3A_572 = arith.shrsi %bitcast3A_566, %shift_right_arithmetic3A_571 : vector<16xi32>
          %and3A_573 = arith.constant 1 : i32
          %and3A_574 = vector.broadcast %and3A_573 : i32 to vector<16xi32>
          %and3A_575 = arith.andi %shift_right_arithmetic3A_572, %and3A_574 : vector<16xi32>
          %add3A_576 = arith.addi %add3A_569, %and3A_575 : vector<16xi32>
          %and3A_577 = arith.constant -65536 : i32
          %and3A_578 = vector.broadcast %and3A_577 : i32 to vector<16xi32>
          %and3A_579 = arith.andi %add3A_576, %and3A_578 : vector<16xi32>
          %bitcast3A_580 = vector.bitcast %and3A_579 : vector<16xi32> to vector<16xf32>
          %mul3A_581 = arith.mulf %gather3A_341, %get3A_527 : vector<16xf32>
          %mul3A_582 = arith.mulf %gather3A_346, %get3A_531 : vector<16xf32>
          %add3A_583 = arith.addf %mul3A_581, %mul3A_582 : vector<16xf32>
          %mul3A_584 = arith.mulf %gather3A_351, %get3A_535 : vector<16xf32>
          %add3A_585 = arith.addf %mul3A_584, %gather3A_356 : vector<16xf32>
          %add3A_586 = arith.addf %add3A_583, %add3A_585 : vector<16xf32>
          %bitcast3A_587 = vector.bitcast %add3A_586 : vector<16xf32> to vector<16xi32>
          %add3A_588 = arith.constant 32767 : i32
          %add3A_589 = vector.broadcast %add3A_588 : i32 to vector<16xi32>
          %add3A_590 = arith.addi %bitcast3A_587, %add3A_589 : vector<16xi32>
          %shift_right_arithmetic3A_591 = arith.constant 16 : i32
          %shift_right_arithmetic3A_592 = vector.broadcast %shift_right_arithmetic3A_591 : i32 to vector<16xi32>
          %shift_right_arithmetic3A_593 = arith.shrsi %bitcast3A_587, %shift_right_arithmetic3A_592 : vector<16xi32>
          %and3A_594 = arith.constant 1 : i32
          %and3A_595 = vector.broadcast %and3A_594 : i32 to vector<16xi32>
          %and3A_596 = arith.andi %shift_right_arithmetic3A_593, %and3A_595 : vector<16xi32>
          %add3A_597 = arith.addi %add3A_590, %and3A_596 : vector<16xi32>
          %and3A_598 = arith.constant -65536 : i32
          %and3A_599 = vector.broadcast %and3A_598 : i32 to vector<16xi32>
          %and3A_600 = arith.andi %add3A_597, %and3A_599 : vector<16xi32>
          %bitcast3A_601 = vector.bitcast %and3A_600 : vector<16xi32> to vector<16xf32>
          %mul3A_602 = arith.mulf %gather3A_361, %bitcast3A_559 : vector<16xf32>
          %mul3A_603 = arith.mulf %gather3A_366, %bitcast3A_580 : vector<16xf32>
          %add3A_604 = arith.addf %mul3A_602, %mul3A_603 : vector<16xf32>
          %mul3A_605 = arith.mulf %gather3A_371, %bitcast3A_601 : vector<16xf32>
          %add3A_606 = arith.addf %mul3A_605, %gather3A_376 : vector<16xf32>
          %add3A_607 = arith.addf %add3A_604, %add3A_606 : vector<16xf32>
          %mul3A_608 = arith.mulf %gather3A_381, %bitcast3A_559 : vector<16xf32>
          %mul3A_609 = arith.mulf %gather3A_386, %bitcast3A_580 : vector<16xf32>
          %add3A_610 = arith.addf %mul3A_608, %mul3A_609 : vector<16xf32>
          %mul3A_611 = arith.mulf %gather3A_391, %bitcast3A_601 : vector<16xf32>
          %add3A_612 = arith.addf %mul3A_611, %gather3A_396 : vector<16xf32>
          %add3A_613 = arith.addf %add3A_610, %add3A_612 : vector<16xf32>
          %mul3A_614 = arith.mulf %gather3A_401, %bitcast3A_559 : vector<16xf32>
          %mul3A_615 = arith.mulf %gather3A_406, %bitcast3A_580 : vector<16xf32>
          %add3A_616 = arith.addf %mul3A_614, %mul3A_615 : vector<16xf32>
          %mul3A_617 = arith.mulf %gather3A_411, %bitcast3A_601 : vector<16xf32>
          %add3A_618 = arith.addf %mul3A_617, %gather3A_416 : vector<16xf32>
          %add3A_619 = arith.addf %add3A_616, %add3A_618 : vector<16xf32>
          %mul3A_620 = arith.mulf %gather3A_421, %bitcast3A_559 : vector<16xf32>
          %mul3A_621 = arith.mulf %gather3A_426, %bitcast3A_580 : vector<16xf32>
          %add3A_622 = arith.addf %mul3A_620, %mul3A_621 : vector<16xf32>
          %mul3A_623 = arith.mulf %gather3A_431, %bitcast3A_601 : vector<16xf32>
          %add3A_624 = arith.addf %mul3A_623, %gather3A_436 : vector<16xf32>
          %add3A_625 = arith.addf %add3A_622, %add3A_624 : vector<16xf32>
          %max3A_626 = arith.constant 9.99999997E-7 : f32
          %max3A_627 = vector.broadcast %max3A_626 : f32 to vector<16xf32>
          %max3A_628 = arith.maximumf %add3A_619, %max3A_627 : vector<16xf32>
          %div3A_629 = arith.divf %add3A_607, %max3A_628 : vector<16xf32>
          %div3A_630 = arith.divf %add3A_613, %max3A_628 : vector<16xf32>
          %gt3A = arith.constant -5.000000e-01 : f32
          %gt3A_631 = vector.broadcast %gt3A : f32 to vector<16xf32>
          %gt3A_632 = arith.cmpf ogt, %div3A_629, %gt3A_631 : vector<16xf32>
          %lt3A_633 = arith.constant 4.950000e+01 : f32
          %lt3A_634 = vector.broadcast %lt3A_633 : f32 to vector<16xf32>
          %lt3A_635 = arith.cmpf olt, %div3A_629, %lt3A_634 : vector<16xf32>
          %and3A_636 = arith.andi %gt3A_632, %lt3A_635 : vector<16xi1>
          %gt3A_637 = arith.constant -5.000000e-01 : f32
          %gt3A_638 = vector.broadcast %gt3A_637 : f32 to vector<16xf32>
          %gt3A_639 = arith.cmpf ogt, %div3A_630, %gt3A_638 : vector<16xf32>
          %and3A_640 = arith.andi %and3A_636, %gt3A_639 : vector<16xi1>
          %lt3A_641 = arith.constant 2.750000e+01 : f32
          %lt3A_642 = vector.broadcast %lt3A_641 : f32 to vector<16xf32>
          %lt3A_643 = arith.cmpf olt, %div3A_630, %lt3A_642 : vector<16xf32>
          %and3A_644 = arith.andi %and3A_640, %lt3A_643 : vector<16xi1>
          %gt3A_645 = arith.constant 0.000000e+00 : f32
          %gt3A_646 = vector.broadcast %gt3A_645 : f32 to vector<16xf32>
          %gt3A_647 = arith.cmpf ogt, %add3A_625, %gt3A_646 : vector<16xf32>
          %and3A_648 = arith.andi %and3A_644, %gt3A_647 : vector<16xi1>
          %max3A_649 = arith.constant 0.000000e+00 : f32
          %max3A_650 = vector.broadcast %max3A_649 : f32 to vector<16xf32>
          %max3A_651 = arith.maximumf %add3A_619, %max3A_650 : vector<16xf32>
          %min3A = arith.minimumf %max3A_651, %gather3A_441 : vector<16xf32>
          %jit3A_652 = arith.constant 0.000000e+00 : f32
          %broadcast_in_dim3A_653 = vector.broadcast %jit3A_652 : f32 to vector<16xf32>
          %select_n3A_654 = arith.select %and3A_648, %min3A, %broadcast_in_dim3A_653 : vector<16xi1>, vector<16xf32>
          %max3A_655 = arith.constant 0.000000e+00 : f32
          %max3A_656 = vector.broadcast %max3A_655 : f32 to vector<16xf32>
          %max3A_657 = arith.maximumf %get3A_539, %max3A_656 : vector<16xf32>
          %min3A_658 = arith.constant 2.550000e+02 : f32
          %min3A_659 = vector.broadcast %min3A_658 : f32 to vector<16xf32>
          %min3A_660 = arith.minimumf %max3A_657, %min3A_659 : vector<16xf32>
          %jit3A_661 = arith.constant 0.000000e+00 : f32
          %broadcast_in_dim3A_662 = vector.broadcast %jit3A_661 : f32 to vector<16xf32>
          %select_n3A_663 = arith.select %and3A_648, %min3A_660, %broadcast_in_dim3A_662 : vector<16xi1>, vector<16xf32>
          %max3A_664 = arith.constant 0.000000e+00 : f32
          %max3A_665 = vector.broadcast %max3A_664 : f32 to vector<16xf32>
          %max3A_666 = arith.maximumf %div3A_630, %max3A_665 : vector<16xf32>
          %min3A_667 = arith.constant 2.700000e+01 : f32
          %min3A_668 = vector.broadcast %min3A_667 : f32 to vector<16xf32>
          %min3A_669 = arith.minimumf %max3A_666, %min3A_668 : vector<16xf32>
          %convert_element_type3A_670 = arith.fptosi %min3A_669 : vector<16xf32> to vector<16xi32>
          %max3A_671 = arith.constant 0.000000e+00 : f32
          %max3A_672 = vector.broadcast %max3A_671 : f32 to vector<16xf32>
          %max3A_673 = arith.maximumf %div3A_629, %max3A_672 : vector<16xf32>
          %min3A_674 = arith.constant 4.900000e+01 : f32
          %min3A_675 = vector.broadcast %min3A_674 : f32 to vector<16xf32>
          %min3A_676 = arith.minimumf %max3A_673, %min3A_675 : vector<16xf32>
          %convert_element_type3A_677 = arith.fptosi %min3A_676 : vector<16xf32> to vector<16xi32>
          %mul3A_678 = arith.constant 50 : i32
          %mul3A_679 = vector.broadcast %mul3A_678 : i32 to vector<16xi32>
          %mul3A_680 = arith.muli %convert_element_type3A_670, %mul3A_679 : vector<16xi32>
          %add3A_681 = arith.addi %mul3A_680, %convert_element_type3A_677 : vector<16xi32>
          tpu.vector_store_idx %arg8[%add3A_681], %select_n3A_654 : memref<1408xf32, #tpu.memory_space<vmem>>[vector<16xi32>], vector<16xf32>,
          tpu.vector_store_idx %arg9[%add3A_681], %select_n3A_663 : memref<1408xf32, #tpu.memory_space<vmem>>[vector<16xi32>], vector<16xf32>,
        }
        %scan3A_520 = arith.constant 175 : i32
      } else {
      }
      %eq3A_449 = arith.constant 1 : i32
      %eq3A_450 = arith.cmpi eq, %rem3A_443, %eq3A_449 : i32
      %convert_element_type3A_451 = arith.extui %eq3A_450 : i1 to i32
      %cond3A_452 = arith.constant 0 : i32
      %cond3A_453 = arith.cmpi ne, %convert_element_type3A_451, %cond3A_452 : i32
      scf.if %cond3A_453 {
        %mul3A_454 = arith.constant 4 : i32
        %mul3A_455 = arith.muli %select_n3A_192, %mul3A_454 : i32
        %add3A_456 = arith.constant 0 : i32
        %add3A_457 = arith.addi %mul3A_455, %add3A_456 : i32
        %dma_wait3A = arith.constant 0 : i32
        %dma_wait3A_458 = arith.constant 0 : i32
        %dma_wait3A_459 = tpu.memref_slice %arg6[%dma_wait3A, %dma_wait3A_458] : memref<4x2800xf32, #tpu.memory_space<vmem>> -> memref<1x2800xf32, #tpu.memory_space<vmem>>
        %dma_wait3A_460 = tpu.memref_squeeze %dma_wait3A_459 : memref<1x2800xf32, #tpu.memory_space<vmem>> -> memref<2800xf32, #tpu.memory_space<vmem>>
        %dma_wait3A_461 = tpu.memref_slice %arg2[%add3A_457, %mul3A_210] : memref<16x70000xf32, #tpu.memory_space<hbm>> -> memref<1x2800xf32, #tpu.memory_space<hbm>>
        %dma_wait3A_462 = tpu.memref_squeeze %dma_wait3A_461 : memref<1x2800xf32, #tpu.memory_space<hbm>> -> memref<2800xf32, #tpu.memory_space<hbm>>
        %dma_wait3A_463 = arith.constant 0 : i32
        %dma_wait3A_464 = tpu.memref_slice %arg6[%dma_wait3A, %dma_wait3A_463] : memref<4x2800xf32, #tpu.memory_space<vmem>> -> memref<1x2800xf32, #tpu.memory_space<vmem>>
        %dma_wait3A_465 = tpu.memref_squeeze %dma_wait3A_464 : memref<1x2800xf32, #tpu.memory_space<vmem>> -> memref<2800xf32, #tpu.memory_space<vmem>>
        %dma_wait3A_466 = tpu.memref_slice %arg2[%add3A_457, %mul3A_210] : memref<16x70000xf32, #tpu.memory_space<hbm>> -> memref<1x2800xf32, #tpu.memory_space<hbm>>
        %dma_wait3A_467 = tpu.memref_squeeze %dma_wait3A_466 : memref<1x2800xf32, #tpu.memory_space<hbm>> -> memref<2800xf32, #tpu.memory_space<hbm>>
        tpu.wait_dma2 semaphore(%arg11 : memref<!tpu.dma_semaphore, #tpu.memory_space<semaphore_mem>>) src(%dma_wait3A_467 : memref<2800xf32, #tpu.memory_space<hbm>>) dst(%dma_wait3A_465 : memref<2800xf32, #tpu.memory_space<vmem>>)
        %mul3A_468 = arith.constant 4 : i32
        %mul3A_469 = arith.muli %select_n3A_192, %mul3A_468 : i32
        %add3A_470 = arith.constant 1 : i32
        %add3A_471 = arith.addi %mul3A_469, %add3A_470 : i32
        %dma_wait3A_472 = arith.constant 1 : i32
        %dma_wait3A_473 = arith.constant 0 : i32
        %dma_wait3A_474 = tpu.memref_slice %arg6[%dma_wait3A_472, %dma_wait3A_473] : memref<4x2800xf32, #tpu.memory_space<vmem>> -> memref<1x2800xf32, #tpu.memory_space<vmem>>
        %dma_wait3A_475 = tpu.memref_squeeze %dma_wait3A_474 : memref<1x2800xf32, #tpu.memory_space<vmem>> -> memref<2800xf32, #tpu.memory_space<vmem>>
        %dma_wait3A_476 = tpu.memref_slice %arg2[%add3A_471, %mul3A_210] : memref<16x70000xf32, #tpu.memory_space<hbm>> -> memref<1x2800xf32, #tpu.memory_space<hbm>>
        %dma_wait3A_477 = tpu.memref_squeeze %dma_wait3A_476 : memref<1x2800xf32, #tpu.memory_space<hbm>> -> memref<2800xf32, #tpu.memory_space<hbm>>
        %dma_wait3A_478 = arith.constant 0 : i32
        %dma_wait3A_479 = tpu.memref_slice %arg6[%dma_wait3A_472, %dma_wait3A_478] : memref<4x2800xf32, #tpu.memory_space<vmem>> -> memref<1x2800xf32, #tpu.memory_space<vmem>>
        %dma_wait3A_480 = tpu.memref_squeeze %dma_wait3A_479 : memref<1x2800xf32, #tpu.memory_space<vmem>> -> memref<2800xf32, #tpu.memory_space<vmem>>
        %dma_wait3A_481 = tpu.memref_slice %arg2[%add3A_471, %mul3A_210] : memref<16x70000xf32, #tpu.memory_space<hbm>> -> memref<1x2800xf32, #tpu.memory_space<hbm>>
        %dma_wait3A_482 = tpu.memref_squeeze %dma_wait3A_481 : memref<1x2800xf32, #tpu.memory_space<hbm>> -> memref<2800xf32, #tpu.memory_space<hbm>>
        tpu.wait_dma2 semaphore(%arg11 : memref<!tpu.dma_semaphore, #tpu.memory_space<semaphore_mem>>) src(%dma_wait3A_482 : memref<2800xf32, #tpu.memory_space<hbm>>) dst(%dma_wait3A_480 : memref<2800xf32, #tpu.memory_space<vmem>>)
        %mul3A_483 = arith.constant 4 : i32
        %mul3A_484 = arith.muli %select_n3A_192, %mul3A_483 : i32
        %add3A_485 = arith.constant 2 : i32
        %add3A_486 = arith.addi %mul3A_484, %add3A_485 : i32
        %dma_wait3A_487 = arith.constant 2 : i32
        %dma_wait3A_488 = arith.constant 0 : i32
        %dma_wait3A_489 = tpu.memref_slice %arg6[%dma_wait3A_487, %dma_wait3A_488] : memref<4x2800xf32, #tpu.memory_space<vmem>> -> memref<1x2800xf32, #tpu.memory_space<vmem>>
        %dma_wait3A_490 = tpu.memref_squeeze %dma_wait3A_489 : memref<1x2800xf32, #tpu.memory_space<vmem>> -> memref<2800xf32, #tpu.memory_space<vmem>>
        %dma_wait3A_491 = tpu.memref_slice %arg2[%add3A_486, %mul3A_210] : memref<16x70000xf32, #tpu.memory_space<hbm>> -> memref<1x2800xf32, #tpu.memory_space<hbm>>
        %dma_wait3A_492 = tpu.memref_squeeze %dma_wait3A_491 : memref<1x2800xf32, #tpu.memory_space<hbm>> -> memref<2800xf32, #tpu.memory_space<hbm>>
        %dma_wait3A_493 = arith.constant 0 : i32
        %dma_wait3A_494 = tpu.memref_slice %arg6[%dma_wait3A_487, %dma_wait3A_493] : memref<4x2800xf32, #tpu.memory_space<vmem>> -> memref<1x2800xf32, #tpu.memory_space<vmem>>
        %dma_wait3A_495 = tpu.memref_squeeze %dma_wait3A_494 : memref<1x2800xf32, #tpu.memory_space<vmem>> -> memref<2800xf32, #tpu.memory_space<vmem>>
        %dma_wait3A_496 = tpu.memref_slice %arg2[%add3A_486, %mul3A_210] : memref<16x70000xf32, #tpu.memory_space<hbm>> -> memref<1x2800xf32, #tpu.memory_space<hbm>>
        %dma_wait3A_497 = tpu.memref_squeeze %dma_wait3A_496 : memref<1x2800xf32, #tpu.memory_space<hbm>> -> memref<2800xf32, #tpu.memory_space<hbm>>
        tpu.wait_dma2 semaphore(%arg11 : memref<!tpu.dma_semaphore, #tpu.memory_space<semaphore_mem>>) src(%dma_wait3A_497 : memref<2800xf32, #tpu.memory_space<hbm>>) dst(%dma_wait3A_495 : memref<2800xf32, #tpu.memory_space<vmem>>)
        %mul3A_498 = arith.constant 4 : i32
        %mul3A_499 = arith.muli %select_n3A_192, %mul3A_498 : i32
        %add3A_500 = arith.constant 3 : i32
        %add3A_501 = arith.addi %mul3A_499, %add3A_500 : i32
        %dma_wait3A_502 = arith.constant 3 : i32
        %dma_wait3A_503 = arith.constant 0 : i32
        %dma_wait3A_504 = tpu.memref_slice %arg6[%dma_wait3A_502, %dma_wait3A_503] : memref<4x2800xf32, #tpu.memory_space<vmem>> -> memref<1x2800xf32, #tpu.memory_space<vmem>>
        %dma_wait3A_505 = tpu.memref_squeeze %dma_wait3A_504 : memref<1x2800xf32, #tpu.memory_space<vmem>> -> memref<2800xf32, #tpu.memory_space<vmem>>
        %dma_wait3A_506 = tpu.memref_slice %arg2[%add3A_501, %mul3A_210] : memref<16x70000xf32, #tpu.memory_space<hbm>> -> memref<1x2800xf32, #tpu.memory_space<hbm>>
        %dma_wait3A_507 = tpu.memref_squeeze %dma_wait3A_506 : memref<1x2800xf32, #tpu.memory_space<hbm>> -> memref<2800xf32, #tpu.memory_space<hbm>>
        %dma_wait3A_508 = arith.constant 0 : i32
        %dma_wait3A_509 = tpu.memref_slice %arg6[%dma_wait3A_502, %dma_wait3A_508] : memref<4x2800xf32, #tpu.memory_space<vmem>> -> memref<1x2800xf32, #tpu.memory_space<vmem>>
        %dma_wait3A_510 = tpu.memref_squeeze %dma_wait3A_509 : memref<1x2800xf32, #tpu.memory_space<vmem>> -> memref<2800xf32, #tpu.memory_space<vmem>>
        %dma_wait3A_511 = tpu.memref_slice %arg2[%add3A_501, %mul3A_210] : memref<16x70000xf32, #tpu.memory_space<hbm>> -> memref<1x2800xf32, #tpu.memory_space<hbm>>
        %dma_wait3A_512 = tpu.memref_squeeze %dma_wait3A_511 : memref<1x2800xf32, #tpu.memory_space<hbm>> -> memref<2800xf32, #tpu.memory_space<hbm>>
        tpu.wait_dma2 semaphore(%arg11 : memref<!tpu.dma_semaphore, #tpu.memory_space<semaphore_mem>>) src(%dma_wait3A_512 : memref<2800xf32, #tpu.memory_space<hbm>>) dst(%dma_wait3A_510 : memref<2800xf32, #tpu.memory_space<vmem>>)
        %convert_element_type3A_513 = arith.extui %lt3A_220 : i1 to i32
        %cond3A_514 = arith.constant 0 : i32
        %cond3A_515 = arith.cmpi ne, %convert_element_type3A_513, %cond3A_514 : i32
        scf.if %cond3A_515 {
          %mul3A_521 = arith.constant 4 : i32
          %mul3A_522 = arith.muli %select_n3A_271, %mul3A_521 : i32
          %add3A_523 = arith.constant 0 : i32
          %add3A_524 = arith.addi %mul3A_522, %add3A_523 : i32
          %dma_start3A_525 = arith.constant 0 : i32
          %dma_start3A_526 = arith.constant 0 : i32
          %dma_start3A_527 = tpu.memref_slice %arg5[%dma_start3A_525, %dma_start3A_526] : memref<4x2800xf32, #tpu.memory_space<vmem>> -> memref<1x2800xf32, #tpu.memory_space<vmem>>
          %dma_start3A_528 = tpu.memref_squeeze %dma_start3A_527 : memref<1x2800xf32, #tpu.memory_space<vmem>> -> memref<2800xf32, #tpu.memory_space<vmem>>
          %dma_start3A_529 = tpu.memref_slice %arg2[%add3A_524, %select_n3A_291] : memref<16x70000xf32, #tpu.memory_space<hbm>> -> memref<1x2800xf32, #tpu.memory_space<hbm>>
          %dma_start3A_530 = tpu.memref_squeeze %dma_start3A_529 : memref<1x2800xf32, #tpu.memory_space<hbm>> -> memref<2800xf32, #tpu.memory_space<hbm>>
          %dma_start3A_531 = arith.constant 0 : i32
          %dma_start3A_532 = tpu.memref_slice %arg5[%dma_start3A_525, %dma_start3A_531] : memref<4x2800xf32, #tpu.memory_space<vmem>> -> memref<1x2800xf32, #tpu.memory_space<vmem>>
          %dma_start3A_533 = tpu.memref_squeeze %dma_start3A_532 : memref<1x2800xf32, #tpu.memory_space<vmem>> -> memref<2800xf32, #tpu.memory_space<vmem>>
          %dma_start3A_534 = tpu.memref_slice %arg2[%add3A_524, %select_n3A_291] : memref<16x70000xf32, #tpu.memory_space<hbm>> -> memref<1x2800xf32, #tpu.memory_space<hbm>>
          %dma_start3A_535 = tpu.memref_squeeze %dma_start3A_534 : memref<1x2800xf32, #tpu.memory_space<hbm>> -> memref<2800xf32, #tpu.memory_space<hbm>>
          tpu.enqueue_dma source(%dma_start3A_535 : memref<2800xf32, #tpu.memory_space<hbm>>) target(%dma_start3A_533 : memref<2800xf32, #tpu.memory_space<vmem>>) target_semaphore(%arg10 : memref<!tpu.dma_semaphore, #tpu.memory_space<semaphore_mem>>)
          %mul3A_536 = arith.constant 4 : i32
          %mul3A_537 = arith.muli %select_n3A_271, %mul3A_536 : i32
          %add3A_538 = arith.constant 1 : i32
          %add3A_539 = arith.addi %mul3A_537, %add3A_538 : i32
          %dma_start3A_540 = arith.constant 1 : i32
          %dma_start3A_541 = arith.constant 0 : i32
          %dma_start3A_542 = tpu.memref_slice %arg5[%dma_start3A_540, %dma_start3A_541] : memref<4x2800xf32, #tpu.memory_space<vmem>> -> memref<1x2800xf32, #tpu.memory_space<vmem>>
          %dma_start3A_543 = tpu.memref_squeeze %dma_start3A_542 : memref<1x2800xf32, #tpu.memory_space<vmem>> -> memref<2800xf32, #tpu.memory_space<vmem>>
          %dma_start3A_544 = tpu.memref_slice %arg2[%add3A_539, %select_n3A_291] : memref<16x70000xf32, #tpu.memory_space<hbm>> -> memref<1x2800xf32, #tpu.memory_space<hbm>>
          %dma_start3A_545 = tpu.memref_squeeze %dma_start3A_544 : memref<1x2800xf32, #tpu.memory_space<hbm>> -> memref<2800xf32, #tpu.memory_space<hbm>>
          %dma_start3A_546 = arith.constant 0 : i32
          %dma_start3A_547 = tpu.memref_slice %arg5[%dma_start3A_540, %dma_start3A_546] : memref<4x2800xf32, #tpu.memory_space<vmem>> -> memref<1x2800xf32, #tpu.memory_space<vmem>>
          %dma_start3A_548 = tpu.memref_squeeze %dma_start3A_547 : memref<1x2800xf32, #tpu.memory_space<vmem>> -> memref<2800xf32, #tpu.memory_space<vmem>>
          %dma_start3A_549 = tpu.memref_slice %arg2[%add3A_539, %select_n3A_291] : memref<16x70000xf32, #tpu.memory_space<hbm>> -> memref<1x2800xf32, #tpu.memory_space<hbm>>
          %dma_start3A_550 = tpu.memref_squeeze %dma_start3A_549 : memref<1x2800xf32, #tpu.memory_space<hbm>> -> memref<2800xf32, #tpu.memory_space<hbm>>
          tpu.enqueue_dma source(%dma_start3A_550 : memref<2800xf32, #tpu.memory_space<hbm>>) target(%dma_start3A_548 : memref<2800xf32, #tpu.memory_space<vmem>>) target_semaphore(%arg10 : memref<!tpu.dma_semaphore, #tpu.memory_space<semaphore_mem>>)
          %mul3A_551 = arith.constant 4 : i32
          %mul3A_552 = arith.muli %select_n3A_271, %mul3A_551 : i32
          %add3A_553 = arith.constant 2 : i32
          %add3A_554 = arith.addi %mul3A_552, %add3A_553 : i32
          %dma_start3A_555 = arith.constant 2 : i32
          %dma_start3A_556 = arith.constant 0 : i32
          %dma_start3A_557 = tpu.memref_slice %arg5[%dma_start3A_555, %dma_start3A_556] : memref<4x2800xf32, #tpu.memory_space<vmem>> -> memref<1x2800xf32, #tpu.memory_space<vmem>>
          %dma_start3A_558 = tpu.memref_squeeze %dma_start3A_557 : memref<1x2800xf32, #tpu.memory_space<vmem>> -> memref<2800xf32, #tpu.memory_space<vmem>>
          %dma_start3A_559 = tpu.memref_slice %arg2[%add3A_554, %select_n3A_291] : memref<16x70000xf32, #tpu.memory_space<hbm>> -> memref<1x2800xf32, #tpu.memory_space<hbm>>
          %dma_start3A_560 = tpu.memref_squeeze %dma_start3A_559 : memref<1x2800xf32, #tpu.memory_space<hbm>> -> memref<2800xf32, #tpu.memory_space<hbm>>
          %dma_start3A_561 = arith.constant 0 : i32
          %dma_start3A_562 = tpu.memref_slice %arg5[%dma_start3A_555, %dma_start3A_561] : memref<4x2800xf32, #tpu.memory_space<vmem>> -> memref<1x2800xf32, #tpu.memory_space<vmem>>
          %dma_start3A_563 = tpu.memref_squeeze %dma_start3A_562 : memref<1x2800xf32, #tpu.memory_space<vmem>> -> memref<2800xf32, #tpu.memory_space<vmem>>
          %dma_start3A_564 = tpu.memref_slice %arg2[%add3A_554, %select_n3A_291] : memref<16x70000xf32, #tpu.memory_space<hbm>> -> memref<1x2800xf32, #tpu.memory_space<hbm>>
          %dma_start3A_565 = tpu.memref_squeeze %dma_start3A_564 : memref<1x2800xf32, #tpu.memory_space<hbm>> -> memref<2800xf32, #tpu.memory_space<hbm>>
          tpu.enqueue_dma source(%dma_start3A_565 : memref<2800xf32, #tpu.memory_space<hbm>>) target(%dma_start3A_563 : memref<2800xf32, #tpu.memory_space<vmem>>) target_semaphore(%arg10 : memref<!tpu.dma_semaphore, #tpu.memory_space<semaphore_mem>>)
          %mul3A_566 = arith.constant 4 : i32
          %mul3A_567 = arith.muli %select_n3A_271, %mul3A_566 : i32
          %add3A_568 = arith.constant 3 : i32
          %add3A_569 = arith.addi %mul3A_567, %add3A_568 : i32
          %dma_start3A_570 = arith.constant 3 : i32
          %dma_start3A_571 = arith.constant 0 : i32
          %dma_start3A_572 = tpu.memref_slice %arg5[%dma_start3A_570, %dma_start3A_571] : memref<4x2800xf32, #tpu.memory_space<vmem>> -> memref<1x2800xf32, #tpu.memory_space<vmem>>
          %dma_start3A_573 = tpu.memref_squeeze %dma_start3A_572 : memref<1x2800xf32, #tpu.memory_space<vmem>> -> memref<2800xf32, #tpu.memory_space<vmem>>
          %dma_start3A_574 = tpu.memref_slice %arg2[%add3A_569, %select_n3A_291] : memref<16x70000xf32, #tpu.memory_space<hbm>> -> memref<1x2800xf32, #tpu.memory_space<hbm>>
          %dma_start3A_575 = tpu.memref_squeeze %dma_start3A_574 : memref<1x2800xf32, #tpu.memory_space<hbm>> -> memref<2800xf32, #tpu.memory_space<hbm>>
          %dma_start3A_576 = arith.constant 0 : i32
          %dma_start3A_577 = tpu.memref_slice %arg5[%dma_start3A_570, %dma_start3A_576] : memref<4x2800xf32, #tpu.memory_space<vmem>> -> memref<1x2800xf32, #tpu.memory_space<vmem>>
          %dma_start3A_578 = tpu.memref_squeeze %dma_start3A_577 : memref<1x2800xf32, #tpu.memory_space<vmem>> -> memref<2800xf32, #tpu.memory_space<vmem>>
          %dma_start3A_579 = tpu.memref_slice %arg2[%add3A_569, %select_n3A_291] : memref<16x70000xf32, #tpu.memory_space<hbm>> -> memref<1x2800xf32, #tpu.memory_space<hbm>>
          %dma_start3A_580 = tpu.memref_squeeze %dma_start3A_579 : memref<1x2800xf32, #tpu.memory_space<hbm>> -> memref<2800xf32, #tpu.memory_space<hbm>>
          tpu.enqueue_dma source(%dma_start3A_580 : memref<2800xf32, #tpu.memory_space<hbm>>) target(%dma_start3A_578 : memref<2800xf32, #tpu.memory_space<vmem>>) target_semaphore(%arg10 : memref<!tpu.dma_semaphore, #tpu.memory_space<semaphore_mem>>)
        } else {
        }
        %scan3A = arith.constant 0 : i32
        %scan3A_516 = arith.constant 0 : i32
        %scan3A_517 = arith.constant 175 : i32
        %scan3A_518 = arith.addi %scan3A_516, %scan3A_517 : i32
        %scan3A_519 = arith.constant 1 : i32
        scf.for %scan3A_521 = %scan3A_516 to %scan3A_518 step %scan3A_519  : i32 {
          %mul3A_522 = arith.constant 16 : i32
          %mul3A_523 = arith.muli %scan3A_521, %mul3A_522 : i32
          %get3A_524 = arith.constant 0 : i32
          %get3A_525 = arith.index_cast %get3A_524 : i32 to index
          %get3A_526 = arith.index_cast %mul3A_523 : i32 to index
          %get3A_527 = tpu.vector_load %arg6[%get3A_525, %get3A_526] {strides = array<i32>} : memref<4x2800xf32, #tpu.memory_space<vmem>>, vector<16xf32>,
          %get3A_528 = arith.constant 1 : i32
          %get3A_529 = arith.index_cast %get3A_528 : i32 to index
          %get3A_530 = arith.index_cast %mul3A_523 : i32 to index
          %get3A_531 = tpu.vector_load %arg6[%get3A_529, %get3A_530] {strides = array<i32>} : memref<4x2800xf32, #tpu.memory_space<vmem>>, vector<16xf32>,
          %get3A_532 = arith.constant 2 : i32
          %get3A_533 = arith.index_cast %get3A_532 : i32 to index
          %get3A_534 = arith.index_cast %mul3A_523 : i32 to index
          %get3A_535 = tpu.vector_load %arg6[%get3A_533, %get3A_534] {strides = array<i32>} : memref<4x2800xf32, #tpu.memory_space<vmem>>, vector<16xf32>,
          %get3A_536 = arith.constant 3 : i32
          %get3A_537 = arith.index_cast %get3A_536 : i32 to index
          %get3A_538 = arith.index_cast %mul3A_523 : i32 to index
          %get3A_539 = tpu.vector_load %arg6[%get3A_537, %get3A_538] {strides = array<i32>} : memref<4x2800xf32, #tpu.memory_space<vmem>>, vector<16xf32>,
          %mul3A_540 = arith.mulf %gather3A_301, %get3A_527 : vector<16xf32>
          %mul3A_541 = arith.mulf %gather3A_306, %get3A_531 : vector<16xf32>
          %add3A_542 = arith.addf %mul3A_540, %mul3A_541 : vector<16xf32>
          %mul3A_543 = arith.mulf %gather3A_311, %get3A_535 : vector<16xf32>
          %add3A_544 = arith.addf %mul3A_543, %gather3A_316 : vector<16xf32>
          %add3A_545 = arith.addf %add3A_542, %add3A_544 : vector<16xf32>
          %bitcast3A_546 = vector.bitcast %add3A_545 : vector<16xf32> to vector<16xi32>
          %add3A_547 = arith.constant 32767 : i32
          %add3A_548 = vector.broadcast %add3A_547 : i32 to vector<16xi32>
          %add3A_549 = arith.addi %bitcast3A_546, %add3A_548 : vector<16xi32>
          %shift_right_arithmetic3A = arith.constant 16 : i32
          %shift_right_arithmetic3A_550 = vector.broadcast %shift_right_arithmetic3A : i32 to vector<16xi32>
          %shift_right_arithmetic3A_551 = arith.shrsi %bitcast3A_546, %shift_right_arithmetic3A_550 : vector<16xi32>
          %and3A_552 = arith.constant 1 : i32
          %and3A_553 = vector.broadcast %and3A_552 : i32 to vector<16xi32>
          %and3A_554 = arith.andi %shift_right_arithmetic3A_551, %and3A_553 : vector<16xi32>
          %add3A_555 = arith.addi %add3A_549, %and3A_554 : vector<16xi32>
          %and3A_556 = arith.constant -65536 : i32
          %and3A_557 = vector.broadcast %and3A_556 : i32 to vector<16xi32>
          %and3A_558 = arith.andi %add3A_555, %and3A_557 : vector<16xi32>
          %bitcast3A_559 = vector.bitcast %and3A_558 : vector<16xi32> to vector<16xf32>
          %mul3A_560 = arith.mulf %gather3A_321, %get3A_527 : vector<16xf32>
          %mul3A_561 = arith.mulf %gather3A_326, %get3A_531 : vector<16xf32>
          %add3A_562 = arith.addf %mul3A_560, %mul3A_561 : vector<16xf32>
          %mul3A_563 = arith.mulf %gather3A_331, %get3A_535 : vector<16xf32>
          %add3A_564 = arith.addf %mul3A_563, %gather3A_336 : vector<16xf32>
          %add3A_565 = arith.addf %add3A_562, %add3A_564 : vector<16xf32>
          %bitcast3A_566 = vector.bitcast %add3A_565 : vector<16xf32> to vector<16xi32>
          %add3A_567 = arith.constant 32767 : i32
          %add3A_568 = vector.broadcast %add3A_567 : i32 to vector<16xi32>
          %add3A_569 = arith.addi %bitcast3A_566, %add3A_568 : vector<16xi32>
          %shift_right_arithmetic3A_570 = arith.constant 16 : i32
          %shift_right_arithmetic3A_571 = vector.broadcast %shift_right_arithmetic3A_570 : i32 to vector<16xi32>
          %shift_right_arithmetic3A_572 = arith.shrsi %bitcast3A_566, %shift_right_arithmetic3A_571 : vector<16xi32>
          %and3A_573 = arith.constant 1 : i32
          %and3A_574 = vector.broadcast %and3A_573 : i32 to vector<16xi32>
          %and3A_575 = arith.andi %shift_right_arithmetic3A_572, %and3A_574 : vector<16xi32>
          %add3A_576 = arith.addi %add3A_569, %and3A_575 : vector<16xi32>
          %and3A_577 = arith.constant -65536 : i32
          %and3A_578 = vector.broadcast %and3A_577 : i32 to vector<16xi32>
          %and3A_579 = arith.andi %add3A_576, %and3A_578 : vector<16xi32>
          %bitcast3A_580 = vector.bitcast %and3A_579 : vector<16xi32> to vector<16xf32>
          %mul3A_581 = arith.mulf %gather3A_341, %get3A_527 : vector<16xf32>
          %mul3A_582 = arith.mulf %gather3A_346, %get3A_531 : vector<16xf32>
          %add3A_583 = arith.addf %mul3A_581, %mul3A_582 : vector<16xf32>
          %mul3A_584 = arith.mulf %gather3A_351, %get3A_535 : vector<16xf32>
          %add3A_585 = arith.addf %mul3A_584, %gather3A_356 : vector<16xf32>
          %add3A_586 = arith.addf %add3A_583, %add3A_585 : vector<16xf32>
          %bitcast3A_587 = vector.bitcast %add3A_586 : vector<16xf32> to vector<16xi32>
          %add3A_588 = arith.constant 32767 : i32
          %add3A_589 = vector.broadcast %add3A_588 : i32 to vector<16xi32>
          %add3A_590 = arith.addi %bitcast3A_587, %add3A_589 : vector<16xi32>
          %shift_right_arithmetic3A_591 = arith.constant 16 : i32
          %shift_right_arithmetic3A_592 = vector.broadcast %shift_right_arithmetic3A_591 : i32 to vector<16xi32>
          %shift_right_arithmetic3A_593 = arith.shrsi %bitcast3A_587, %shift_right_arithmetic3A_592 : vector<16xi32>
          %and3A_594 = arith.constant 1 : i32
          %and3A_595 = vector.broadcast %and3A_594 : i32 to vector<16xi32>
          %and3A_596 = arith.andi %shift_right_arithmetic3A_593, %and3A_595 : vector<16xi32>
          %add3A_597 = arith.addi %add3A_590, %and3A_596 : vector<16xi32>
          %and3A_598 = arith.constant -65536 : i32
          %and3A_599 = vector.broadcast %and3A_598 : i32 to vector<16xi32>
          %and3A_600 = arith.andi %add3A_597, %and3A_599 : vector<16xi32>
          %bitcast3A_601 = vector.bitcast %and3A_600 : vector<16xi32> to vector<16xf32>
          %mul3A_602 = arith.mulf %gather3A_361, %bitcast3A_559 : vector<16xf32>
          %mul3A_603 = arith.mulf %gather3A_366, %bitcast3A_580 : vector<16xf32>
          %add3A_604 = arith.addf %mul3A_602, %mul3A_603 : vector<16xf32>
          %mul3A_605 = arith.mulf %gather3A_371, %bitcast3A_601 : vector<16xf32>
          %add3A_606 = arith.addf %mul3A_605, %gather3A_376 : vector<16xf32>
          %add3A_607 = arith.addf %add3A_604, %add3A_606 : vector<16xf32>
          %mul3A_608 = arith.mulf %gather3A_381, %bitcast3A_559 : vector<16xf32>
          %mul3A_609 = arith.mulf %gather3A_386, %bitcast3A_580 : vector<16xf32>
          %add3A_610 = arith.addf %mul3A_608, %mul3A_609 : vector<16xf32>
          %mul3A_611 = arith.mulf %gather3A_391, %bitcast3A_601 : vector<16xf32>
          %add3A_612 = arith.addf %mul3A_611, %gather3A_396 : vector<16xf32>
          %add3A_613 = arith.addf %add3A_610, %add3A_612 : vector<16xf32>
          %mul3A_614 = arith.mulf %gather3A_401, %bitcast3A_559 : vector<16xf32>
          %mul3A_615 = arith.mulf %gather3A_406, %bitcast3A_580 : vector<16xf32>
          %add3A_616 = arith.addf %mul3A_614, %mul3A_615 : vector<16xf32>
          %mul3A_617 = arith.mulf %gather3A_411, %bitcast3A_601 : vector<16xf32>
          %add3A_618 = arith.addf %mul3A_617, %gather3A_416 : vector<16xf32>
          %add3A_619 = arith.addf %add3A_616, %add3A_618 : vector<16xf32>
          %mul3A_620 = arith.mulf %gather3A_421, %bitcast3A_559 : vector<16xf32>
          %mul3A_621 = arith.mulf %gather3A_426, %bitcast3A_580 : vector<16xf32>
          %add3A_622 = arith.addf %mul3A_620, %mul3A_621 : vector<16xf32>
          %mul3A_623 = arith.mulf %gather3A_431, %bitcast3A_601 : vector<16xf32>
          %add3A_624 = arith.addf %mul3A_623, %gather3A_436 : vector<16xf32>
          %add3A_625 = arith.addf %add3A_622, %add3A_624 : vector<16xf32>
          %max3A_626 = arith.constant 9.99999997E-7 : f32
          %max3A_627 = vector.broadcast %max3A_626 : f32 to vector<16xf32>
          %max3A_628 = arith.maximumf %add3A_619, %max3A_627 : vector<16xf32>
          %div3A_629 = arith.divf %add3A_607, %max3A_628 : vector<16xf32>
          %div3A_630 = arith.divf %add3A_613, %max3A_628 : vector<16xf32>
          %gt3A = arith.constant -5.000000e-01 : f32
          %gt3A_631 = vector.broadcast %gt3A : f32 to vector<16xf32>
          %gt3A_632 = arith.cmpf ogt, %div3A_629, %gt3A_631 : vector<16xf32>
          %lt3A_633 = arith.constant 4.950000e+01 : f32
          %lt3A_634 = vector.broadcast %lt3A_633 : f32 to vector<16xf32>
          %lt3A_635 = arith.cmpf olt, %div3A_629, %lt3A_634 : vector<16xf32>
          %and3A_636 = arith.andi %gt3A_632, %lt3A_635 : vector<16xi1>
          %gt3A_637 = arith.constant -5.000000e-01 : f32
          %gt3A_638 = vector.broadcast %gt3A_637 : f32 to vector<16xf32>
          %gt3A_639 = arith.cmpf ogt, %div3A_630, %gt3A_638 : vector<16xf32>
          %and3A_640 = arith.andi %and3A_636, %gt3A_639 : vector<16xi1>
          %lt3A_641 = arith.constant 2.750000e+01 : f32
          %lt3A_642 = vector.broadcast %lt3A_641 : f32 to vector<16xf32>
          %lt3A_643 = arith.cmpf olt, %div3A_630, %lt3A_642 : vector<16xf32>
          %and3A_644 = arith.andi %and3A_640, %lt3A_643 : vector<16xi1>
          %gt3A_645 = arith.constant 0.000000e+00 : f32
          %gt3A_646 = vector.broadcast %gt3A_645 : f32 to vector<16xf32>
          %gt3A_647 = arith.cmpf ogt, %add3A_625, %gt3A_646 : vector<16xf32>
          %and3A_648 = arith.andi %and3A_644, %gt3A_647 : vector<16xi1>
          %max3A_649 = arith.constant 0.000000e+00 : f32
          %max3A_650 = vector.broadcast %max3A_649 : f32 to vector<16xf32>
          %max3A_651 = arith.maximumf %add3A_619, %max3A_650 : vector<16xf32>
          %min3A = arith.minimumf %max3A_651, %gather3A_441 : vector<16xf32>
          %jit3A_652 = arith.constant 0.000000e+00 : f32
          %broadcast_in_dim3A_653 = vector.broadcast %jit3A_652 : f32 to vector<16xf32>
          %select_n3A_654 = arith.select %and3A_648, %min3A, %broadcast_in_dim3A_653 : vector<16xi1>, vector<16xf32>
          %max3A_655 = arith.constant 0.000000e+00 : f32
          %max3A_656 = vector.broadcast %max3A_655 : f32 to vector<16xf32>
          %max3A_657 = arith.maximumf %get3A_539, %max3A_656 : vector<16xf32>
          %min3A_658 = arith.constant 2.550000e+02 : f32
          %min3A_659 = vector.broadcast %min3A_658 : f32 to vector<16xf32>
          %min3A_660 = arith.minimumf %max3A_657, %min3A_659 : vector<16xf32>
          %jit3A_661 = arith.constant 0.000000e+00 : f32
          %broadcast_in_dim3A_662 = vector.broadcast %jit3A_661 : f32 to vector<16xf32>
          %select_n3A_663 = arith.select %and3A_648, %min3A_660, %broadcast_in_dim3A_662 : vector<16xi1>, vector<16xf32>
          %max3A_664 = arith.constant 0.000000e+00 : f32
          %max3A_665 = vector.broadcast %max3A_664 : f32 to vector<16xf32>
          %max3A_666 = arith.maximumf %div3A_630, %max3A_665 : vector<16xf32>
          %min3A_667 = arith.constant 2.700000e+01 : f32
          %min3A_668 = vector.broadcast %min3A_667 : f32 to vector<16xf32>
          %min3A_669 = arith.minimumf %max3A_666, %min3A_668 : vector<16xf32>
          %convert_element_type3A_670 = arith.fptosi %min3A_669 : vector<16xf32> to vector<16xi32>
          %max3A_671 = arith.constant 0.000000e+00 : f32
          %max3A_672 = vector.broadcast %max3A_671 : f32 to vector<16xf32>
          %max3A_673 = arith.maximumf %div3A_629, %max3A_672 : vector<16xf32>
          %min3A_674 = arith.constant 4.900000e+01 : f32
          %min3A_675 = vector.broadcast %min3A_674 : f32 to vector<16xf32>
          %min3A_676 = arith.minimumf %max3A_673, %min3A_675 : vector<16xf32>
          %convert_element_type3A_677 = arith.fptosi %min3A_676 : vector<16xf32> to vector<16xi32>
          %mul3A_678 = arith.constant 50 : i32
          %mul3A_679 = vector.broadcast %mul3A_678 : i32 to vector<16xi32>
          %mul3A_680 = arith.muli %convert_element_type3A_670, %mul3A_679 : vector<16xi32>
          %add3A_681 = arith.addi %mul3A_680, %convert_element_type3A_677 : vector<16xi32>
          tpu.vector_store_idx %arg8[%add3A_681], %select_n3A_654 : memref<1408xf32, #tpu.memory_space<vmem>>[vector<16xi32>], vector<16xf32>,
          tpu.vector_store_idx %arg9[%add3A_681], %select_n3A_663 : memref<1408xf32, #tpu.memory_space<vmem>>[vector<16xi32>], vector<16xf32>,
        }
        %scan3A_520 = arith.constant 175 : i32
      } else {
      }
      scf.yield %select_n3A_168, %select_n3A_217 : i32, i32
    }
    %run_scoped3A = arith.constant 0 : i32
    "tpu.region"() ({
      %run_scoped3A_141 = tpu.sem_alloc : memref<!tpu.dma_semaphore, #tpu.memory_space<semaphore_mem>>
      %dma_start3A_142 = arith.constant 0 : i32
      %dma_start3A_143 = tpu.memref_slice %arg4[%add3A, %while3A_139#1, %run_scoped3A, %dma_start3A_142] : memref<32x2x2x1408xf32, #tpu.memory_space<hbm>> -> memref<1x1x1x1408xf32, #tpu.memory_space<hbm>>
      %dma_start3A_144 = tpu.memref_squeeze %dma_start3A_143 : memref<1x1x1x1408xf32, #tpu.memory_space<hbm>> -> memref<1408xf32, #tpu.memory_space<hbm>>
      %dma_start3A_145 = arith.constant 0 : i32
      %dma_start3A_146 = tpu.memref_slice %arg4[%add3A, %while3A_139#1, %run_scoped3A, %dma_start3A_145] : memref<32x2x2x1408xf32, #tpu.memory_space<hbm>> -> memref<1x1x1x1408xf32, #tpu.memory_space<hbm>>
      %dma_start3A_147 = tpu.memref_squeeze %dma_start3A_146 : memref<1x1x1x1408xf32, #tpu.memory_space<hbm>> -> memref<1408xf32, #tpu.memory_space<hbm>>
      tpu.enqueue_dma source(%arg8 : memref<1408xf32, #tpu.memory_space<vmem>>) target(%dma_start3A_147 : memref<1408xf32, #tpu.memory_space<hbm>>) target_semaphore(%run_scoped3A_141 : memref<!tpu.dma_semaphore, #tpu.memory_space<semaphore_mem>>)
      %dma_wait3A = arith.constant 0 : i32
      %dma_wait3A_148 = tpu.memref_slice %arg4[%add3A, %while3A_139#1, %run_scoped3A, %dma_wait3A] : memref<32x2x2x1408xf32, #tpu.memory_space<hbm>> -> memref<1x1x1x1408xf32, #tpu.memory_space<hbm>>
      %dma_wait3A_149 = tpu.memref_squeeze %dma_wait3A_148 : memref<1x1x1x1408xf32, #tpu.memory_space<hbm>> -> memref<1408xf32, #tpu.memory_space<hbm>>
      %dma_wait3A_150 = arith.constant 0 : i32
      %dma_wait3A_151 = tpu.memref_slice %arg4[%add3A, %while3A_139#1, %run_scoped3A, %dma_wait3A_150] : memref<32x2x2x1408xf32, #tpu.memory_space<hbm>> -> memref<1x1x1x1408xf32, #tpu.memory_space<hbm>>
      %dma_wait3A_152 = tpu.memref_squeeze %dma_wait3A_151 : memref<1x1x1x1408xf32, #tpu.memory_space<hbm>> -> memref<1408xf32, #tpu.memory_space<hbm>>
      tpu.wait_dma2 semaphore(%run_scoped3A_141 : memref<!tpu.dma_semaphore, #tpu.memory_space<semaphore_mem>>) src(%arg8 : memref<1408xf32, #tpu.memory_space<vmem>>) dst(%dma_wait3A_152 : memref<1408xf32, #tpu.memory_space<hbm>>)
      tpu.yield
    }) : () -> ()
    %run_scoped3A_140 = arith.constant 1 : i32
    "tpu.region"() ({
      %run_scoped3A_141 = tpu.sem_alloc : memref<!tpu.dma_semaphore, #tpu.memory_space<semaphore_mem>>
      %dma_start3A_142 = arith.constant 0 : i32
      %dma_start3A_143 = tpu.memref_slice %arg4[%add3A, %while3A_139#1, %run_scoped3A_140, %dma_start3A_142] : memref<32x2x2x1408xf32, #tpu.memory_space<hbm>> -> memref<1x1x1x1408xf32, #tpu.memory_space<hbm>>
      %dma_start3A_144 = tpu.memref_squeeze %dma_start3A_143 : memref<1x1x1x1408xf32, #tpu.memory_space<hbm>> -> memref<1408xf32, #tpu.memory_space<hbm>>
      %dma_start3A_145 = arith.constant 0 : i32
      %dma_start3A_146 = tpu.memref_slice %arg4[%add3A, %while3A_139#1, %run_scoped3A_140, %dma_start3A_145] : memref<32x2x2x1408xf32, #tpu.memory_space<hbm>> -> memref<1x1x1x1408xf32, #tpu.memory_space<hbm>>
      %dma_start3A_147 = tpu.memref_squeeze %dma_start3A_146 : memref<1x1x1x1408xf32, #tpu.memory_space<hbm>> -> memref<1408xf32, #tpu.memory_space<hbm>>
      tpu.enqueue_dma source(%arg9 : memref<1408xf32, #tpu.memory_space<vmem>>) target(%dma_start3A_147 : memref<1408xf32, #tpu.memory_space<hbm>>) target_semaphore(%run_scoped3A_141 : memref<!tpu.dma_semaphore, #tpu.memory_space<semaphore_mem>>)
      %dma_wait3A = arith.constant 0 : i32
      %dma_wait3A_148 = tpu.memref_slice %arg4[%add3A, %while3A_139#1, %run_scoped3A_140, %dma_wait3A] : memref<32x2x2x1408xf32, #tpu.memory_space<hbm>> -> memref<1x1x1x1408xf32, #tpu.memory_space<hbm>>
      %dma_wait3A_149 = tpu.memref_squeeze %dma_wait3A_148 : memref<1x1x1x1408xf32, #tpu.memory_space<hbm>> -> memref<1408xf32, #tpu.memory_space<hbm>>
      %dma_wait3A_150 = arith.constant 0 : i32
      %dma_wait3A_151 = tpu.memref_slice %arg4[%add3A, %while3A_139#1, %run_scoped3A_140, %dma_wait3A_150] : memref<32x2x2x1408xf32, #tpu.memory_space<hbm>> -> memref<1x1x1x1408xf32, #tpu.memory_space<hbm>>
      %dma_wait3A_152 = tpu.memref_squeeze %dma_wait3A_151 : memref<1x1x1x1408xf32, #tpu.memory_space<hbm>> -> memref<1408xf32, #tpu.memory_space<hbm>>
      tpu.wait_dma2 semaphore(%run_scoped3A_141 : memref<!tpu.dma_semaphore, #tpu.memory_space<semaphore_mem>>) src(%arg9 : memref<1408xf32, #tpu.memory_space<vmem>>) dst(%dma_wait3A_152 : memref<1408xf32, #tpu.memory_space<hbm>>)
      tpu.yield
    }) : () -> ()
    return
  }
}

</mosaic_0001>

<sc_bundles>
// kernel: _sc_call.3.cloned.1.call-start
scs
__scs_entry_jumppad:
0x0: {  	(pc) =	sbr.rel $0x88, $3  }
0x1: {  	(tag) =	ssettag $0x0;
	lr =	simm.s32 $0x1  }
0x2: {  	[smem:$0x3F9F] =	sst lr;
	_ =	strace $0xD0000000  }
0x3: {  	_ = 	snop  }
0x4: {  	_ = 	snop  }
0x5: {  	_ = 	snop  }
0x6: {  	_ = 	snop  }
0x7: {  	_ = 	snop  }
__scs_overlays_trampoline_lowered:
0x8: {  	[smem:$0x3FAE] =	sst s0  }
0x9: {  	[smem:$0x3FAF] =	sst s1  }
0xa: {  	[smem:$0x3FB0] =	sst s2  }
0xb: {  	[smem:$0x3FB1] =	sst s3  }
0xc: {  	[smem:$0x3FB2] =	sst s4  }
0xd: {  	[smem:$0x3FB3] =	sst s5  }
0xe: {  	[smem:$0x3FB4] =	sst s6  }
0xf: {  	[smem:$0x3FB5] =	sst s7  }
0x10: {  	[smem:$0x3FB6] =	sst s8  }
0x11: {  	[smem:$0x3FB7] =	sst s9;
	s0 =	simm.s32 @!p0 $0x0  }
0x12: {  	s1 =	sld [smem:$0x3F9D];
	s0 =	simm.s32 @p0 $0x1  }
0x13: {  	[smem:$0x3FB8] =	sst s0;
	s0 =	simm.s32 @!p1 $0x0  }
0x14: {  	s2 =	sld [smem:$0x3F9C];
	s0 =	simm.s32 @p1 $0x1  }
0x15: {  	[smem:$0x3FB9] =	sst s0;
	s0 =	simm.s32 @!p2 $0x0  }
0x16: {  	s3 =	sld [smem:$0x3FDB];
	s0 =	simm.s32 @p2 $0x1  }
0x17: {  	s4 =	simm.s32 $0x1BF5;
	[smem:$0x3FBB] =	sst s0  }
0x18: {  	s0 =	sld [smem:$0x3F9E];
	_ =	swait.ge [sflag:s4], $0x0  }
0x19: {  	s7 =	sld [smem:$0x3F9F]  }
0x1a: {  	s8 =	sadd.s32 $0xFFFFE003, lr  }
0x1b: {  	s9 =	sadd.s32 $0xFFFFFEF7, lr;
	s5 =	simm.s32 $0xFFFFFFFF;
	p2 =	slt.u32 s8, $0xFFFFF086  }
0x1c: {  	p1 =	slt.u32 s9, $0xF7A;
	s5 =	simm.s32 @!p2 $0x0  }
0x1d: {  	s5 =	simm.s32 @p1 $0x1;
	p0 =	seq.s32 s7, s2  }
0x1e: {  	s7 =	smul.u32 @!p0 $0xF7A, s2;
	p2 =	seq.s32 @!p0 s5, $0x0  }
0x1f: {  	s9 =	smul.u32 $0xF7A, s1;
	s8 =	simm.s32 @!p0 $0x1BF5;
	p2 =	por !p2, p0  }
0x20: {  	[sflag:s8] =	ssyncset.s32 @!p0 $0xFFFFF086;
	s6 =	sadd.s32 @!p0 s3, s7;
	s7 =	simm.s32 @!p0 $0x108  }
0x21: {  	s3 =	sadd.s32 s3, s9;
	s6 =	sadd.s32 @!p0 $0x88, s6;
	s7 =	simm.s32 @p2 $0x1082  }
0x22: {  	[simem:s7], [sflag:s8] =	dma.local @!p0 [hbm:s6], $0xF7A  }
0x23: {  	s9 =	sor.u32 $0xD0000000, s2;
	s6 =	simm.s32 $0x108;
	_ =	swait.ge @!p0 [sflag:s8], $0x0  }
0x24: {  	s3 =	sadd.s32 $0x88, s3;
	s6 =	simm.s32 @!p1 $0x1082;
	[sflag:s4] =	ssyncset.s32 $0xFFFFF086  }
0x25: {  	[simem:s6], [sflag:s4] =	dma.local [hbm:s3], $0xF7A  }
0x26: {  	[smem:$0x3F9F] =	sst s1;
	(tag) =	ssettag s2;
	_ =	strace s9  }
0x27: {  	s1 =	sld [smem:$0x3FAF]  }
0x28: {  	s2 =	sld [smem:$0x3FB0]  }
0x29: {  	s4 =	sld [smem:$0x3FB2]  }
0x2a: {  	p0 =	seq.s32 s5, $0x0;
	s5 =	sld [smem:$0x3FB3]  }
0x2b: {  	s6 =	sld [smem:$0x3FB4]  }
0x2c: {  	s7 =	sld [smem:$0x3FB5]  }
0x2d: {  	s3 =	simm.s32 $0x108;
	s8 =	sld [smem:$0x3FB6]  }
0x2e: {  	s3 =	simm.s32 @!p0 $0x1082;
	s9 =	sld [smem:$0x3FB7]  }
0x2f: {  	lr =	sadd.s32 s0, s3;
	s0 =	sld [smem:$0x3FAE]  }
0x30: {  	s3 =	sld [smem:$0x3FB1]  }
0x31: {  	[smem:$0x3FBA] =	sst s10  }
0x32: {  	s10 =	sld [smem:$0x3FB8];
	_ =	sdelay $0x3  }
0x33: {  	p0 =	seq.s32 s10, $0x1;
	s10 =	sld [smem:$0x3FBA];
	_ =	sdelay $0x3  }
0x34: {  	[smem:$0x3FBA] =	sst s10  }
0x35: {  	s10 =	sld [smem:$0x3FB9];
	_ =	sdelay $0x3  }
0x36: {  	p1 =	seq.s32 s10, $0x1;
	s10 =	sld [smem:$0x3FBA];
	_ =	sdelay $0x3  }
0x37: {  	[smem:$0x3FBA] =	sst s10  }
0x38: {  	s10 =	sld [smem:$0x3FBB]  }
0x39: {  	_ = 	snop;
	(pc) =	sbr.ind lr, $3  }
0x3a: {  	_ = 	snop  }
0x3b: {  	_ = 	snop  }
0x3c: {  	p2 =	seq.s32 s10, $0x1;
	s10 =	sld [smem:$0x3FBA]  }
0x3d: {  	_ =	shalt  }
0x3e: {  	_ =	shalt  }
0x3f: {  	_ =	shalt  }
0x40: {  	_ =	shalt  }
0x41: {  	_ =	shalt  }
0x42: {  	_ =	shalt  }
0x43: {  	_ =	shalt  }
0x44: {  	_ =	shalt  }
0x45: {  	_ =	shalt  }
0x46: {  	_ =	shalt  }
0x47: {  	_ =	shalt  }
0x48: {  	_ =	shalt  }
0x49: {  	_ =	shalt  }
0x4a: {  	_ =	shalt  }
0x4b: {  	_ =	shalt  }
0x4c: {  	_ =	shalt  }
0x4d: {  	_ =	shalt  }
0x4e: {  	_ =	shalt  }
0x4f: {  	_ =	shalt  }
0x50: {  	_ =	shalt  }
0x51: {  	_ =	shalt  }
0x52: {  	_ =	shalt  }
0x53: {  	_ =	shalt  }
0x54: {  	_ =	shalt  }
0x55: {  	_ =	shalt  }
0x56: {  	_ =	shalt  }
0x57: {  	_ =	shalt  }
0x58: {  	_ =	shalt  }
0x59: {  	_ =	shalt  }
0x5a: {  	_ =	shalt  }
0x5b: {  	_ =	shalt  }
0x5c: {  	_ =	shalt  }
0x5d: {  	_ =	shalt  }
0x5e: {  	_ =	shalt  }
0x5f: {  	_ =	shalt  }
0x60: {  	_ =	shalt  }
0x61: {  	_ =	shalt  }
0x62: {  	_ =	shalt  }
0x63: {  	_ =	shalt  }
0x64: {  	_ =	shalt  }
0x65: {  	_ =	shalt  }
0x66: {  	_ =	shalt  }
0x67: {  	_ =	shalt  }
0x68: {  	_ =	shalt  }
0x69: {  	_ =	shalt  }
0x6a: {  	_ =	shalt  }
0x6b: {  	_ =	shalt  }
0x6c: {  	_ =	shalt  }
0x6d: {  	_ =	shalt  }
0x6e: {  	_ =	shalt  }
0x6f: {  	_ =	shalt  }
0x70: {  	_ =	shalt  }
0x71: {  	_ =	shalt  }
0x72: {  	_ =	shalt  }
0x73: {  	_ =	shalt  }
0x74: {  	_ =	shalt  }
0x75: {  	_ =	shalt  }
0x76: {  	_ =	shalt  }
0x77: {  	_ =	shalt  }
0x78: {  	_ =	shalt  }
0x79: {  	_ =	shalt  }
0x7a: {  	_ =	shalt  }
0x7b: {  	_ =	shalt  }
0x7c: {  	_ =	shalt  }
0x7d: {  	_ =	shalt  }
0x7e: {  	_ =	shalt  }
0x7f: {  	_ =	shalt  }
0x80: {  	_ =	shalt  }
0x81: {  	_ =	shalt  }
0x82: {  	_ =	shalt  }
0x83: {  	_ =	shalt  }
0x84: {  	_ =	shalt  }
0x85: {  	_ =	shalt  }
0x86: {  	_ =	shalt  }
0x87: {  	_ =	shalt  }
.Lfunc_end0:
.L_simem_size_0:
called_computation_lowered:
.L_overlay_start_0:
0x88: {  	s2 =	sld [smem:$0x3FD9]  }
0x89: {  	s3 =	sld [smem:$0x3FFE];
	_ =	sdelay $0x1  }
0x8a: {  	s1 =	srdreg.scid  }
0x8b: {  	s0 =	sand.u32 $0x1, s1  }
0x8c: {  	s17 =	sshll.u32 s0, $0xA;
	s2 =	sadd.s32 s3, s2  }
0x8d: {  	s2 =	sadd.s32 s2, s17  }
0x8e: {  	[smem:$0x3FC6] =	sst s2  }
0x8f: {  	_ = 	snop  }
0x90: {  	s2 =	sld [smem:$0x3FD0];
	(tm) =	ssettm $0x1  }
0x91: {  	s18 =	sld [smem:$0x3FFB];
	_ =	sdelay $0x3  }
0x92: {  	_ =	strace s18  }
0x93: {  	s3 =	sld [smem:$0x3FFC];
	_ =	sdelay $0x3  }
0x94: {  	_ =	strace s3  }
0x95: {  	s3 =	sld [smem:$0x3FFD];
	_ =	sdelay $0x3  }
0x96: {  	_ =	strace s3  }
0x97: {  	_ =	strace $0x8FFFFFFF  }
0x98: {  	s19 =	sld [smem:$0x3FDB];
	_ =	sdelay $0x1  }
0x99: {  	s4 =	simm.s32 $_scs_section_size  }
0x9a: {  	s5 =	simm.s32 $_size__tile_overlayer_lowered;
	s6 =	simm.s32 $_tile_overlayer_lowered  }
0x9b: {  	s22 =	simm.s32 $0x1BFF;
	s21 =	sshll.u32 s6, $0x1;
	s3 =	sadd.s32 s4, s19  }
0x9c: {  	s7 =	simm.s32 $0x0;
	s20 =	sshll.u32 s5, $0x1;
	s5 =	sadd.s32 s21, s3  }
0x9d: {  	[timem:s7], [sflag:s22] =	dma.local [hbm:s5], s20  }
0x9e: {  	_ =	swait.ge [sflag:s22], s20  }
0x9f: {  	s4 =	ssub.s32 $0x0, s20;
	[sflag:s22] =	ssyncset.done $0x0  }
0xa0: {  	[sflag:s22] =	ssyncadd.s32 s4;
	_ =	sdelay $0x1  }
0xa1: {  	s23 =	simm.s32 $0x1B8B  }
0xa2: {  	_ =	swait.ge [sflag:s23], $0x1  }
0xa3: {  	[sflag:s23] =	ssyncset.done $0x0  }
0xa4: {  	s25 =	simm.s32 $0x1B8E;
	s24 =	sld [smem:$0x3FFE];
	[sflag:s23] =	ssyncadd.s32 $0xFFFFFFFF  }
0xa5: {  	s26 =	simm.s32 $execute0_lowered;
	[smem:$0x3FD2] =	sst s25  }
0xa6: {  	s5 =	sshll.u32 s26, $0x1;
	_ =	strace $0x80000046;
	[dreg:$0x1] =	wrdreg $0xFFFFFFFF  }
0xa7: {  	s28 =	simm.s32 $_size_execute0_lowered;
	s3 =	sadd.s32 s3, s5;
	[dreg:$0x0] =	wrdreg $0x0  }
0xa8: {  	s5 =	sshll.u32 s28, $0x1;
	[dreg:$0x2] =	wrdreg s3  }
0xa9: {  	[dreg:$0x3] =	wrdreg s5  }
0xaa: {  	[dreg:$0x4] =	wrdreg $0xC0  }
0xab: {  	_ =	task [dreg:s7], $0x5FFFF  }
0xac: {  	[dreg:$0x1] =	wrdreg $0xFFFFFFFF  }
0xad: {  	[dreg:$0x0] =	wrdreg $0x60  }
0xae: {  	[dreg:$0x2] =	wrdreg s24  }
0xaf: {  	[dreg:$0x3] =	wrdreg s2  }
0xb0: {  	[dreg:$0x4] =	wrdreg $0x9  }
0xb1: {  	_ =	task.clear_ibuf [dreg:s7], $0x5FFFF;
	_ =	strace $0x90000046  }
0xb2: {  	s29 =	simm.s32 $0x9;
	_ =	strace $0x80000048  }
0xb3: {  	_ =	swait.ge [sflag:s29], $0x1  }
0xb4: {  	[sflag:s29] =	ssyncadd.s32 $0xFFFFFFFF  }
0xb5: {  	_ =	strace $0x90000048  }
0xb6: {  	_ =	sfence  }
0xb7: {  	s30 =	sld [smem:$0x0];
	_ =	sdelay $0x2  }
0xb8: {  	s31 =	sshll.u32 s1, $0xD;
	s1 =	sshrl.u32 s1, $0x2  }
0xb9: {  	s3 =	sand.u32 $0x4000, s31;
	s1 =	sadd.s32 s1, s30  }
0xba: {  	s0 =	sor.u32 s3, s0;
	s1 =	sshll.u32 s1, $0x11  }
0xbb: {  	s0 =	sor.u32 s1, s0  }
0xbc: {  	s0 =	sadd.s32 $0x8F2B, s0  }
0xbd: {  	[sflag:s0] =	ssyncadd.remote.s32 $0x1  }
0xbe: {  	_ =	sfence.sel $0xFFFF  }
0xbf: {  	[dreg:$0x0] =	wrdreg $0xFFFFFFFF;
	(pc) =	sbr.abs _section_cstart, $3  }
0xc0: {  	[dreg:$0x1] =	wrdreg $0xFFFFFFFF  }
0xc1: {  	_ =	task.clear_ibuf [dreg:s7], $0x2FFFF;
	_ =	strace $0x9FFFFFFF  }
0xc2: {  	(tm) =	ssettm $0x7FFFFFFF  }
0xc3: {  	_ =	shalt  }
tec
execute0_lowered:
.L_overlay_start_1:
0x0: {  	(tag) =	ssettag $0x1  }
0x1: {  	s1 =	srdreg.scid;
	s0 =	stileid.u32  }
0x2: {  	s5 =	sand.u32 $0x1, s1;
	s19 =	sshll.u32 s0, $0x1  }
0x3: {  	s13 =	sor.u32 s5, s19  }
0x4: {  	s2 =	smul.u32 $0x13, s13;
	s1 =	smax.u32 s13, $0x18  }
0x5: {  	s3 =	sadd.s32 $0xFFFFFFE8, s1  }
0x6: {  	s1 =	ssub.s32 s2, s3  }
0x7: {  	s4 =	smul.u32 $0x147B, s1;
	_ =	sdelay $0x1  }
0x8: {  	s6 =	sshrl.u32 s4, $0x1F;
	s4 =	sshra.s32 s4, $0x11  }
0x9: {  	s4 =	sadd.s32 s6, s4  }
0xa: {  	s6 =	smul.u32 $0x19, s4  }
0xb: {  	s8 =	rddreg [dreg:$0x0];
	p0 =	sne.s32 s2, s3;
	s2 =	simm.s32 $0x1  }
0xc: {  	s20 =	sshra.s32 s1, $0x1F;
	s2 =	simm.s32 @!p0 $0x0;
	s6 =	ssub.s32 s1, s6  }
0xd: {  	s16 =	simm.s32 $0x15E0;
	s2 =	sor.u32 s2, s20;
	s21 =	sand.u32 $0xFFFF, s6  }
0xe: {  	s17 =	simm.s32 $0x20D0;
	p4 =	sne.s32 s2, $0x1;
	p1 =	sne.s32 s21, $0x0  }
0xf: {  	s18 =	simm.s32 $0x5780;
	s24 =	ssub.s32 $0x2, s5;
	p0 =	por !p1, !p4  }
0x10: {  	s5 =	sadd.s32 $0x400, s8;
	s2 =	simm.s32 $0x1;
	p0 =	por !p0, !p0  }
0x11: {  	s19 =	simm.s32 $0x3;
	s28 =	sshrl.u32 s24, $0x1;
	s2 =	simm.s32 @!p0 $0x0  }
0x12: {  	s13 =	smul.u32 $0x1600, s13;
	s14 =	ssub.s32 s24, s28;
	s7 =	ssub.s32 s4, s2  }
0x13: {  	s3 =	rddreg [dreg:$0x1];
	s6 =	sshll.u32 s6, $0x10;
	s2 =	smul.u32 $0xFFFFFFAB, s7  }
0x14: {  	s14 =	smax.u32 s14, $0x1;
	s20 =	simm.s32 $0x2;
	s6 =	sshra.s32 s6, $0x10  }
0x15: {  	s21 =	simm.s32 $0x57A0;
	s4 =	sshll.u32 s7, $0x18;
	s2 =	sadd.s32 $0x2A, s2  }
0x16: {  	p1 =	slt.s32 s6, $0x0;
	s4 =	sshra.s32 s4, $0x18;
	s9 =	sand.u32 $0xFE, s2  }
0x17: {  	s10 =	smul.u32 $0x2B, s4;
	s11 =	sshll.u32 s2, $0x7;
	s9 =	sshrl.u32 s9, $0x1  }
0x18: {  	p5 =	slt.s32 s7, $0x1;
	s4 =	simm.s32 $0x0;
	s9 =	sor.u32 s11, s9  }
0x19: {  	[smem:$0x7FF] =	sst s4;
	s22 =	sshrl.u32 s10, $0x1F;
	s9 =	sand.u32 $0xFF, s9  }
0x1a: {  	s10 =	sshrl.u32 s10, $0x8;
	_ =	strace $0x80000047;
	p6 =	sgt.u32 s9, $0x2A  }
0x1b: {  	s23 =	sadd.s32 s22, s10;
	s10 =	sadd.s32 $0x19, s6;
	p0 =	por !p5, !p6  }
0x1c: {  	s7 =	sshll.u32 s23, $0x18;
	s9 =	simm.s32 $0x1;
	p0 =	por !p0, !p0  }
0x1d: {  	s6 =	smov.u32 @p1 s10;
	s7 =	sshra.s32 s7, $0x18;
	s9 =	simm.s32 @!p0 $0x0  }
0x1e: {  	s22 =	simm.s32 $0x5D20;
	s26 =	smul.u32 $0xAF0, s6;
	s25 =	ssub.s32 s7, s9  }
0x1f: {  	s23 =	simm.s32 $0x0;
	s6 =	sadd.s32 $0x22800, s8;
	s29 =	smul.u32 $0x445C0, s25  }
0x20: {  	v0 =	vimm.f32 $NaN;
	v1 =	vimm.s32 $0x0;
	s8 =	simm.s32 $0x1;
	p0 =	slt.u32 s0, $0xC;
	s7 =	simm.s32 $0x13  }
.Ltmp0:
0x21: {  	v2 =	vimm.s32 $0x1;
	v3 =	vimm.s32 $0x2;
	v4 =	vimm.s32 $0x3;
	s7 =	simm.s32 @!p0 $0x12;
	s30 =	sadd.s32 s26, s29;
	(pc) =	sbr.rel .LBB2_1-.Ltmp0, $4  }
0x22: {  	v5 =	vimm.s32 $0x4;
	v6 =	vimm.s32 $0x5;
	v7 =	vimm.s32 $0x6;
	s9 =	sshrl.u32 s30, $0x3;
	s11 =	sadd.s32 $0x11170, s30;
	s12 =	sadd.s32 $0x222E0, s30  }
0x23: {  	v8 =	vimm.s32 $0x7;
	v9 =	vimm.s32 $0x8;
	v10 =	vimm.s32 $0x9;
	s15 =	sadd.s32 $0x33450, s30;
	s9 =	sadd.s32 s5, s9;
	s11 =	sshrl.u32 s11, $0x3  }
0x24: {  	v11 =	vimm.s32 $0xA;
	v12 =	vimm.s32 $0xB;
	v13 =	vimm.s32 $0xC;
	s12 =	sshrl.u32 s12, $0x3;
	s31 =	sshrl.u32 s15, $0x3;
	s15 =	simm.s32 $0xAF0  }
0x25: {  	v14 =	vimm.s32 $0xD;
	v15 =	vimm.s32 $0xE;
	v16 =	vimm.s32 $0xF;
	s10 =	sadd.s32 s5, s11;
	s11 =	sadd.s32 s5, s12;
	s12 =	sadd.s32 s5, s31  }
.LBB2_14:
0x26: {  	s0 =	smul.u32 $0xB00, s24;
	_ =	sdelay $0x1  }
0x27: {  	s0 =	sadd.s32 s13, s0  }
0x28: {  	s2 =	sshrl.u32 s0, $0x3  }
0x29: {  	s2 =	sadd.s32 s6, s2  }
0x2a: {  	[hbm4b:s2+s4] =	stream.linear.scatter [tilespmem:s21], [sflag:$0x3], $0x580, $0x38;
	[tilespmem:$0x62A0] =	vst v63  }
0x2b: {  	s23 =	sadd.s32 $0x1, s23;
	s0 =	sadd.s32 $0x580, s0;
	_ =	swait.ge [sflag:s19], $0x580  }
0x2c: {  	p0 =	sne.s32 s23, s14;
	s0 =	sshrl.u32 s0, $0x3;
	[sflag:s19] =	ssyncset.done $0x0  }
.Ltmp1:
0x2d: {  	s0 =	sadd.s32 s6, s0;
	[sflag:s19] =	ssyncadd.s32 $0xFFFFFA80;
	(pc) =	sbr.rel @!p0 .LBB2_15-.Ltmp1, $4  }
0x2e: {  	[hbm4b:s0+s4] =	stream.linear.scatter [tilespmem:s22], [sflag:$0x3], $0x580, $0x38;
	[tilespmem:$0x62A0] =	vst v63  }
0x2f: {  	_ =	swait.ge [sflag:s19], $0x580  }
0x30: {  	[sflag:s19] =	ssyncset.done $0x0  }
0x31: {  	[sflag:s19] =	ssyncadd.s32 $0xFFFFFA80  }
.LBB2_1:
0x32: {  	[tilespmem:s4], [sflag:$0x1] =	stream.linear.gather [hbm4b:s9+s4], $0xAF0, $0x38;
	[tilespmem:$0x62A0] =	vst v63  }
0x33: {  	_ = 	snop  }
0x34: {  	[tilespmem:s15], [sflag:$0x1] =	stream.linear.gather [hbm4b:s10+s4], $0xAF0, $0x38;
	[tilespmem:$0x62A0] =	vst v63  }
.Ltmp2:
0x35: {  	_ = 	snop;
	(pc) =	sbr.rel .LBB2_2-.Ltmp2, $4  }
0x36: {  	_ = 	snop  }
0x37: {  	[tilespmem:s16], [sflag:$0x1] =	stream.linear.gather [hbm4b:s11+s4], $0xAF0, $0x38;
	[tilespmem:$0x62A0] =	vst v63  }
0x38: {  	s25 =	simm.s32 $0xFFFFFFFF;
	s24 =	simm.s32 $0x0;
	s28 =	simm.s32 $0x0  }
0x39: {  	[tilespmem:s17], [sflag:$0x1] =	stream.linear.gather [hbm4b:s12+s4], $0xAF0, $0x38;
	[tilespmem:$0x62A0] =	vst v63  }
.LBB2_9:
0x3a: {  	v43 =	vmul.f32 v48, v43;
	v44 =	vmul.f32 v48, v44  }
0x3b: {  	v45 =	vmul.f32 v48, v45;
	v40 =	vmul.f32 v47, v40  }
0x3c: {  	v41 =	vmul.f32 v47, v41;
	v35 =	vmul.f32 v46, v35  }
0x3d: {  	v42 =	vmul.f32 v47, v42;
	v34 =	vmul.f32 v46, v34  }
0x3e: {  	v37 =	vmul.f32 v46, v37;
	v36 =	vadd.f32 v43, v36;
	v38 =	vadd.f32 v44, v38  }
0x3f: {  	v35 =	vadd.f32 v40, v35;
	v39 =	vadd.f32 v45, v39  }
0x40: {  	v34 =	vadd.f32 v41, v34;
	v37 =	vadd.f32 v42, v37  }
0x41: {  	v35 =	vadd.f32 v36, v35  }
0x42: {  	v34 =	vadd.f32 v38, v34;
	v55 =	vadd.f32 v39, v37  }
0x43: {  	v56 =	vshrl.u32 v35, $0x10  }
0x44: {  	v38 =	vshrl.u32 v34, $0x10;
	v39 =	vshrl.u32 v55, $0x10;
	v37 =	vand.u32 $0x1, v56  }
0x45: {  	v57 =	vand.u32 $0x1, v38;
	v58 =	vand.u32 $0x1, v39;
	v35 =	vadd.s32 v37, v35  }
0x46: {  	v34 =	vadd.s32 v57, v34;
	v36 =	vadd.s32 v58, v55;
	v35 =	vadd.s32 $0x7FFF, v35  }
0x47: {  	v34 =	vadd.s32 $0x7FFF, v34;
	v36 =	vadd.s32 $0x7FFF, v36;
	v35 =	vand.u32 $0xFFFF0000, v35  }
0x48: {  	v34 =	vand.u32 $0xFFFF0000, v34;
	v36 =	vand.u32 $0xFFFF0000, v36;
	v30 =	vmul.f32 v35, v30  }
0x49: {  	v33 =	vmul.f32 v34, v33;
	v32 =	vmul.f32 v36, v32;
	_ =	sdelay $0x1  }
0x4a: {  	v30 =	vadd.f32 v33, v30;
	v31 =	vadd.f32 v32, v31;
	_ =	sdelay $0x1  }
0x4b: {  	v30 =	vadd.f32 v31, v30;
	_ =	sdelay $0x1  }
0x4c: {  	v31 =	vmax.f32 v30, $9.999999970e-07  }
0x4d: {  	(erf) = vrcp.f32 v31;
	_ =	sdelay $0x2  }
0x4e: {  	v28 =	vmul.f32 v35, v28  }
0x4f: {  	v29 =	vmul.f32 v34, v29;
	v27 =	vmul.f32 v36, v27  }
0x50: {  	v24 =	vmul.f32 v35, v24;
	v25 =	vmul.f32 v34, v25  }
0x51: {  	v23 =	vmul.f32 v36, v23;
	v28 =	vadd.f32 v29, v28;
	v26 =	vadd.f32 v27, v26  }
0x52: {  	v24 =	vadd.f32 v25, v24  }
0x53: {  	v19 =	vadd.f32 v23, v19;
	v59 =	vadd.f32 v26, v28  }
0x54: {  	v60 =	vpop (erf)  }
0x55: {  	v19 =	vadd.f32 v19, v24;
	v23 =	vmul.f32 v60, v59;
	_ =	sdelay $0x1  }
0x56: {  	v19 =	vmul.f32 v60, v19;
	v61 =	vmax.f32 v23, $0.0e+00  }
0x57: {  	v21 =	vmul.f32 v35, v21;
	v22 =	vmul.f32 v34, v22;
	v24 =	vmin.f32 v61, $2.700000000e+01  }
0x58: {  	v20 =	vmul.f32 v36, v20;
	v25 =	vmax.f32 v19, $0.0e+00;
	v24 =	vtrunc.f32 v24  }
0x59: {  	v25 =	vmin.f32 v25, $4.900000000e+01;
	v24 =	vcvt.f32.s32 v24  }
0x5a: {  	v21 =	vadd.f32 v22, v21;
	v18 =	vadd.f32 v20, v18;
	v62 =	vtrunc.f32 v25  }
0x5b: {  	v63 =	vld [tilespmem:s28+$0x20D0];
	v20 =	vcvt.f32.s32 v62;
	v24 =	vmul.u32 $0x32, v24  }
0x5c: {  	v18 =	vadd.f32 v18, v21;
	vm0 =	vgt.f32 v19, $-5.000000000e-01;
	vm1 =	vgt.f32 v23, $-5.000000000e-01  }
0x5d: {  	vm2 =	vlt.f32 v19, $4.950000000e+01;
	vm0 =	vmand vm0, vm1;
	v19 =	vadd.s32 v20, v24  }
0x5e: {  	vm14 =	vlt.f32 v23, $2.750000000e+01;
	vm0 =	vmand vm0, vm2  }
0x5f: {  	vm15 =	vgt.f32 v18, $0.0e+00;
	v18 =	vmax.f32 v30, $0.0e+00;
	vm0 =	vmand vm14, vm0  }
0x60: {  	v17 =	vmin.f32 v18, v17;
	v18 =	vmax.f32 v63, $0.0e+00;
	vm0 =	vmand vm15, vm0  }
0x61: {  	v18 =	vmin.f32 v18, $2.550000000e+02;
	v17 =	vnsel vm0, $0x0, v17  }
0x62: {  	v18 =	vnsel vm0, $0x0, v18;
	[tilespmem:v19+s21+$0x0] =	vst.idx.msk $0xffff, v17  }
0x63: {  	[tilespmem:v19+s22+$0x0] =	vst.idx.msk $0xffff, v18  }
.LBB2_13:
0x64: {  	s0 =	simm.s32 $0x1  }
0x65: {  	s0 =	simm.s32 @!p0 $0x0;
	p0 =	sne.s32 s26, s7  }
.Ltmp3:
0x66: {  	_ = 	snop;
	(pc) =	sbr.rel @!p0 .LBB2_14-.Ltmp3, $2  }
0x67: {  	_ =	sdelay $0x2  }
0x68: {  	s28 =	smov.u32 s26;
	s24 =	sadd.s32 s0, s24  }
.LBB2_2:
0x69: {  	s26 =	sadd.s32 s1, s28  }
0x6a: {  	s29 =	smulhi.u32 $0x51EB851F, s26;
	s30 =	sshra.s32 s26, $0x1F  }
0x6b: {  	s30 =	smul.u32 $0x51EB851F, s30;
	_ =	sdelay $0x1  }
0x6c: {  	s29 =	sadd.s32 s30, s29  }
0x6d: {  	s30 =	sshrl.u32 s29, $0x1F;
	s29 =	sshra.s32 s29, $0x3  }
0x6e: {  	s29 =	sadd.s32 s30, s29  }
0x6f: {  	s30 =	smul.u32 $0xFFFFFFE7, s29  }
0x70: {  	s31 =	ssub.s32 $0x0, s26  }
0x71: {  	p0 =	slt.s32 s26, $0x1;
	p1 =	sne.s32 s30, s31  }
0x72: {  	p0 =	por !p0, !p1  }
0x73: {  	s26 =	simm.s32 $0x1;
	p0 =	por !p0, !p0  }
0x74: {  	s26 =	simm.s32 @!p0 $0x0  }
0x75: {  	s0 =	smov.u32 s25;
	s25 =	ssub.s32 s29, s26  }
0x76: {  	p6 =	sgt.s32 s0, $0xFFFFFFFF;
	p5 =	sne.s32 s25, s0  }
0x77: {  	p0 =	por !p6, !p5  }
0x78: {  	p0 =	por !p0, !p0  }
0x79: {  	s26 =	smul.u32 @p0 $0xB00, s24;
	_ =	sdelay $0x1  }
0x7a: {  	s26 =	sadd.s32 @p0 s13, s26  }
0x7b: {  	s29 =	sshrl.u32 @p0 s26, $0x3  }
0x7c: {  	s31 =	simm.s32 @p0 $0x0;
	s2 =	simm.s32 @p0 $0x57A0;
	s29 =	sadd.s32 @p0 s6, s29  }
0x7d: {  	[hbm4b:s29+s31] =	stream.linear.scatter @p0 [tilespmem:s2], [sflag:$0x3], $0x580, $0x38;
	[tilespmem:$0x62A0] =	vst v63  }
0x7e: {  	s26 =	sadd.s32 @p0 $0x580, s26;
	s2 =	simm.s32 @p0 $0x3  }
0x7f: {  	s26 =	sshrl.u32 @p0 s26, $0x3;
	_ =	swait.ge @p0 [sflag:s2], $0x580  }
0x80: {  	p1 =	seq.s32 s25, s0;
	s26 =	sadd.s32 @p0 s6, s26;
	[sflag:s2] =	ssyncset.done @p0 $0x0  }
.Ltmp4:
0x81: {  	s29 =	simm.s32 @p0 $0x5D20;
	[sflag:s2] =	ssyncadd.s32 @p0 $0xFFFFFA80;
	(pc) =	sbr.rel @p1 .LBB2_6-.Ltmp4, $4  }
0x82: {  	[hbm4b:s26+s31] =	stream.linear.scatter @p0 [tilespmem:s29], [sflag:$0x3], $0x580, $0x38;
	[tilespmem:$0x62A0] =	vst v63  }
0x83: {  	_ =	swait.ge @p0 [sflag:s2], $0x580  }
0x84: {  	[sflag:s2] =	ssyncset.done @p0 $0x0  }
0x85: {  	[sflag:s2] =	ssyncadd.s32 @p0 $0xFFFFFA80  }
0x86: {  	s26 =	simm.s32 $0x40;
	s29 =	simm.s32 $0x0  }
.LBB2_4:
0x87: {  	p1 =	sne.s32 s26, $0x15C0;
	[tilespmem:s29+$0x57A0] =	vst v0;
	s2 =	smov.u32 s26;
	s26 =	sadd.s32 $0x40, s26  }
.Ltmp5:
0x88: {  	[tilespmem:s29+$0x5D20] =	vst v0;
	(pc) =	sbr.rel @p1 .LBB2_4-.Ltmp5, $2  }
0x89: {  	_ =	sdelay $0x2  }
0x8a: {  	s29 =	sshra.s32 s2, $0x2  }
0x8b: {  	s2 =	sshll.u32 s25, $0x2  }
0x8c: {  	[tilespmem:s29+$0x57A0] =	vst v0;
	s2 =	sand.u32 $0x1FFFFFFC, s2  }
0x8d: {  	[tilespmem:s29+$0x5D20] =	vst v0;
	s2 =	sadd.s32 s3, s2  }
0x8e: {  	[tilespmem:s18], [sflag:$0x3] =	stream.linear.gather [hbm4b:s2+s4], $0x20, $0x38;
	[tilespmem:$0x62A0] =	vst v63  }
0x8f: {  	_ =	swait.ge [sflag:s19], $0x20  }
0x90: {  	[sflag:s19] =	ssyncset.done $0x0  }
0x91: {  	[sflag:s19] =	ssyncadd.s32 $0xFFFFFFE0  }
.LBB2_6:
0x92: {  	s26 =	sadd.s32 $0x1, s28  }
0x93: {  	s2 =	sadd.s32 s1, s26  }
0x94: {  	s29 =	smulhi.u32 $0x51EB851F, s2;
	s30 =	sshra.s32 s2, $0x1F  }
0x95: {  	s30 =	smul.u32 $0x51EB851F, s30;
	_ =	sdelay $0x1  }
0x96: {  	s29 =	sadd.s32 s30, s29  }
0x97: {  	s30 =	sshrl.u32 s29, $0x1F;
	s29 =	sshra.s32 s29, $0x3  }
0x98: {  	s29 =	sadd.s32 s30, s29  }
0x99: {  	s30 =	smul.u32 $0xFFFFFFE7, s29;
	_ =	sdelay $0x1  }
0x9a: {  	s30 =	sadd.s32 s2, s30  }
0x9b: {  	v17 =	vld [tilespmem:$0x5780];
	p1 =	slt.s32 s2, $0x1;
	p2 =	sne.s32 s30, $0x0  }
0x9c: {  	p1 =	por !p1, !p2  }
0x9d: {  	s2 =	simm.s32 $0x1;
	p1 =	por !p1, !p1  }
0x9e: {  	s2 =	simm.s32 @!p1 $0x0  }
0x9f: {  	s2 =	ssub.s32 s29, s2  }
0xa0: {  	v35 =	vperm.xlane v17, v1;
	s29 =	smulhi.u32 $0x2AAAAAAB, s2;
	s31 =	sshra.s32 s2, $0x1F  }
0xa1: {  	v40 =	vperm.xlane v17, v2;
	v43 =	vperm.xlane v17, v3;
	s31 =	smul.u32 $0x2AAAAAAB, s31  }
0xa2: {  	v36 =	vperm.xlane v17, v4;
	v34 =	vperm.xlane v17, v5  }
0xa3: {  	v46 =	vld [tilespmem:$0x5790];
	v41 =	vperm.xlane v17, v6;
	v44 =	vperm.xlane v17, v7;
	s29 =	sadd.s32 s31, s29  }
0xa4: {  	v38 =	vperm.xlane v17, v8;
	v37 =	vperm.xlane v17, v9;
	s31 =	sshrl.u32 s29, $0x1F  }
0xa5: {  	v42 =	vperm.xlane v17, v10;
	v45 =	vperm.xlane v17, v11;
	s29 =	sadd.s32 s31, s29  }
0xa6: {  	v39 =	vperm.xlane v17, v12;
	v24 =	vperm.xlane v17, v13;
	s31 =	smul.u32 $0xFFFFFFFA, s29  }
0xa7: {  	v25 =	vperm.xlane v17, v14;
	v23 =	vperm.xlane v17, v15;
	s0 =	ssub.s32 $0x0, s2  }
0xa8: {  	v19 =	vperm.xlane v17, v16;
	v28 =	vperm.xlane v46, v1;
	p5 =	slt.s32 s2, $0x1;
	p6 =	sne.s32 s31, s0;
	s31 =	sand.u32 $0x1, s28  }
0xa9: {  	v29 =	vperm.xlane v46, v2;
	v27 =	vperm.xlane v46, v3;
	p1 =	por !p5, !p6;
	p2 =	seq.s32 s31, $0x1  }
.Ltmp6:
0xaa: {  	v26 =	vperm.xlane v46, v4;
	v30 =	vperm.xlane v46, v5;
	s0 =	simm.s32 $0x1;
	p1 =	por !p1, !p1;
	(pc) =	sbr.rel @!p2 .LBB2_7-.Ltmp6, $4  }
0xab: {  	v33 =	vperm.xlane v46, v6;
	v32 =	vperm.xlane v46, v7;
	s2 =	sadd.s32 $0x19, s30;
	s0 =	simm.s32 @!p1 $0x0;
	p1 =	slt.s32 s30, $0x0  }
0xac: {  	v31 =	vperm.xlane v46, v8;
	v21 =	vperm.xlane v46, v9;
	s30 =	smov.u32 @p1 s2  }
0xad: {  	v22 =	vperm.xlane v46, v10;
	v20 =	vperm.xlane v46, v11;
	s0 =	ssub.s32 s29, s0;
	p1 =	sge.u32 s26, s7;
	s28 =	smul.u32 $0xAF0, s30  }
0xae: {  	v18 =	vperm.xlane v46, v12;
	v17 =	vperm.xlane v46, v13;
	s29 =	smul.u32 @!p1 $0x445C0, s0  }
0xaf: {  	_ =	swait.ge [sflag:s20], $0xAF0  }
0xb0: {  	[sflag:s20] =	ssyncset.done $0x0  }
0xb1: {  	[sflag:s20] =	ssyncadd.s32 $0xFFFFF510  }
0xb2: {  	_ =	swait.ge [sflag:s20], $0xAF0  }
0xb3: {  	[sflag:s20] =	ssyncset.done $0x0  }
0xb4: {  	[sflag:s20] =	ssyncadd.s32 $0xFFFFF510  }
0xb5: {  	_ =	swait.ge [sflag:s20], $0xAF0  }
0xb6: {  	[sflag:s20] =	ssyncset.done $0x0  }
0xb7: {  	[sflag:s20] =	ssyncadd.s32 $0xFFFFF510  }
0xb8: {  	s0 =	sadd.s32 @!p1 s28, s29;
	_ =	swait.ge [sflag:s20], $0xAF0  }
0xb9: {  	s2 =	sshrl.u32 @!p1 s0, $0x3;
	[sflag:s20] =	ssyncset.done $0x0  }
0xba: {  	s28 =	simm.s32 @!p1 $0x0;
	s2 =	sadd.s32 @!p1 s5, s2;
	[sflag:s20] =	ssyncadd.s32 $0xFFFFF510  }
0xbb: {  	[tilespmem:s28], [sflag:$0x1] =	stream.linear.gather @!p1 [hbm4b:s2+s28], $0xAF0, $0x38;
	[tilespmem:$0x62A0] =	vst v63  }
0xbc: {  	s2 =	sadd.s32 @!p1 $0x11170, s0  }
0xbd: {  	s2 =	sshrl.u32 @!p1 s2, $0x3  }
0xbe: {  	s29 =	simm.s32 @!p1 $0xAF0;
	s2 =	sadd.s32 @!p1 s5, s2  }
0xbf: {  	[tilespmem:s29], [sflag:$0x1] =	stream.linear.gather @!p1 [hbm4b:s2+s28], $0xAF0, $0x38;
	[tilespmem:$0x62A0] =	vst v63  }
0xc0: {  	s2 =	sadd.s32 @!p1 $0x222E0, s0  }
0xc1: {  	s0 =	sadd.s32 @!p1 $0x33450, s0;
	s2 =	sshrl.u32 @!p1 s2, $0x3  }
0xc2: {  	s29 =	simm.s32 @!p1 $0x15E0;
	s0 =	sshrl.u32 @!p1 s0, $0x3;
	s2 =	sadd.s32 @!p1 s5, s2  }
0xc3: {  	[tilespmem:s29], [sflag:$0x1] =	stream.linear.gather @!p1 [hbm4b:s2+s28], $0xAF0, $0x38;
	[tilespmem:$0x62A0] =	vst v63  }
0xc4: {  	s0 =	sadd.s32 @!p1 s5, s0;
	s2 =	simm.s32 @!p1 $0x20D0  }
0xc5: {  	[tilespmem:s2], [sflag:$0x1] =	stream.linear.gather @!p1 [hbm4b:s0+s28], $0xAF0, $0x38;
	[tilespmem:$0x62A0] =	vst v63  }
0xc6: {  	s28 =	simm.s32 $0x0  }
0xc7: {  	v48 =	vld [tilespmem:s28+$0x41A0];
	_ =	sdelay $0x1  }
0xc8: {  	v47 =	vld [tilespmem:s28+$0x36B0]  }
0xc9: {  	v46 =	vld [tilespmem:s28+$0x2BC0]  }
0xca: {  	s29 =	simm.s32 $0x40  }
.LBB2_11:
0xcb: {  	p1 =	sne.s32 s29, $0x2B80;
	v49 =	vmul.f32 v48, v43  }
0xcc: {  	v50 =	vmul.f32 v48, v44;
	v48 =	vmul.f32 v48, v45  }
0xcd: {  	v51 =	vmul.f32 v47, v40;
	v52 =	vmul.f32 v47, v41  }
0xce: {  	v49 =	vadd.f32 v49, v36;
	v47 =	vmul.f32 v47, v42;
	v53 =	vmul.f32 v46, v35  }
0xcf: {  	v50 =	vadd.f32 v50, v38;
	v54 =	vmul.f32 v46, v34;
	v46 =	vmul.f32 v46, v37  }
0xd0: {  	v48 =	vadd.f32 v48, v39;
	v51 =	vadd.f32 v51, v53  }
0xd1: {  	v52 =	vadd.f32 v52, v54;
	v46 =	vadd.f32 v47, v46  }
0xd2: {  	v47 =	vadd.f32 v49, v51  }
0xd3: {  	v49 =	vadd.f32 v50, v52;
	v46 =	vadd.f32 v48, v46  }
0xd4: {  	v48 =	vshrl.u32 v47, $0x10  }
0xd5: {  	v50 =	vshrl.u32 v49, $0x10;
	v51 =	vshrl.u32 v46, $0x10;
	v48 =	vand.u32 $0x1, v48  }
0xd6: {  	v47 =	vadd.s32 v48, v47;
	v48 =	vand.u32 $0x1, v50;
	v50 =	vand.u32 $0x1, v51  }
0xd7: {  	v47 =	vadd.s32 $0x7FFF, v47;
	v48 =	vadd.s32 v48, v49;
	v46 =	vadd.s32 v50, v46  }
0xd8: {  	v47 =	vand.u32 $0xFFFF0000, v47;
	v48 =	vadd.s32 $0x7FFF, v48;
	v46 =	vadd.s32 $0x7FFF, v46  }
0xd9: {  	v48 =	vand.u32 $0xFFFF0000, v48;
	v46 =	vand.u32 $0xFFFF0000, v46;
	v49 =	vmul.f32 v47, v30  }
0xda: {  	v50 =	vmul.f32 v48, v33;
	v51 =	vmul.f32 v46, v32;
	_ =	sdelay $0x1  }
0xdb: {  	v49 =	vadd.f32 v50, v49;
	v50 =	vadd.f32 v51, v31;
	_ =	sdelay $0x1  }
0xdc: {  	v49 =	vadd.f32 v50, v49;
	_ =	sdelay $0x1  }
0xdd: {  	v50 =	vmax.f32 v49, $9.999999970e-07  }
0xde: {  	(erf) = vrcp.f32 v50;
	_ =	sdelay $0x2  }
0xdf: {  	v50 =	vmul.f32 v47, v28  }
0xe0: {  	v52 =	vmul.f32 v46, v27;
	v51 =	vmul.f32 v48, v29  }
0xe1: {  	v53 =	vmul.f32 v47, v24;
	v54 =	vmul.f32 v48, v25  }
0xe2: {  	v55 =	vmul.f32 v46, v23;
	v56 =	vadd.f32 v52, v26;
	v50 =	vadd.f32 v51, v50  }
0xe3: {  	v52 =	vadd.f32 v54, v53  }
0xe4: {  	v53 =	vadd.f32 v55, v19;
	v50 =	vadd.f32 v56, v50  }
0xe5: {  	v51 =	vpop (erf)  }
0xe6: {  	v52 =	vadd.f32 v53, v52;
	v50 =	vmul.f32 v51, v50;
	_ =	sdelay $0x1  }
0xe7: {  	v51 =	vmul.f32 v51, v52;
	v52 =	vmax.f32 v50, $0.0e+00  }
0xe8: {  	v48 =	vmul.f32 v48, v22;
	v47 =	vmul.f32 v47, v21;
	v52 =	vmin.f32 v52, $2.700000000e+01  }
0xe9: {  	v46 =	vmul.f32 v46, v20;
	v53 =	vmax.f32 v51, $0.0e+00;
	v52 =	vtrunc.f32 v52  }
0xea: {  	v53 =	vmin.f32 v53, $4.900000000e+01;
	v52 =	vcvt.f32.s32 v52  }
0xeb: {  	v46 =	vadd.f32 v46, v18;
	v47 =	vadd.f32 v48, v47;
	v48 =	vtrunc.f32 v53  }
0xec: {  	v48 =	vcvt.f32.s32 v48;
	v53 =	vld [tilespmem:s28+$0x4C90];
	v52 =	vmul.u32 $0x32, v52  }
0xed: {  	v46 =	vadd.f32 v46, v47;
	vm0 =	vgt.f32 v51, $-5.000000000e-01;
	vm1 =	vgt.f32 v50, $-5.000000000e-01  }
0xee: {  	vm2 =	vlt.f32 v51, $4.950000000e+01;
	vm0 =	vmand vm0, vm1;
	v47 =	vadd.s32 v48, v52  }
0xef: {  	vm1 =	vlt.f32 v50, $2.750000000e+01;
	vm0 =	vmand vm0, vm2  }
0xf0: {  	vm0 =	vmand vm1, vm0;
	vm1 =	vgt.f32 v46, $0.0e+00;
	v46 =	vmax.f32 v49, $0.0e+00  }
0xf1: {  	vm0 =	vmand vm1, vm0;
	v46 =	vmin.f32 v46, v17;
	v48 =	vmax.f32 v53, $0.0e+00  }
0xf2: {  	v46 =	vnsel vm0, $0x0, v46;
	v48 =	vmin.f32 v48, $2.550000000e+02  }
0xf3: {  	v48 =	vnsel vm0, $0x0, v48;
	[tilespmem:v47+s21+$0x0] =	vst.idx.msk $0xffff, v46  }
0xf4: {  	s28 =	sshra.s32 s29, $0x2;
	[tilespmem:v47+s22+$0x0] =	vst.idx.msk $0xffff, v48  }
.Ltmp7:
0xf5: {  	v48 =	vld [tilespmem:s28+$0x41A0];
	(pc) =	sbr.rel @p1 .LBB2_11-.Ltmp7, $4  }
0xf6: {  	_ = 	snop  }
0xf7: {  	v47 =	vld [tilespmem:s28+$0x36B0]  }
0xf8: {  	v46 =	vld [tilespmem:s28+$0x2BC0]  }
0xf9: {  	s29 =	sadd.s32 $0x40, s29  }
0xfa: {  	v43 =	vmul.f32 v48, v43  }
0xfb: {  	v44 =	vmul.f32 v48, v44;
	v45 =	vmul.f32 v48, v45  }
0xfc: {  	v40 =	vmul.f32 v47, v40;
	v41 =	vmul.f32 v47, v41  }
0xfd: {  	v36 =	vadd.f32 v43, v36;
	v42 =	vmul.f32 v47, v42;
	v35 =	vmul.f32 v46, v35  }
0xfe: {  	v38 =	vadd.f32 v44, v38;
	v34 =	vmul.f32 v46, v34;
	v37 =	vmul.f32 v46, v37  }
0xff: {  	v39 =	vadd.f32 v45, v39;
	v35 =	vadd.f32 v40, v35  }
0x100: {  	v34 =	vadd.f32 v41, v34;
	v37 =	vadd.f32 v42, v37  }
0x101: {  	v35 =	vadd.f32 v36, v35  }
0x102: {  	v34 =	vadd.f32 v38, v34;
	v55 =	vadd.f32 v39, v37  }
0x103: {  	v56 =	vshrl.u32 v35, $0x10  }
0x104: {  	v38 =	vshrl.u32 v34, $0x10;
	v39 =	vshrl.u32 v55, $0x10;
	v37 =	vand.u32 $0x1, v56  }
0x105: {  	v57 =	vand.u32 $0x1, v38;
	v58 =	vand.u32 $0x1, v39;
	v35 =	vadd.s32 v37, v35  }
0x106: {  	v34 =	vadd.s32 v57, v34;
	v36 =	vadd.s32 v58, v55;
	v35 =	vadd.s32 $0x7FFF, v35  }
0x107: {  	v34 =	vadd.s32 $0x7FFF, v34;
	v36 =	vadd.s32 $0x7FFF, v36;
	v35 =	vand.u32 $0xFFFF0000, v35  }
0x108: {  	v34 =	vand.u32 $0xFFFF0000, v34;
	v36 =	vand.u32 $0xFFFF0000, v36;
	v30 =	vmul.f32 v35, v30  }
0x109: {  	v33 =	vmul.f32 v34, v33;
	v32 =	vmul.f32 v36, v32;
	_ =	sdelay $0x1  }
0x10a: {  	v30 =	vadd.f32 v33, v30;
	v31 =	vadd.f32 v32, v31;
	_ =	sdelay $0x1  }
0x10b: {  	v30 =	vadd.f32 v31, v30;
	_ =	sdelay $0x1  }
0x10c: {  	v31 =	vmax.f32 v30, $9.999999970e-07  }
0x10d: {  	(erf) = vrcp.f32 v31;
	_ =	sdelay $0x2  }
0x10e: {  	v28 =	vmul.f32 v35, v28  }
0x10f: {  	v29 =	vmul.f32 v34, v29;
	v27 =	vmul.f32 v36, v27  }
0x110: {  	v24 =	vmul.f32 v35, v24;
	v25 =	vmul.f32 v34, v25  }
0x111: {  	v23 =	vmul.f32 v36, v23;
	v28 =	vadd.f32 v29, v28;
	v26 =	vadd.f32 v27, v26  }
0x112: {  	v24 =	vadd.f32 v25, v24  }
0x113: {  	v19 =	vadd.f32 v23, v19;
	v59 =	vadd.f32 v26, v28  }
0x114: {  	v60 =	vpop (erf)  }
0x115: {  	v19 =	vadd.f32 v19, v24;
	v23 =	vmul.f32 v60, v59;
	_ =	sdelay $0x1  }
0x116: {  	v19 =	vmul.f32 v60, v19;
	v61 =	vmax.f32 v23, $0.0e+00  }
0x117: {  	v21 =	vmul.f32 v35, v21;
	v22 =	vmul.f32 v34, v22;
	v24 =	vmin.f32 v61, $2.700000000e+01  }
0x118: {  	v20 =	vmul.f32 v36, v20;
	v25 =	vmax.f32 v19, $0.0e+00;
	v24 =	vtrunc.f32 v24  }
0x119: {  	v25 =	vmin.f32 v25, $4.900000000e+01;
	v24 =	vcvt.f32.s32 v24  }
0x11a: {  	v21 =	vadd.f32 v22, v21;
	v18 =	vadd.f32 v20, v18;
	v62 =	vtrunc.f32 v25  }
0x11b: {  	v63 =	vld [tilespmem:s28+$0x4C90];
	v20 =	vcvt.f32.s32 v62;
	v24 =	vmul.u32 $0x32, v24  }
0x11c: {  	v18 =	vadd.f32 v18, v21;
	vm0 =	vgt.f32 v19, $-5.000000000e-01;
	vm1 =	vgt.f32 v23, $-5.000000000e-01  }
0x11d: {  	vm2 =	vlt.f32 v19, $4.950000000e+01;
	vm0 =	vmand vm0, vm1;
	v19 =	vadd.s32 v20, v24  }
0x11e: {  	vm14 =	vlt.f32 v23, $2.750000000e+01;
	vm0 =	vmand vm0, vm2  }
.Ltmp8:
0x11f: {  	vm15 =	vgt.f32 v18, $0.0e+00;
	v18 =	vmax.f32 v30, $0.0e+00;
	vm0 =	vmand vm14, vm0;
	(pc) =	sbr.rel .LBB2_13-.Ltmp8, $4  }
0x120: {  	v17 =	vmin.f32 v18, v17;
	v18 =	vmax.f32 v63, $0.0e+00;
	vm0 =	vmand vm15, vm0  }
0x121: {  	v18 =	vmin.f32 v18, $2.550000000e+02;
	v17 =	vnsel vm0, $0x0, v17  }
0x122: {  	v18 =	vnsel vm0, $0x0, v18;
	[tilespmem:v19+s21+$0x0] =	vst.idx.msk $0xffff, v17  }
0x123: {  	[tilespmem:v19+s22+$0x0] =	vst.idx.msk $0xffff, v18  }
.LBB2_7:
0x124: {  	_ =	swait.ge [sflag:s8], $0xAF0  }
0x125: {  	[sflag:s8] =	ssyncset.done $0x0  }
0x126: {  	[sflag:s8] =	ssyncadd.s32 $0xFFFFF510  }
0x127: {  	_ =	swait.ge [sflag:s8], $0xAF0  }
0x128: {  	[sflag:s8] =	ssyncset.done $0x0  }
0x129: {  	[sflag:s8] =	ssyncadd.s32 $0xFFFFF510  }
0x12a: {  	_ =	swait.ge [sflag:s8], $0xAF0  }
0x12b: {  	[sflag:s8] =	ssyncset.done $0x0  }
0x12c: {  	[sflag:s8] =	ssyncadd.s32 $0xFFFFF510  }
0x12d: {  	s0 =	sadd.s32 @!p1 s28, s29;
	_ =	swait.ge [sflag:s8], $0xAF0  }
0x12e: {  	s28 =	simm.s32 @!p1 $0x0;
	s2 =	sshrl.u32 @!p1 s0, $0x3;
	[sflag:s8] =	ssyncset.done $0x0  }
0x12f: {  	s29 =	simm.s32 @!p1 $0x2BC0;
	s2 =	sadd.s32 @!p1 s5, s2;
	[sflag:s8] =	ssyncadd.s32 $0xFFFFF510  }
0x130: {  	[tilespmem:s29], [sflag:$0x2] =	stream.linear.gather @!p1 [hbm4b:s2+s28], $0xAF0, $0x38;
	[tilespmem:$0x62A0] =	vst v63  }
0x131: {  	s2 =	sadd.s32 @!p1 $0x11170, s0  }
0x132: {  	s2 =	sshrl.u32 @!p1 s2, $0x3  }
0x133: {  	s29 =	simm.s32 @!p1 $0x36B0;
	s2 =	sadd.s32 @!p1 s5, s2  }
0x134: {  	[tilespmem:s29], [sflag:$0x2] =	stream.linear.gather @!p1 [hbm4b:s2+s28], $0xAF0, $0x38;
	[tilespmem:$0x62A0] =	vst v63  }
0x135: {  	s2 =	sadd.s32 @!p1 $0x222E0, s0  }
0x136: {  	s0 =	sadd.s32 @!p1 $0x33450, s0;
	s2 =	sshrl.u32 @!p1 s2, $0x3  }
0x137: {  	s29 =	simm.s32 @!p1 $0x41A0;
	s0 =	sshrl.u32 @!p1 s0, $0x3;
	s2 =	sadd.s32 @!p1 s5, s2  }
0x138: {  	[tilespmem:s29], [sflag:$0x2] =	stream.linear.gather @!p1 [hbm4b:s2+s28], $0xAF0, $0x38;
	[tilespmem:$0x62A0] =	vst v63  }
0x139: {  	s0 =	sadd.s32 @!p1 s5, s0;
	s2 =	simm.s32 @!p1 $0x4C90  }
0x13a: {  	[tilespmem:s2], [sflag:$0x2] =	stream.linear.gather @!p1 [hbm4b:s0+s28], $0xAF0, $0x38;
	[tilespmem:$0x62A0] =	vst v63  }
0x13b: {  	s28 =	simm.s32 $0x0  }
0x13c: {  	v48 =	vld [tilespmem:s28+$0x15E0];
	_ =	sdelay $0x1  }
0x13d: {  	v47 =	vld [tilespmem:s28+$0xAF0]  }
0x13e: {  	v46 =	vld [tilespmem:s28+$0x0]  }
0x13f: {  	s29 =	simm.s32 $0x40  }
.LBB2_8:
0x140: {  	p1 =	seq.s32 s29, $0x2B80;
	v49 =	vmul.f32 v48, v43  }
0x141: {  	v50 =	vmul.f32 v48, v44;
	v48 =	vmul.f32 v48, v45  }
0x142: {  	v51 =	vmul.f32 v47, v40;
	v52 =	vmul.f32 v47, v41  }
0x143: {  	v53 =	vmul.f32 v46, v35;
	v47 =	vmul.f32 v47, v42;
	v49 =	vadd.f32 v49, v36  }
0x144: {  	v54 =	vmul.f32 v46, v34;
	v46 =	vmul.f32 v46, v37;
	v50 =	vadd.f32 v50, v38  }
0x145: {  	v51 =	vadd.f32 v51, v53;
	v48 =	vadd.f32 v48, v39  }
0x146: {  	v52 =	vadd.f32 v52, v54;
	v46 =	vadd.f32 v47, v46  }
0x147: {  	v47 =	vadd.f32 v49, v51  }
0x148: {  	v49 =	vadd.f32 v50, v52;
	v46 =	vadd.f32 v48, v46  }
0x149: {  	v48 =	vshrl.u32 v47, $0x10  }
0x14a: {  	v50 =	vshrl.u32 v49, $0x10;
	v51 =	vshrl.u32 v46, $0x10;
	v48 =	vand.u32 $0x1, v48  }
0x14b: {  	v47 =	vadd.s32 v48, v47;
	v48 =	vand.u32 $0x1, v50;
	v50 =	vand.u32 $0x1, v51  }
0x14c: {  	v47 =	vadd.s32 $0x7FFF, v47;
	v48 =	vadd.s32 v48, v49;
	v46 =	vadd.s32 v50, v46  }
0x14d: {  	v47 =	vand.u32 $0xFFFF0000, v47;
	v48 =	vadd.s32 $0x7FFF, v48;
	v46 =	vadd.s32 $0x7FFF, v46  }
0x14e: {  	v48 =	vand.u32 $0xFFFF0000, v48;
	v46 =	vand.u32 $0xFFFF0000, v46;
	v49 =	vmul.f32 v47, v30  }
0x14f: {  	v50 =	vmul.f32 v48, v33;
	v51 =	vmul.f32 v46, v32;
	_ =	sdelay $0x1  }
0x150: {  	v49 =	vadd.f32 v50, v49;
	v50 =	vadd.f32 v51, v31;
	_ =	sdelay $0x1  }
0x151: {  	v49 =	vadd.f32 v50, v49;
	_ =	sdelay $0x1  }
0x152: {  	v50 =	vmax.f32 v49, $9.999999970e-07  }
0x153: {  	(erf) = vrcp.f32 v50;
	_ =	sdelay $0x2  }
0x154: {  	v50 =	vmul.f32 v47, v28  }
0x155: {  	v52 =	vmul.f32 v46, v27;
	v51 =	vmul.f32 v48, v29  }
0x156: {  	v53 =	vmul.f32 v47, v24;
	v54 =	vmul.f32 v48, v25  }
0x157: {  	v55 =	vmul.f32 v46, v23;
	v56 =	vadd.f32 v52, v26;
	v50 =	vadd.f32 v51, v50  }
0x158: {  	v52 =	vadd.f32 v54, v53  }
0x159: {  	v53 =	vadd.f32 v55, v19;
	v50 =	vadd.f32 v56, v50  }
0x15a: {  	v51 =	vpop (erf)  }
0x15b: {  	v52 =	vadd.f32 v53, v52;
	v50 =	vmul.f32 v51, v50;
	_ =	sdelay $0x1  }
0x15c: {  	v51 =	vmul.f32 v51, v52;
	v52 =	vmax.f32 v50, $0.0e+00  }
0x15d: {  	v48 =	vmul.f32 v48, v22;
	v47 =	vmul.f32 v47, v21;
	v52 =	vmin.f32 v52, $2.700000000e+01  }
0x15e: {  	v46 =	vmul.f32 v46, v20;
	v53 =	vmax.f32 v51, $0.0e+00;
	v52 =	vtrunc.f32 v52  }
0x15f: {  	v53 =	vmin.f32 v53, $4.900000000e+01;
	v52 =	vcvt.f32.s32 v52  }
0x160: {  	v46 =	vadd.f32 v46, v18;
	v47 =	vadd.f32 v48, v47;
	v48 =	vtrunc.f32 v53  }
0x161: {  	v48 =	vcvt.f32.s32 v48;
	v53 =	vld [tilespmem:s28+$0x20D0];
	v52 =	vmul.u32 $0x32, v52  }
0x162: {  	v46 =	vadd.f32 v46, v47;
	vm0 =	vgt.f32 v51, $-5.000000000e-01;
	vm1 =	vgt.f32 v50, $-5.000000000e-01  }
0x163: {  	vm2 =	vlt.f32 v51, $4.950000000e+01;
	vm0 =	vmand vm0, vm1;
	v47 =	vadd.s32 v48, v52  }
0x164: {  	vm1 =	vlt.f32 v50, $2.750000000e+01;
	vm0 =	vmand vm0, vm2  }
0x165: {  	vm0 =	vmand vm1, vm0;
	vm1 =	vgt.f32 v46, $0.0e+00;
	v46 =	vmax.f32 v49, $0.0e+00  }
0x166: {  	vm0 =	vmand vm1, vm0;
	v46 =	vmin.f32 v46, v17;
	v48 =	vmax.f32 v53, $0.0e+00  }
0x167: {  	v46 =	vnsel vm0, $0x0, v46;
	v48 =	vmin.f32 v48, $2.550000000e+02  }
0x168: {  	v48 =	vnsel vm0, $0x0, v48;
	[tilespmem:v47+s21+$0x0] =	vst.idx.msk $0xffff, v46  }
0x169: {  	s28 =	sshra.s32 s29, $0x2;
	[tilespmem:v47+s22+$0x0] =	vst.idx.msk $0xffff, v48  }
.Ltmp9:
0x16a: {  	v48 =	vld [tilespmem:s28+$0x15E0];
	(pc) =	sbr.rel @!p1 .LBB2_8-.Ltmp9, $4  }
0x16b: {  	_ = 	snop  }
0x16c: {  	v47 =	vld [tilespmem:s28+$0xAF0]  }
0x16d: {  	v46 =	vld [tilespmem:s28+$0x0]  }
0x16e: {  	s29 =	sadd.s32 $0x40, s29  }
.Ltmp10:
0x16f: {  	_ = 	snop;
	(pc) =	sbr.rel .LBB2_9-.Ltmp10, $1  }
0x170: {  	_ =	sdelay $0x3  }
.LBB2_15:
0x171: {  	_ =	sfence.sel $0x180000  }
0x172: {  	[bflag:$0x0] =	sbarrier.arrive $0xFFFF  }
0x173: {  	_ =	strace $0x90000047  }
0x174: {  	s0 =	stileid.u32;
	[bflag:$0x2] =	sbarrier.arrive $0xFFFF  }
0x175: {  	p0 =	sne.s32 s0, $0x0;
	s0 =	rddreg [dreg:$0x2]  }
0x176: {  	s0 =	sadd.s32 @!p0 $0x100000, s0  }
0x177: {  	[sflag:s0] =	ssyncadd.tile.s32 @!p0 $0x1;
	_ =	shalt  }
.Lfunc_end2:
_tile_overlayer_lowered:
.L_overlay_start_2:
0x178: {  	(tag) =	ssettag $0x2  }
0x179: {  	s0 =	rddreg [dreg:$0x0];
	s2 =	stileid.u32  }
0x17a: {  	s1 =	rddreg [dreg:$0x1];
	p0 =	sne.s32 s2, $0x0  }
0x17b: {  	s3 =	rddreg [dreg:$0x2];
	[bflag:$0x3] =	sbarrier.arrive $0xFFFF;
	s2 =	simm.s32 @!p0 $0x1C03  }
0x17c: {  	[timem:s3], [sflag:s2] =	dma.local @!p0 [hbm:s0], s1  }
0x17d: {  	s0 =	simm.s32 @!p0 $0x3  }
0x17e: {  	_ =	swait.ge @!p0 [sflag:s0], s1  }
0x17f: {  	s1 =	ssub.s32 @!p0 $0x0, s1;
	[sflag:s0] =	ssyncset.done @!p0 $0x0  }
0x180: {  	[sflag:s0] =	ssyncadd.s32 @!p0 s1  }
0x181: {  	[bflag:$0x3] =	sbarrier.arrive $0xFFFF  }
0x182: {  	_ =	shalt  }

</sc_bundles>
